<compile_context>
chip_gen: v7x
topology: tpu7x:2x2x1
jax: 0.10.2.dev20260603
libtpu: 0.0.44.dev20260713+nightly
codegen_flags: <defaults>
</compile_context>

<pallas_src>
import functools
import math

import jax
import jax.numpy as jnp
from jax import lax
from jax.experimental import pallas as pl
from jax.experimental.pallas import tpu as pltpu
from jax.experimental.pallas import tpu_sc as plsc

EMBED_DIM = 64
SCALE = math.sqrt(EMBED_DIM)

NUM_CORES = 2
NUM_SUBCORES = 16
NUM_WORKERS = NUM_CORES * NUM_SUBCORES
LANES = 16

BATCH, SEQ = 4096, 200
TOTAL = BATCH * SEQ
PER_WORKER = TOTAL // NUM_WORKERS
CHUNK = 800
N_CHUNKS = PER_WORKER // CHUNK


@functools.partial(
    pl.kernel,
    out_type=jax.ShapeDtypeStruct((TOTAL, EMBED_DIM), jnp.float32),
    mesh=plsc.VectorSubcoreMesh(
        core_axis_name="c",
        subcore_axis_name="s",
        num_cores=NUM_CORES,
        num_subcores=NUM_SUBCORES,
    ),
    compiler_params=pltpu.CompilerParams(
        use_tc_tiling_on_sc=False,
        skip_device_barrier=True,
        disable_bounds_checks=True,
        disable_semaphore_checks=True,
    ),
    scratch_types=[
        pltpu.VMEM((2, CHUNK), jnp.int32),
        pltpu.VMEM((2, CHUNK, EMBED_DIM), jnp.float32),
        pltpu.SemaphoreType.DMA,
        pltpu.SemaphoreType.DMA,
        pltpu.SemaphoreType.DMA,
        pltpu.SemaphoreType.DMA,
    ],
)
def _embed_lookup(tok_hbm, table_hbm, out_hbm, idx_v, rows_v, g0, g1, o0, o1):
    wid = lax.axis_index("s") * NUM_CORES + lax.axis_index("c")
    base = wid * PER_WORKER
    gsem = (g0, g1)
    osem = (o0, o1)

    def idx_slice(g):
        return tok_hbm.at[pl.ds(base + g * CHUNK, CHUNK)]

    def out_slice(g):
        return out_hbm.at[pl.ds(base + g * CHUNK, CHUNK)]

    def start_gather(s):
        return pltpu.async_copy(table_hbm.at[idx_v.at[s]], rows_v.at[s], gsem[s])

    def wait_gather(s):
        pltpu.make_async_copy(table_hbm.at[idx_v.at[s]], rows_v.at[s], gsem[s]).wait()

    def start_out(s, g):
        return pltpu.async_copy(rows_v.at[s], out_slice(g), osem[s])

    def wait_out(s, g):
        pltpu.make_async_copy(rows_v.at[s], out_slice(g), osem[s]).wait()

    def scale_chunk(s):
        def scale_row(j, _):
            for k in range(EMBED_DIM // LANES):
                sl = pl.ds(k * LANES, LANES)
                rows_v[s, j, sl] = rows_v[s, j, sl] * SCALE
            return 0

        lax.fori_loop(0, CHUNK, scale_row, 0, unroll=4)

    def steady(g, s):
        wait_out(1 - s, g - 1)
        start_gather(1 - s)
        wait_gather(s)
        pltpu.sync_copy(idx_slice(g + 2), idx_v.at[s])
        scale_chunk(s)
        start_out(s, g)

    pltpu.sync_copy(idx_slice(0), idx_v.at[0])
    start_gather(0)
    pltpu.sync_copy(idx_slice(1), idx_v.at[1])
    start_gather(1)
    wait_gather(0)
    pltpu.sync_copy(idx_slice(2), idx_v.at[0])
    scale_chunk(0)
    start_out(0, 0)
    wait_out(0, 0)
    start_gather(0)
    wait_gather(1)
    pltpu.sync_copy(idx_slice(3), idx_v.at[1])
    scale_chunk(1)
    start_out(1, 1)

    def pair_body(p, _):
        g = 2 * p
        steady(g, 0)
        steady(g + 1, 1)
        return 0

    lax.fori_loop(1, N_CHUNKS // 2 - 1, pair_body, 0)

    gl = N_CHUNKS - 2
    wait_out(1, gl - 1)
    start_gather(1)
    wait_gather(0)
    scale_chunk(0)
    start_out(0, gl)
    wait_gather(1)
    scale_chunk(1)
    start_out(1, gl + 1)
    wait_out(0, gl)
    wait_out(1, gl + 1)


def kernel(tokens, embedding):
    flat = jnp.reshape(tokens, (TOTAL,)).astype(jnp.int32)
    out = _embed_lookup(flat, embedding)
    return jnp.reshape(out, (BATCH, SEQ, EMBED_DIM))

# --- scband reference (transcript-rebuilt; emitter-appended) ---
"""Pipeline reference for scband-token-embedding-69123203662158 (READ-ONLY COPY).

The authoritative reference and input builder live on the scoring server;
editing this copy changes nothing except your own understanding.
"""

import jax, jax.numpy as jnp
import numpy as np
import math

VOCAB = 1000000
EMBED_DIM = 64

def setup_inputs(seed: int = 0) -> dict:
    key = jax.random.key(seed)
    k_tok, k_emb = jax.random.split(key)
    tokens = jax.random.randint(k_tok, (4096, 200), 0, VOCAB, dtype=jnp.int64 if jax.config.jax_enable_x64 else jnp.int32)
    embedding = jax.random.normal(k_emb, (VOCAB, EMBED_DIM), dtype=jnp.float32)
    return {"tokens": tokens, "embedding": embedding}

def reference(tokens, embedding):
    # nn.Embedding lookup followed by scaling by sqrt(embedding_dim)
    emb = jnp.take(embedding, tokens, axis=0)
    return emb * math.sqrt(EMBED_DIM)

if __name__ == "__main__":
    import jax
    _d = setup_inputs()
    print(jax.jit(kernel)(*tuple(_d.values())))

</pallas_src>

<mosaic_0001>
#map = affine_map<(d0, d1) -> (0)>
#map1 = affine_map<(d0, d1) -> (0, 0)>
module attributes {stable_mosaic.version = 14 : i64} {
  func.func @_embed_lookup(%arg0: i32, %arg1: i32, %arg2: memref<819200xi32, #tpu.memory_space<hbm>>, %arg3: memref<1000000x64xf32, #tpu.memory_space<hbm>>, %arg4: memref<819200x64xf32, #tpu.memory_space<hbm>>, %arg5: memref<2x800xi32, #tpu.memory_space<vmem>>, %arg6: memref<2x800x64xf32, #tpu.memory_space<vmem>>, %arg7: memref<!tpu.dma_semaphore, #tpu.memory_space<semaphore_mem>>, %arg8: memref<!tpu.dma_semaphore, #tpu.memory_space<semaphore_mem>>, %arg9: memref<!tpu.dma_semaphore, #tpu.memory_space<semaphore_mem>>, %arg10: memref<!tpu.dma_semaphore, #tpu.memory_space<semaphore_mem>>) attributes {dimension_semantics = [#tpu.dimension_semantics<core_parallel>, #tpu.dimension_semantics<subcore_parallel>], iteration_bounds = array<i64: 2, 16>, scalar_prefetch = 0 : i64, scratch_operands = 6 : i64, tpu.core_type = #tpu.core_type<sc_vector_subcore>, window_params = [{transform_indices = #map}, {transform_indices = #map1}, {transform_indices = #map1}]} {
    %mul3A = arith.constant 2 : i32
    %mul3A_0 = arith.muli %arg1, %mul3A : i32
    %add3A = arith.addi %mul3A_0, %arg0 : i32
    %mul3A_1 = arith.constant 25600 : i32
    %mul3A_2 = arith.muli %add3A, %mul3A_1 : i32
    %add3A_3 = arith.constant 0 : i32
    %add3A_4 = arith.addi %mul3A_2, %add3A_3 : i32
    %run_scoped3A = arith.constant 0 : i32
    "tpu.region"() ({
      %run_scoped3A_262 = tpu.sem_alloc : memref<!tpu.dma_semaphore, #tpu.memory_space<semaphore_mem>>
      %dma_start3A_263 = arith.constant 0 : i32
      %dma_start3A_264 = tpu.memref_slice %arg5[%run_scoped3A, %dma_start3A_263] : memref<2x800xi32, #tpu.memory_space<vmem>> -> memref<1x800xi32, #tpu.memory_space<vmem>>
      %dma_start3A_265 = tpu.memref_squeeze %dma_start3A_264 : memref<1x800xi32, #tpu.memory_space<vmem>> -> memref<800xi32, #tpu.memory_space<vmem>>
      %dma_start3A_266 = tpu.memref_slice %arg2[%add3A_4] : memref<819200xi32, #tpu.memory_space<hbm>> -> memref<800xi32, #tpu.memory_space<hbm>>
      %dma_start3A_267 = arith.constant 0 : i32
      %dma_start3A_268 = tpu.memref_slice %arg5[%run_scoped3A, %dma_start3A_267] : memref<2x800xi32, #tpu.memory_space<vmem>> -> memref<1x800xi32, #tpu.memory_space<vmem>>
      %dma_start3A_269 = tpu.memref_squeeze %dma_start3A_268 : memref<1x800xi32, #tpu.memory_space<vmem>> -> memref<800xi32, #tpu.memory_space<vmem>>
      %dma_start3A_270 = tpu.memref_slice %arg2[%add3A_4] : memref<819200xi32, #tpu.memory_space<hbm>> -> memref<800xi32, #tpu.memory_space<hbm>>
      tpu.enqueue_dma source(%dma_start3A_270 : memref<800xi32, #tpu.memory_space<hbm>>) target(%dma_start3A_269 : memref<800xi32, #tpu.memory_space<vmem>>) target_semaphore(%run_scoped3A_262 : memref<!tpu.dma_semaphore, #tpu.memory_space<semaphore_mem>>)
      %dma_wait3A_271 = arith.constant 0 : i32
      %dma_wait3A_272 = tpu.memref_slice %arg5[%run_scoped3A, %dma_wait3A_271] : memref<2x800xi32, #tpu.memory_space<vmem>> -> memref<1x800xi32, #tpu.memory_space<vmem>>
      %dma_wait3A_273 = tpu.memref_squeeze %dma_wait3A_272 : memref<1x800xi32, #tpu.memory_space<vmem>> -> memref<800xi32, #tpu.memory_space<vmem>>
      %dma_wait3A_274 = tpu.memref_slice %arg2[%add3A_4] : memref<819200xi32, #tpu.memory_space<hbm>> -> memref<800xi32, #tpu.memory_space<hbm>>
      %dma_wait3A_275 = arith.constant 0 : i32
      %dma_wait3A_276 = tpu.memref_slice %arg5[%run_scoped3A, %dma_wait3A_275] : memref<2x800xi32, #tpu.memory_space<vmem>> -> memref<1x800xi32, #tpu.memory_space<vmem>>
      %dma_wait3A_277 = tpu.memref_squeeze %dma_wait3A_276 : memref<1x800xi32, #tpu.memory_space<vmem>> -> memref<800xi32, #tpu.memory_space<vmem>>
      %dma_wait3A_278 = tpu.memref_slice %arg2[%add3A_4] : memref<819200xi32, #tpu.memory_space<hbm>> -> memref<800xi32, #tpu.memory_space<hbm>>
      tpu.wait_dma2 semaphore(%run_scoped3A_262 : memref<!tpu.dma_semaphore, #tpu.memory_space<semaphore_mem>>) src(%dma_wait3A_278 : memref<800xi32, #tpu.memory_space<hbm>>) dst(%dma_wait3A_277 : memref<800xi32, #tpu.memory_space<vmem>>)
      tpu.yield
    }) : () -> ()
    %dma_start3A = arith.constant 0 : i32
    %dma_start3A_5 = arith.constant 0 : i32
    %dma_start3A_6 = arith.constant 0 : i32
    %dma_start3A_7 = arith.constant 0 : i32
    %dma_start3A_8 = tpu.memref_slice %arg6[%dma_start3A_5, %dma_start3A_6, %dma_start3A_7] : memref<2x800x64xf32, #tpu.memory_space<vmem>> -> memref<1x800x64xf32, #tpu.memory_space<vmem>>
    %dma_start3A_9 = tpu.memref_squeeze %dma_start3A_8 : memref<1x800x64xf32, #tpu.memory_space<vmem>> -> memref<800x64xf32, #tpu.memory_space<vmem>>
    %dma_start3A_10 = arith.constant 0 : i32
    %dma_start3A_11 = tpu.memref_slice %arg5[%dma_start3A, %dma_start3A_10] : memref<2x800xi32, #tpu.memory_space<vmem>> -> memref<1x800xi32, #tpu.memory_space<vmem>>
    %dma_start3A_12 = tpu.memref_squeeze %dma_start3A_11 : memref<1x800xi32, #tpu.memory_space<vmem>> -> memref<800xi32, #tpu.memory_space<vmem>>
    %dma_start3A_13 = arith.constant 0 : i32
    %dma_start3A_14 = arith.constant 0 : i32
    %dma_start3A_15 = tpu.memref_slice %arg3[%dma_start3A_13, %dma_start3A_14] : memref<1000000x64xf32, #tpu.memory_space<hbm>> -> memref<1000000x64xf32, #tpu.memory_space<hbm>>
    tpu.enqueue_indirect_dma source(%dma_start3A_15 : memref<1000000x64xf32, #tpu.memory_space<hbm>>) target(%dma_start3A_9 : memref<800x64xf32, #tpu.memory_space<vmem>>) offsets(%dma_start3A_12 : memref<800xi32, #tpu.memory_space<vmem>>) semaphore(%arg7 : memref<!tpu.dma_semaphore, #tpu.memory_space<semaphore_mem>>)
    %add3A_16 = arith.constant 800 : i32
    %add3A_17 = arith.addi %mul3A_2, %add3A_16 : i32
    %run_scoped3A_18 = arith.constant 1 : i32
    "tpu.region"() ({
      %run_scoped3A_262 = tpu.sem_alloc : memref<!tpu.dma_semaphore, #tpu.memory_space<semaphore_mem>>
      %dma_start3A_263 = arith.constant 0 : i32
      %dma_start3A_264 = tpu.memref_slice %arg5[%run_scoped3A_18, %dma_start3A_263] : memref<2x800xi32, #tpu.memory_space<vmem>> -> memref<1x800xi32, #tpu.memory_space<vmem>>
      %dma_start3A_265 = tpu.memref_squeeze %dma_start3A_264 : memref<1x800xi32, #tpu.memory_space<vmem>> -> memref<800xi32, #tpu.memory_space<vmem>>
      %dma_start3A_266 = tpu.memref_slice %arg2[%add3A_17] : memref<819200xi32, #tpu.memory_space<hbm>> -> memref<800xi32, #tpu.memory_space<hbm>>
      %dma_start3A_267 = arith.constant 0 : i32
      %dma_start3A_268 = tpu.memref_slice %arg5[%run_scoped3A_18, %dma_start3A_267] : memref<2x800xi32, #tpu.memory_space<vmem>> -> memref<1x800xi32, #tpu.memory_space<vmem>>
      %dma_start3A_269 = tpu.memref_squeeze %dma_start3A_268 : memref<1x800xi32, #tpu.memory_space<vmem>> -> memref<800xi32, #tpu.memory_space<vmem>>
      %dma_start3A_270 = tpu.memref_slice %arg2[%add3A_17] : memref<819200xi32, #tpu.memory_space<hbm>> -> memref<800xi32, #tpu.memory_space<hbm>>
      tpu.enqueue_dma source(%dma_start3A_270 : memref<800xi32, #tpu.memory_space<hbm>>) target(%dma_start3A_269 : memref<800xi32, #tpu.memory_space<vmem>>) target_semaphore(%run_scoped3A_262 : memref<!tpu.dma_semaphore, #tpu.memory_space<semaphore_mem>>)
      %dma_wait3A_271 = arith.constant 0 : i32
      %dma_wait3A_272 = tpu.memref_slice %arg5[%run_scoped3A_18, %dma_wait3A_271] : memref<2x800xi32, #tpu.memory_space<vmem>> -> memref<1x800xi32, #tpu.memory_space<vmem>>
      %dma_wait3A_273 = tpu.memref_squeeze %dma_wait3A_272 : memref<1x800xi32, #tpu.memory_space<vmem>> -> memref<800xi32, #tpu.memory_space<vmem>>
      %dma_wait3A_274 = tpu.memref_slice %arg2[%add3A_17] : memref<819200xi32, #tpu.memory_space<hbm>> -> memref<800xi32, #tpu.memory_space<hbm>>
      %dma_wait3A_275 = arith.constant 0 : i32
      %dma_wait3A_276 = tpu.memref_slice %arg5[%run_scoped3A_18, %dma_wait3A_275] : memref<2x800xi32, #tpu.memory_space<vmem>> -> memref<1x800xi32, #tpu.memory_space<vmem>>
      %dma_wait3A_277 = tpu.memref_squeeze %dma_wait3A_276 : memref<1x800xi32, #tpu.memory_space<vmem>> -> memref<800xi32, #tpu.memory_space<vmem>>
      %dma_wait3A_278 = tpu.memref_slice %arg2[%add3A_17] : memref<819200xi32, #tpu.memory_space<hbm>> -> memref<800xi32, #tpu.memory_space<hbm>>
      tpu.wait_dma2 semaphore(%run_scoped3A_262 : memref<!tpu.dma_semaphore, #tpu.memory_space<semaphore_mem>>) src(%dma_wait3A_278 : memref<800xi32, #tpu.memory_space<hbm>>) dst(%dma_wait3A_277 : memref<800xi32, #tpu.memory_space<vmem>>)
      tpu.yield
    }) : () -> ()
    %dma_start3A_19 = arith.constant 1 : i32
    %dma_start3A_20 = arith.constant 1 : i32
    %dma_start3A_21 = arith.constant 0 : i32
    %dma_start3A_22 = arith.constant 0 : i32
    %dma_start3A_23 = tpu.memref_slice %arg6[%dma_start3A_20, %dma_start3A_21, %dma_start3A_22] : memref<2x800x64xf32, #tpu.memory_space<vmem>> -> memref<1x800x64xf32, #tpu.memory_space<vmem>>
    %dma_start3A_24 = tpu.memref_squeeze %dma_start3A_23 : memref<1x800x64xf32, #tpu.memory_space<vmem>> -> memref<800x64xf32, #tpu.memory_space<vmem>>
    %dma_start3A_25 = arith.constant 0 : i32
    %dma_start3A_26 = tpu.memref_slice %arg5[%dma_start3A_19, %dma_start3A_25] : memref<2x800xi32, #tpu.memory_space<vmem>> -> memref<1x800xi32, #tpu.memory_space<vmem>>
    %dma_start3A_27 = tpu.memref_squeeze %dma_start3A_26 : memref<1x800xi32, #tpu.memory_space<vmem>> -> memref<800xi32, #tpu.memory_space<vmem>>
    %dma_start3A_28 = arith.constant 0 : i32
    %dma_start3A_29 = arith.constant 0 : i32
    %dma_start3A_30 = tpu.memref_slice %arg3[%dma_start3A_28, %dma_start3A_29] : memref<1000000x64xf32, #tpu.memory_space<hbm>> -> memref<1000000x64xf32, #tpu.memory_space<hbm>>
    tpu.enqueue_indirect_dma source(%dma_start3A_30 : memref<1000000x64xf32, #tpu.memory_space<hbm>>) target(%dma_start3A_24 : memref<800x64xf32, #tpu.memory_space<vmem>>) offsets(%dma_start3A_27 : memref<800xi32, #tpu.memory_space<vmem>>) semaphore(%arg8 : memref<!tpu.dma_semaphore, #tpu.memory_space<semaphore_mem>>)
    %dma_wait3A = arith.constant 0 : i32
    %dma_wait3A_31 = arith.constant 0 : i32
    %dma_wait3A_32 = arith.constant 0 : i32
    %dma_wait3A_33 = arith.constant 0 : i32
    %dma_wait3A_34 = tpu.memref_slice %arg6[%dma_wait3A_31, %dma_wait3A_32, %dma_wait3A_33] : memref<2x800x64xf32, #tpu.memory_space<vmem>> -> memref<1x800x64xf32, #tpu.memory_space<vmem>>
    %dma_wait3A_35 = tpu.memref_squeeze %dma_wait3A_34 : memref<1x800x64xf32, #tpu.memory_space<vmem>> -> memref<800x64xf32, #tpu.memory_space<vmem>>
    %dma_wait3A_36 = arith.constant 0 : i32
    %dma_wait3A_37 = tpu.memref_slice %arg5[%dma_wait3A, %dma_wait3A_36] : memref<2x800xi32, #tpu.memory_space<vmem>> -> memref<1x800xi32, #tpu.memory_space<vmem>>
    %dma_wait3A_38 = tpu.memref_squeeze %dma_wait3A_37 : memref<1x800xi32, #tpu.memory_space<vmem>> -> memref<800xi32, #tpu.memory_space<vmem>>
    %dma_wait3A_39 = arith.constant 0 : i32
    %dma_wait3A_40 = arith.constant 0 : i32
    %dma_wait3A_41 = tpu.memref_slice %arg3[%dma_wait3A_39, %dma_wait3A_40] : memref<1000000x64xf32, #tpu.memory_space<hbm>> -> memref<1000000x64xf32, #tpu.memory_space<hbm>>
    tpu.wait_indirect_dma semaphore(%arg7 : memref<!tpu.dma_semaphore, #tpu.memory_space<semaphore_mem>>) src(%dma_wait3A_41 : memref<1000000x64xf32, #tpu.memory_space<hbm>>) dst(%dma_wait3A_35 : memref<800x64xf32, #tpu.memory_space<vmem>>)
    %add3A_42 = arith.constant 1600 : i32
    %add3A_43 = arith.addi %mul3A_2, %add3A_42 : i32
    %run_scoped3A_44 = arith.constant 0 : i32
    "tpu.region"() ({
      %run_scoped3A_262 = tpu.sem_alloc : memref<!tpu.dma_semaphore, #tpu.memory_space<semaphore_mem>>
      %dma_start3A_263 = arith.constant 0 : i32
      %dma_start3A_264 = tpu.memref_slice %arg5[%run_scoped3A_44, %dma_start3A_263] : memref<2x800xi32, #tpu.memory_space<vmem>> -> memref<1x800xi32, #tpu.memory_space<vmem>>
      %dma_start3A_265 = tpu.memref_squeeze %dma_start3A_264 : memref<1x800xi32, #tpu.memory_space<vmem>> -> memref<800xi32, #tpu.memory_space<vmem>>
      %dma_start3A_266 = tpu.memref_slice %arg2[%add3A_43] : memref<819200xi32, #tpu.memory_space<hbm>> -> memref<800xi32, #tpu.memory_space<hbm>>
      %dma_start3A_267 = arith.constant 0 : i32
      %dma_start3A_268 = tpu.memref_slice %arg5[%run_scoped3A_44, %dma_start3A_267] : memref<2x800xi32, #tpu.memory_space<vmem>> -> memref<1x800xi32, #tpu.memory_space<vmem>>
      %dma_start3A_269 = tpu.memref_squeeze %dma_start3A_268 : memref<1x800xi32, #tpu.memory_space<vmem>> -> memref<800xi32, #tpu.memory_space<vmem>>
      %dma_start3A_270 = tpu.memref_slice %arg2[%add3A_43] : memref<819200xi32, #tpu.memory_space<hbm>> -> memref<800xi32, #tpu.memory_space<hbm>>
      tpu.enqueue_dma source(%dma_start3A_270 : memref<800xi32, #tpu.memory_space<hbm>>) target(%dma_start3A_269 : memref<800xi32, #tpu.memory_space<vmem>>) target_semaphore(%run_scoped3A_262 : memref<!tpu.dma_semaphore, #tpu.memory_space<semaphore_mem>>)
      %dma_wait3A_271 = arith.constant 0 : i32
      %dma_wait3A_272 = tpu.memref_slice %arg5[%run_scoped3A_44, %dma_wait3A_271] : memref<2x800xi32, #tpu.memory_space<vmem>> -> memref<1x800xi32, #tpu.memory_space<vmem>>
      %dma_wait3A_273 = tpu.memref_squeeze %dma_wait3A_272 : memref<1x800xi32, #tpu.memory_space<vmem>> -> memref<800xi32, #tpu.memory_space<vmem>>
      %dma_wait3A_274 = tpu.memref_slice %arg2[%add3A_43] : memref<819200xi32, #tpu.memory_space<hbm>> -> memref<800xi32, #tpu.memory_space<hbm>>
      %dma_wait3A_275 = arith.constant 0 : i32
      %dma_wait3A_276 = tpu.memref_slice %arg5[%run_scoped3A_44, %dma_wait3A_275] : memref<2x800xi32, #tpu.memory_space<vmem>> -> memref<1x800xi32, #tpu.memory_space<vmem>>
      %dma_wait3A_277 = tpu.memref_squeeze %dma_wait3A_276 : memref<1x800xi32, #tpu.memory_space<vmem>> -> memref<800xi32, #tpu.memory_space<vmem>>
      %dma_wait3A_278 = tpu.memref_slice %arg2[%add3A_43] : memref<819200xi32, #tpu.memory_space<hbm>> -> memref<800xi32, #tpu.memory_space<hbm>>
      tpu.wait_dma2 semaphore(%run_scoped3A_262 : memref<!tpu.dma_semaphore, #tpu.memory_space<semaphore_mem>>) src(%dma_wait3A_278 : memref<800xi32, #tpu.memory_space<hbm>>) dst(%dma_wait3A_277 : memref<800xi32, #tpu.memory_space<vmem>>)
      tpu.yield
    }) : () -> ()
    %scan3A = arith.constant 0 : i32
    %scan3A_45 = arith.constant 0 : i32
    %scan3A_46 = arith.constant 800 : i32
    %scan3A_47 = arith.addi %scan3A_45, %scan3A_46 : i32
    %scan3A_48 = arith.constant 4 : i32
    %scan3A_49 = scf.for %scan3A_262 = %scan3A_45 to %scan3A_47 step %scan3A_48 iter_args(%scan3A_263 = %scan3A) -> (i32)  : i32 {
      %get3A = arith.constant 0 : i32
      %get3A_264 = arith.index_cast %get3A : i32 to index
      %get3A_265 = arith.index_cast %scan3A_262 : i32 to index
      %get3A_266 = arith.constant 0 : index
      %get3A_267 = tpu.vector_load %arg6[%get3A_264, %get3A_265, %get3A_266] {strides = array<i32>} : memref<2x800x64xf32, #tpu.memory_space<vmem>>, vector<1x1x16xf32>,
      %get3A_268 = vector.shape_cast %get3A_267 : vector<1x1x16xf32> to vector<16xf32>
      %mul3A_269 = arith.constant 8.000000e+00 : f32
      %mul3A_270 = vector.broadcast %mul3A_269 : f32 to vector<16xf32>
      %mul3A_271 = arith.mulf %get3A_268, %mul3A_270 : vector<16xf32>
      %swap3A = arith.constant 0 : i32
      %swap3A_272 = arith.index_cast %swap3A : i32 to index
      %swap3A_273 = arith.index_cast %scan3A_262 : i32 to index
      %swap3A_274 = arith.constant 0 : index
      %swap3A_275 = tpu.vector_load %arg6[%swap3A_272, %swap3A_273, %swap3A_274] {strides = array<i32>} : memref<2x800x64xf32, #tpu.memory_space<vmem>>, vector<1x1x16xf32>,
      %swap3A_276 = vector.shape_cast %swap3A_275 : vector<1x1x16xf32> to vector<16xf32>
      %swap3A_277 = vector.shape_cast %mul3A_271 : vector<16xf32> to vector<1x1x16xf32>
      tpu.vector_store %arg6[%swap3A_272, %swap3A_273, %swap3A_274], %swap3A_277 {strides = array<i32>} : memref<2x800x64xf32, #tpu.memory_space<vmem>>, vector<1x1x16xf32>,
      %get3A_278 = arith.constant 0 : i32
      %get3A_279 = arith.index_cast %get3A_278 : i32 to index
      %get3A_280 = arith.index_cast %scan3A_262 : i32 to index
      %get3A_281 = arith.constant 16 : index
      %get3A_282 = tpu.vector_load %arg6[%get3A_279, %get3A_280, %get3A_281] {strides = array<i32>} : memref<2x800x64xf32, #tpu.memory_space<vmem>>, vector<1x1x16xf32>,
      %get3A_283 = vector.shape_cast %get3A_282 : vector<1x1x16xf32> to vector<16xf32>
      %mul3A_284 = arith.constant 8.000000e+00 : f32
      %mul3A_285 = vector.broadcast %mul3A_284 : f32 to vector<16xf32>
      %mul3A_286 = arith.mulf %get3A_283, %mul3A_285 : vector<16xf32>
      %swap3A_287 = arith.constant 0 : i32
      %swap3A_288 = arith.index_cast %swap3A_287 : i32 to index
      %swap3A_289 = arith.index_cast %scan3A_262 : i32 to index
      %swap3A_290 = arith.constant 16 : index
      %swap3A_291 = tpu.vector_load %arg6[%swap3A_288, %swap3A_289, %swap3A_290] {strides = array<i32>} : memref<2x800x64xf32, #tpu.memory_space<vmem>>, vector<1x1x16xf32>,
      %swap3A_292 = vector.shape_cast %swap3A_291 : vector<1x1x16xf32> to vector<16xf32>
      %swap3A_293 = vector.shape_cast %mul3A_286 : vector<16xf32> to vector<1x1x16xf32>
      tpu.vector_store %arg6[%swap3A_288, %swap3A_289, %swap3A_290], %swap3A_293 {strides = array<i32>} : memref<2x800x64xf32, #tpu.memory_space<vmem>>, vector<1x1x16xf32>,
      %get3A_294 = arith.constant 0 : i32
      %get3A_295 = arith.index_cast %get3A_294 : i32 to index
      %get3A_296 = arith.index_cast %scan3A_262 : i32 to index
      %get3A_297 = arith.constant 32 : index
      %get3A_298 = tpu.vector_load %arg6[%get3A_295, %get3A_296, %get3A_297] {strides = array<i32>} : memref<2x800x64xf32, #tpu.memory_space<vmem>>, vector<1x1x16xf32>,
      %get3A_299 = vector.shape_cast %get3A_298 : vector<1x1x16xf32> to vector<16xf32>
      %mul3A_300 = arith.constant 8.000000e+00 : f32
      %mul3A_301 = vector.broadcast %mul3A_300 : f32 to vector<16xf32>
      %mul3A_302 = arith.mulf %get3A_299, %mul3A_301 : vector<16xf32>
      %swap3A_303 = arith.constant 0 : i32
      %swap3A_304 = arith.index_cast %swap3A_303 : i32 to index
      %swap3A_305 = arith.index_cast %scan3A_262 : i32 to index
      %swap3A_306 = arith.constant 32 : index
      %swap3A_307 = tpu.vector_load %arg6[%swap3A_304, %swap3A_305, %swap3A_306] {strides = array<i32>} : memref<2x800x64xf32, #tpu.memory_space<vmem>>, vector<1x1x16xf32>,
      %swap3A_308 = vector.shape_cast %swap3A_307 : vector<1x1x16xf32> to vector<16xf32>
      %swap3A_309 = vector.shape_cast %mul3A_302 : vector<16xf32> to vector<1x1x16xf32>
      tpu.vector_store %arg6[%swap3A_304, %swap3A_305, %swap3A_306], %swap3A_309 {strides = array<i32>} : memref<2x800x64xf32, #tpu.memory_space<vmem>>, vector<1x1x16xf32>,
      %get3A_310 = arith.constant 0 : i32
      %get3A_311 = arith.index_cast %get3A_310 : i32 to index
      %get3A_312 = arith.index_cast %scan3A_262 : i32 to index
      %get3A_313 = arith.constant 48 : index
      %get3A_314 = tpu.vector_load %arg6[%get3A_311, %get3A_312, %get3A_313] {strides = array<i32>} : memref<2x800x64xf32, #tpu.memory_space<vmem>>, vector<1x1x16xf32>,
      %get3A_315 = vector.shape_cast %get3A_314 : vector<1x1x16xf32> to vector<16xf32>
      %mul3A_316 = arith.constant 8.000000e+00 : f32
      %mul3A_317 = vector.broadcast %mul3A_316 : f32 to vector<16xf32>
      %mul3A_318 = arith.mulf %get3A_315, %mul3A_317 : vector<16xf32>
      %swap3A_319 = arith.constant 0 : i32
      %swap3A_320 = arith.index_cast %swap3A_319 : i32 to index
      %swap3A_321 = arith.index_cast %scan3A_262 : i32 to index
      %swap3A_322 = arith.constant 48 : index
      %swap3A_323 = tpu.vector_load %arg6[%swap3A_320, %swap3A_321, %swap3A_322] {strides = array<i32>} : memref<2x800x64xf32, #tpu.memory_space<vmem>>, vector<1x1x16xf32>,
      %swap3A_324 = vector.shape_cast %swap3A_323 : vector<1x1x16xf32> to vector<16xf32>
      %swap3A_325 = vector.shape_cast %mul3A_318 : vector<16xf32> to vector<1x1x16xf32>
      tpu.vector_store %arg6[%swap3A_320, %swap3A_321, %swap3A_322], %swap3A_325 {strides = array<i32>} : memref<2x800x64xf32, #tpu.memory_space<vmem>>, vector<1x1x16xf32>,
      %scan3A_326 = arith.constant 0 : i32
      %scan3A_327 = arith.constant 1 : i32
      %scan3A_328 = arith.addi %scan3A_262, %scan3A_327 : i32
      %get3A_329 = arith.constant 0 : i32
      %get3A_330 = arith.index_cast %get3A_329 : i32 to index
      %get3A_331 = arith.index_cast %scan3A_328 : i32 to index
      %get3A_332 = arith.constant 0 : index
      %get3A_333 = tpu.vector_load %arg6[%get3A_330, %get3A_331, %get3A_332] {strides = array<i32>} : memref<2x800x64xf32, #tpu.memory_space<vmem>>, vector<1x1x16xf32>,
      %get3A_334 = vector.shape_cast %get3A_333 : vector<1x1x16xf32> to vector<16xf32>
      %mul3A_335 = arith.constant 8.000000e+00 : f32
      %mul3A_336 = vector.broadcast %mul3A_335 : f32 to vector<16xf32>
      %mul3A_337 = arith.mulf %get3A_334, %mul3A_336 : vector<16xf32>
      %swap3A_338 = arith.constant 0 : i32
      %swap3A_339 = arith.index_cast %swap3A_338 : i32 to index
      %swap3A_340 = arith.index_cast %scan3A_328 : i32 to index
      %swap3A_341 = arith.constant 0 : index
      %swap3A_342 = tpu.vector_load %arg6[%swap3A_339, %swap3A_340, %swap3A_341] {strides = array<i32>} : memref<2x800x64xf32, #tpu.memory_space<vmem>>, vector<1x1x16xf32>,
      %swap3A_343 = vector.shape_cast %swap3A_342 : vector<1x1x16xf32> to vector<16xf32>
      %swap3A_344 = vector.shape_cast %mul3A_337 : vector<16xf32> to vector<1x1x16xf32>
      tpu.vector_store %arg6[%swap3A_339, %swap3A_340, %swap3A_341], %swap3A_344 {strides = array<i32>} : memref<2x800x64xf32, #tpu.memory_space<vmem>>, vector<1x1x16xf32>,
      %get3A_345 = arith.constant 0 : i32
      %get3A_346 = arith.index_cast %get3A_345 : i32 to index
      %get3A_347 = arith.index_cast %scan3A_328 : i32 to index
      %get3A_348 = arith.constant 16 : index
      %get3A_349 = tpu.vector_load %arg6[%get3A_346, %get3A_347, %get3A_348] {strides = array<i32>} : memref<2x800x64xf32, #tpu.memory_space<vmem>>, vector<1x1x16xf32>,
      %get3A_350 = vector.shape_cast %get3A_349 : vector<1x1x16xf32> to vector<16xf32>
      %mul3A_351 = arith.constant 8.000000e+00 : f32
      %mul3A_352 = vector.broadcast %mul3A_351 : f32 to vector<16xf32>
      %mul3A_353 = arith.mulf %get3A_350, %mul3A_352 : vector<16xf32>
      %swap3A_354 = arith.constant 0 : i32
      %swap3A_355 = arith.index_cast %swap3A_354 : i32 to index
      %swap3A_356 = arith.index_cast %scan3A_328 : i32 to index
      %swap3A_357 = arith.constant 16 : index
      %swap3A_358 = tpu.vector_load %arg6[%swap3A_355, %swap3A_356, %swap3A_357] {strides = array<i32>} : memref<2x800x64xf32, #tpu.memory_space<vmem>>, vector<1x1x16xf32>,
      %swap3A_359 = vector.shape_cast %swap3A_358 : vector<1x1x16xf32> to vector<16xf32>
      %swap3A_360 = vector.shape_cast %mul3A_353 : vector<16xf32> to vector<1x1x16xf32>
      tpu.vector_store %arg6[%swap3A_355, %swap3A_356, %swap3A_357], %swap3A_360 {strides = array<i32>} : memref<2x800x64xf32, #tpu.memory_space<vmem>>, vector<1x1x16xf32>,
      %get3A_361 = arith.constant 0 : i32
      %get3A_362 = arith.index_cast %get3A_361 : i32 to index
      %get3A_363 = arith.index_cast %scan3A_328 : i32 to index
      %get3A_364 = arith.constant 32 : index
      %get3A_365 = tpu.vector_load %arg6[%get3A_362, %get3A_363, %get3A_364] {strides = array<i32>} : memref<2x800x64xf32, #tpu.memory_space<vmem>>, vector<1x1x16xf32>,
      %get3A_366 = vector.shape_cast %get3A_365 : vector<1x1x16xf32> to vector<16xf32>
      %mul3A_367 = arith.constant 8.000000e+00 : f32
      %mul3A_368 = vector.broadcast %mul3A_367 : f32 to vector<16xf32>
      %mul3A_369 = arith.mulf %get3A_366, %mul3A_368 : vector<16xf32>
      %swap3A_370 = arith.constant 0 : i32
      %swap3A_371 = arith.index_cast %swap3A_370 : i32 to index
      %swap3A_372 = arith.index_cast %scan3A_328 : i32 to index
      %swap3A_373 = arith.constant 32 : index
      %swap3A_374 = tpu.vector_load %arg6[%swap3A_371, %swap3A_372, %swap3A_373] {strides = array<i32>} : memref<2x800x64xf32, #tpu.memory_space<vmem>>, vector<1x1x16xf32>,
      %swap3A_375 = vector.shape_cast %swap3A_374 : vector<1x1x16xf32> to vector<16xf32>
      %swap3A_376 = vector.shape_cast %mul3A_369 : vector<16xf32> to vector<1x1x16xf32>
      tpu.vector_store %arg6[%swap3A_371, %swap3A_372, %swap3A_373], %swap3A_376 {strides = array<i32>} : memref<2x800x64xf32, #tpu.memory_space<vmem>>, vector<1x1x16xf32>,
      %get3A_377 = arith.constant 0 : i32
      %get3A_378 = arith.index_cast %get3A_377 : i32 to index
      %get3A_379 = arith.index_cast %scan3A_328 : i32 to index
      %get3A_380 = arith.constant 48 : index
      %get3A_381 = tpu.vector_load %arg6[%get3A_378, %get3A_379, %get3A_380] {strides = array<i32>} : memref<2x800x64xf32, #tpu.memory_space<vmem>>, vector<1x1x16xf32>,
      %get3A_382 = vector.shape_cast %get3A_381 : vector<1x1x16xf32> to vector<16xf32>
      %mul3A_383 = arith.constant 8.000000e+00 : f32
      %mul3A_384 = vector.broadcast %mul3A_383 : f32 to vector<16xf32>
      %mul3A_385 = arith.mulf %get3A_382, %mul3A_384 : vector<16xf32>
      %swap3A_386 = arith.constant 0 : i32
      %swap3A_387 = arith.index_cast %swap3A_386 : i32 to index
      %swap3A_388 = arith.index_cast %scan3A_328 : i32 to index
      %swap3A_389 = arith.constant 48 : index
      %swap3A_390 = tpu.vector_load %arg6[%swap3A_387, %swap3A_388, %swap3A_389] {strides = array<i32>} : memref<2x800x64xf32, #tpu.memory_space<vmem>>, vector<1x1x16xf32>,
      %swap3A_391 = vector.shape_cast %swap3A_390 : vector<1x1x16xf32> to vector<16xf32>
      %swap3A_392 = vector.shape_cast %mul3A_385 : vector<16xf32> to vector<1x1x16xf32>
      tpu.vector_store %arg6[%swap3A_387, %swap3A_388, %swap3A_389], %swap3A_392 {strides = array<i32>} : memref<2x800x64xf32, #tpu.memory_space<vmem>>, vector<1x1x16xf32>,
      %scan3A_393 = arith.constant 0 : i32
      %scan3A_394 = arith.constant 2 : i32
      %scan3A_395 = arith.addi %scan3A_262, %scan3A_394 : i32
      %get3A_396 = arith.constant 0 : i32
      %get3A_397 = arith.index_cast %get3A_396 : i32 to index
      %get3A_398 = arith.index_cast %scan3A_395 : i32 to index
      %get3A_399 = arith.constant 0 : index
      %get3A_400 = tpu.vector_load %arg6[%get3A_397, %get3A_398, %get3A_399] {strides = array<i32>} : memref<2x800x64xf32, #tpu.memory_space<vmem>>, vector<1x1x16xf32>,
      %get3A_401 = vector.shape_cast %get3A_400 : vector<1x1x16xf32> to vector<16xf32>
      %mul3A_402 = arith.constant 8.000000e+00 : f32
      %mul3A_403 = vector.broadcast %mul3A_402 : f32 to vector<16xf32>
      %mul3A_404 = arith.mulf %get3A_401, %mul3A_403 : vector<16xf32>
      %swap3A_405 = arith.constant 0 : i32
      %swap3A_406 = arith.index_cast %swap3A_405 : i32 to index
      %swap3A_407 = arith.index_cast %scan3A_395 : i32 to index
      %swap3A_408 = arith.constant 0 : index
      %swap3A_409 = tpu.vector_load %arg6[%swap3A_406, %swap3A_407, %swap3A_408] {strides = array<i32>} : memref<2x800x64xf32, #tpu.memory_space<vmem>>, vector<1x1x16xf32>,
      %swap3A_410 = vector.shape_cast %swap3A_409 : vector<1x1x16xf32> to vector<16xf32>
      %swap3A_411 = vector.shape_cast %mul3A_404 : vector<16xf32> to vector<1x1x16xf32>
      tpu.vector_store %arg6[%swap3A_406, %swap3A_407, %swap3A_408], %swap3A_411 {strides = array<i32>} : memref<2x800x64xf32, #tpu.memory_space<vmem>>, vector<1x1x16xf32>,
      %get3A_412 = arith.constant 0 : i32
      %get3A_413 = arith.index_cast %get3A_412 : i32 to index
      %get3A_414 = arith.index_cast %scan3A_395 : i32 to index
      %get3A_415 = arith.constant 16 : index
      %get3A_416 = tpu.vector_load %arg6[%get3A_413, %get3A_414, %get3A_415] {strides = array<i32>} : memref<2x800x64xf32, #tpu.memory_space<vmem>>, vector<1x1x16xf32>,
      %get3A_417 = vector.shape_cast %get3A_416 : vector<1x1x16xf32> to vector<16xf32>
      %mul3A_418 = arith.constant 8.000000e+00 : f32
      %mul3A_419 = vector.broadcast %mul3A_418 : f32 to vector<16xf32>
      %mul3A_420 = arith.mulf %get3A_417, %mul3A_419 : vector<16xf32>
      %swap3A_421 = arith.constant 0 : i32
      %swap3A_422 = arith.index_cast %swap3A_421 : i32 to index
      %swap3A_423 = arith.index_cast %scan3A_395 : i32 to index
      %swap3A_424 = arith.constant 16 : index
      %swap3A_425 = tpu.vector_load %arg6[%swap3A_422, %swap3A_423, %swap3A_424] {strides = array<i32>} : memref<2x800x64xf32, #tpu.memory_space<vmem>>, vector<1x1x16xf32>,
      %swap3A_426 = vector.shape_cast %swap3A_425 : vector<1x1x16xf32> to vector<16xf32>
      %swap3A_427 = vector.shape_cast %mul3A_420 : vector<16xf32> to vector<1x1x16xf32>
      tpu.vector_store %arg6[%swap3A_422, %swap3A_423, %swap3A_424], %swap3A_427 {strides = array<i32>} : memref<2x800x64xf32, #tpu.memory_space<vmem>>, vector<1x1x16xf32>,
      %get3A_428 = arith.constant 0 : i32
      %get3A_429 = arith.index_cast %get3A_428 : i32 to index
      %get3A_430 = arith.index_cast %scan3A_395 : i32 to index
      %get3A_431 = arith.constant 32 : index
      %get3A_432 = tpu.vector_load %arg6[%get3A_429, %get3A_430, %get3A_431] {strides = array<i32>} : memref<2x800x64xf32, #tpu.memory_space<vmem>>, vector<1x1x16xf32>,
      %get3A_433 = vector.shape_cast %get3A_432 : vector<1x1x16xf32> to vector<16xf32>
      %mul3A_434 = arith.constant 8.000000e+00 : f32
      %mul3A_435 = vector.broadcast %mul3A_434 : f32 to vector<16xf32>
      %mul3A_436 = arith.mulf %get3A_433, %mul3A_435 : vector<16xf32>
      %swap3A_437 = arith.constant 0 : i32
      %swap3A_438 = arith.index_cast %swap3A_437 : i32 to index
      %swap3A_439 = arith.index_cast %scan3A_395 : i32 to index
      %swap3A_440 = arith.constant 32 : index
      %swap3A_441 = tpu.vector_load %arg6[%swap3A_438, %swap3A_439, %swap3A_440] {strides = array<i32>} : memref<2x800x64xf32, #tpu.memory_space<vmem>>, vector<1x1x16xf32>,
      %swap3A_442 = vector.shape_cast %swap3A_441 : vector<1x1x16xf32> to vector<16xf32>
      %swap3A_443 = vector.shape_cast %mul3A_436 : vector<16xf32> to vector<1x1x16xf32>
      tpu.vector_store %arg6[%swap3A_438, %swap3A_439, %swap3A_440], %swap3A_443 {strides = array<i32>} : memref<2x800x64xf32, #tpu.memory_space<vmem>>, vector<1x1x16xf32>,
      %get3A_444 = arith.constant 0 : i32
      %get3A_445 = arith.index_cast %get3A_444 : i32 to index
      %get3A_446 = arith.index_cast %scan3A_395 : i32 to index
      %get3A_447 = arith.constant 48 : index
      %get3A_448 = tpu.vector_load %arg6[%get3A_445, %get3A_446, %get3A_447] {strides = array<i32>} : memref<2x800x64xf32, #tpu.memory_space<vmem>>, vector<1x1x16xf32>,
      %get3A_449 = vector.shape_cast %get3A_448 : vector<1x1x16xf32> to vector<16xf32>
      %mul3A_450 = arith.constant 8.000000e+00 : f32
      %mul3A_451 = vector.broadcast %mul3A_450 : f32 to vector<16xf32>
      %mul3A_452 = arith.mulf %get3A_449, %mul3A_451 : vector<16xf32>
      %swap3A_453 = arith.constant 0 : i32
      %swap3A_454 = arith.index_cast %swap3A_453 : i32 to index
      %swap3A_455 = arith.index_cast %scan3A_395 : i32 to index
      %swap3A_456 = arith.constant 48 : index
      %swap3A_457 = tpu.vector_load %arg6[%swap3A_454, %swap3A_455, %swap3A_456] {strides = array<i32>} : memref<2x800x64xf32, #tpu.memory_space<vmem>>, vector<1x1x16xf32>,
      %swap3A_458 = vector.shape_cast %swap3A_457 : vector<1x1x16xf32> to vector<16xf32>
      %swap3A_459 = vector.shape_cast %mul3A_452 : vector<16xf32> to vector<1x1x16xf32>
      tpu.vector_store %arg6[%swap3A_454, %swap3A_455, %swap3A_456], %swap3A_459 {strides = array<i32>} : memref<2x800x64xf32, #tpu.memory_space<vmem>>, vector<1x1x16xf32>,
      %scan3A_460 = arith.constant 0 : i32
      %scan3A_461 = arith.constant 3 : i32
      %scan3A_462 = arith.addi %scan3A_262, %scan3A_461 : i32
      %get3A_463 = arith.constant 0 : i32
      %get3A_464 = arith.index_cast %get3A_463 : i32 to index
      %get3A_465 = arith.index_cast %scan3A_462 : i32 to index
      %get3A_466 = arith.constant 0 : index
      %get3A_467 = tpu.vector_load %arg6[%get3A_464, %get3A_465, %get3A_466] {strides = array<i32>} : memref<2x800x64xf32, #tpu.memory_space<vmem>>, vector<1x1x16xf32>,
      %get3A_468 = vector.shape_cast %get3A_467 : vector<1x1x16xf32> to vector<16xf32>
      %mul3A_469 = arith.constant 8.000000e+00 : f32
      %mul3A_470 = vector.broadcast %mul3A_469 : f32 to vector<16xf32>
      %mul3A_471 = arith.mulf %get3A_468, %mul3A_470 : vector<16xf32>
      %swap3A_472 = arith.constant 0 : i32
      %swap3A_473 = arith.index_cast %swap3A_472 : i32 to index
      %swap3A_474 = arith.index_cast %scan3A_462 : i32 to index
      %swap3A_475 = arith.constant 0 : index
      %swap3A_476 = tpu.vector_load %arg6[%swap3A_473, %swap3A_474, %swap3A_475] {strides = array<i32>} : memref<2x800x64xf32, #tpu.memory_space<vmem>>, vector<1x1x16xf32>,
      %swap3A_477 = vector.shape_cast %swap3A_476 : vector<1x1x16xf32> to vector<16xf32>
      %swap3A_478 = vector.shape_cast %mul3A_471 : vector<16xf32> to vector<1x1x16xf32>
      tpu.vector_store %arg6[%swap3A_473, %swap3A_474, %swap3A_475], %swap3A_478 {strides = array<i32>} : memref<2x800x64xf32, #tpu.memory_space<vmem>>, vector<1x1x16xf32>,
      %get3A_479 = arith.constant 0 : i32
      %get3A_480 = arith.index_cast %get3A_479 : i32 to index
      %get3A_481 = arith.index_cast %scan3A_462 : i32 to index
      %get3A_482 = arith.constant 16 : index
      %get3A_483 = tpu.vector_load %arg6[%get3A_480, %get3A_481, %get3A_482] {strides = array<i32>} : memref<2x800x64xf32, #tpu.memory_space<vmem>>, vector<1x1x16xf32>,
      %get3A_484 = vector.shape_cast %get3A_483 : vector<1x1x16xf32> to vector<16xf32>
      %mul3A_485 = arith.constant 8.000000e+00 : f32
      %mul3A_486 = vector.broadcast %mul3A_485 : f32 to vector<16xf32>
      %mul3A_487 = arith.mulf %get3A_484, %mul3A_486 : vector<16xf32>
      %swap3A_488 = arith.constant 0 : i32
      %swap3A_489 = arith.index_cast %swap3A_488 : i32 to index
      %swap3A_490 = arith.index_cast %scan3A_462 : i32 to index
      %swap3A_491 = arith.constant 16 : index
      %swap3A_492 = tpu.vector_load %arg6[%swap3A_489, %swap3A_490, %swap3A_491] {strides = array<i32>} : memref<2x800x64xf32, #tpu.memory_space<vmem>>, vector<1x1x16xf32>,
      %swap3A_493 = vector.shape_cast %swap3A_492 : vector<1x1x16xf32> to vector<16xf32>
      %swap3A_494 = vector.shape_cast %mul3A_487 : vector<16xf32> to vector<1x1x16xf32>
      tpu.vector_store %arg6[%swap3A_489, %swap3A_490, %swap3A_491], %swap3A_494 {strides = array<i32>} : memref<2x800x64xf32, #tpu.memory_space<vmem>>, vector<1x1x16xf32>,
      %get3A_495 = arith.constant 0 : i32
      %get3A_496 = arith.index_cast %get3A_495 : i32 to index
      %get3A_497 = arith.index_cast %scan3A_462 : i32 to index
      %get3A_498 = arith.constant 32 : index
      %get3A_499 = tpu.vector_load %arg6[%get3A_496, %get3A_497, %get3A_498] {strides = array<i32>} : memref<2x800x64xf32, #tpu.memory_space<vmem>>, vector<1x1x16xf32>,
      %get3A_500 = vector.shape_cast %get3A_499 : vector<1x1x16xf32> to vector<16xf32>
      %mul3A_501 = arith.constant 8.000000e+00 : f32
      %mul3A_502 = vector.broadcast %mul3A_501 : f32 to vector<16xf32>
      %mul3A_503 = arith.mulf %get3A_500, %mul3A_502 : vector<16xf32>
      %swap3A_504 = arith.constant 0 : i32
      %swap3A_505 = arith.index_cast %swap3A_504 : i32 to index
      %swap3A_506 = arith.index_cast %scan3A_462 : i32 to index
      %swap3A_507 = arith.constant 32 : index
      %swap3A_508 = tpu.vector_load %arg6[%swap3A_505, %swap3A_506, %swap3A_507] {strides = array<i32>} : memref<2x800x64xf32, #tpu.memory_space<vmem>>, vector<1x1x16xf32>,
      %swap3A_509 = vector.shape_cast %swap3A_508 : vector<1x1x16xf32> to vector<16xf32>
      %swap3A_510 = vector.shape_cast %mul3A_503 : vector<16xf32> to vector<1x1x16xf32>
      tpu.vector_store %arg6[%swap3A_505, %swap3A_506, %swap3A_507], %swap3A_510 {strides = array<i32>} : memref<2x800x64xf32, #tpu.memory_space<vmem>>, vector<1x1x16xf32>,
      %get3A_511 = arith.constant 0 : i32
      %get3A_512 = arith.index_cast %get3A_511 : i32 to index
      %get3A_513 = arith.index_cast %scan3A_462 : i32 to index
      %get3A_514 = arith.constant 48 : index
      %get3A_515 = tpu.vector_load %arg6[%get3A_512, %get3A_513, %get3A_514] {strides = array<i32>} : memref<2x800x64xf32, #tpu.memory_space<vmem>>, vector<1x1x16xf32>,
      %get3A_516 = vector.shape_cast %get3A_515 : vector<1x1x16xf32> to vector<16xf32>
      %mul3A_517 = arith.constant 8.000000e+00 : f32
      %mul3A_518 = vector.broadcast %mul3A_517 : f32 to vector<16xf32>
      %mul3A_519 = arith.mulf %get3A_516, %mul3A_518 : vector<16xf32>
      %swap3A_520 = arith.constant 0 : i32
      %swap3A_521 = arith.index_cast %swap3A_520 : i32 to index
      %swap3A_522 = arith.index_cast %scan3A_462 : i32 to index
      %swap3A_523 = arith.constant 48 : index
      %swap3A_524 = tpu.vector_load %arg6[%swap3A_521, %swap3A_522, %swap3A_523] {strides = array<i32>} : memref<2x800x64xf32, #tpu.memory_space<vmem>>, vector<1x1x16xf32>,
      %swap3A_525 = vector.shape_cast %swap3A_524 : vector<1x1x16xf32> to vector<16xf32>
      %swap3A_526 = vector.shape_cast %mul3A_519 : vector<16xf32> to vector<1x1x16xf32>
      tpu.vector_store %arg6[%swap3A_521, %swap3A_522, %swap3A_523], %swap3A_526 {strides = array<i32>} : memref<2x800x64xf32, #tpu.memory_space<vmem>>, vector<1x1x16xf32>,
      %scan3A_527 = arith.constant 0 : i32
      scf.yield %scan3A_527 : i32
    }
    %scan3A_50 = arith.constant 800 : i32
    %add3A_51 = arith.constant 0 : i32
    %add3A_52 = arith.addi %mul3A_2, %add3A_51 : i32
    %dma_start3A_53 = arith.constant 0 : i32
    %dma_start3A_54 = arith.constant 0 : i32
    %dma_start3A_55 = arith.constant 0 : i32
    %dma_start3A_56 = tpu.memref_slice %arg6[%dma_start3A_53, %dma_start3A_54, %dma_start3A_55] : memref<2x800x64xf32, #tpu.memory_space<vmem>> -> memref<1x800x64xf32, #tpu.memory_space<vmem>>
    %dma_start3A_57 = tpu.memref_squeeze %dma_start3A_56 : memref<1x800x64xf32, #tpu.memory_space<vmem>> -> memref<800x64xf32, #tpu.memory_space<vmem>>
    %dma_start3A_58 = arith.constant 0 : i32
    %dma_start3A_59 = tpu.memref_slice %arg4[%add3A_52, %dma_start3A_58] : memref<819200x64xf32, #tpu.memory_space<hbm>> -> memref<800x64xf32, #tpu.memory_space<hbm>>
    %dma_start3A_60 = arith.constant 0 : i32
    %dma_start3A_61 = tpu.memref_slice %arg4[%add3A_52, %dma_start3A_60] : memref<819200x64xf32, #tpu.memory_space<hbm>> -> memref<800x64xf32, #tpu.memory_space<hbm>>
    %dma_start3A_62 = arith.constant 0 : i32
    %dma_start3A_63 = arith.constant 0 : i32
    %dma_start3A_64 = tpu.memref_slice %arg6[%dma_start3A_53, %dma_start3A_62, %dma_start3A_63] : memref<2x800x64xf32, #tpu.memory_space<vmem>> -> memref<1x800x64xf32, #tpu.memory_space<vmem>>
    %dma_start3A_65 = tpu.memref_squeeze %dma_start3A_64 : memref<1x800x64xf32, #tpu.memory_space<vmem>> -> memref<800x64xf32, #tpu.memory_space<vmem>>
    tpu.enqueue_dma source(%dma_start3A_65 : memref<800x64xf32, #tpu.memory_space<vmem>>) target(%dma_start3A_61 : memref<800x64xf32, #tpu.memory_space<hbm>>) target_semaphore(%arg9 : memref<!tpu.dma_semaphore, #tpu.memory_space<semaphore_mem>>)
    %add3A_66 = arith.constant 0 : i32
    %add3A_67 = arith.addi %mul3A_2, %add3A_66 : i32
    %dma_wait3A_68 = arith.constant 0 : i32
    %dma_wait3A_69 = arith.constant 0 : i32
    %dma_wait3A_70 = arith.constant 0 : i32
    %dma_wait3A_71 = tpu.memref_slice %arg6[%dma_wait3A_68, %dma_wait3A_69, %dma_wait3A_70] : memref<2x800x64xf32, #tpu.memory_space<vmem>> -> memref<1x800x64xf32, #tpu.memory_space<vmem>>
    %dma_wait3A_72 = tpu.memref_squeeze %dma_wait3A_71 : memref<1x800x64xf32, #tpu.memory_space<vmem>> -> memref<800x64xf32, #tpu.memory_space<vmem>>
    %dma_wait3A_73 = arith.constant 0 : i32
    %dma_wait3A_74 = tpu.memref_slice %arg4[%add3A_67, %dma_wait3A_73] : memref<819200x64xf32, #tpu.memory_space<hbm>> -> memref<800x64xf32, #tpu.memory_space<hbm>>
    %dma_wait3A_75 = arith.constant 0 : i32
    %dma_wait3A_76 = tpu.memref_slice %arg4[%add3A_67, %dma_wait3A_75] : memref<819200x64xf32, #tpu.memory_space<hbm>> -> memref<800x64xf32, #tpu.memory_space<hbm>>
    %dma_wait3A_77 = arith.constant 0 : i32
    %dma_wait3A_78 = arith.constant 0 : i32
    %dma_wait3A_79 = tpu.memref_slice %arg6[%dma_wait3A_68, %dma_wait3A_77, %dma_wait3A_78] : memref<2x800x64xf32, #tpu.memory_space<vmem>> -> memref<1x800x64xf32, #tpu.memory_space<vmem>>
    %dma_wait3A_80 = tpu.memref_squeeze %dma_wait3A_79 : memref<1x800x64xf32, #tpu.memory_space<vmem>> -> memref<800x64xf32, #tpu.memory_space<vmem>>
    tpu.wait_dma2 semaphore(%arg9 : memref<!tpu.dma_semaphore, #tpu.memory_space<semaphore_mem>>) src(%dma_wait3A_80 : memref<800x64xf32, #tpu.memory_space<vmem>>) dst(%dma_wait3A_76 : memref<800x64xf32, #tpu.memory_space<hbm>>)
    %dma_start3A_81 = arith.constant 0 : i32
    %dma_start3A_82 = arith.constant 0 : i32
    %dma_start3A_83 = arith.constant 0 : i32
    %dma_start3A_84 = arith.constant 0 : i32
    %dma_start3A_85 = tpu.memref_slice %arg6[%dma_start3A_82, %dma_start3A_83, %dma_start3A_84] : memref<2x800x64xf32, #tpu.memory_space<vmem>> -> memref<1x800x64xf32, #tpu.memory_space<vmem>>
    %dma_start3A_86 = tpu.memref_squeeze %dma_start3A_85 : memref<1x800x64xf32, #tpu.memory_space<vmem>> -> memref<800x64xf32, #tpu.memory_space<vmem>>
    %dma_start3A_87 = arith.constant 0 : i32
    %dma_start3A_88 = tpu.memref_slice %arg5[%dma_start3A_81, %dma_start3A_87] : memref<2x800xi32, #tpu.memory_space<vmem>> -> memref<1x800xi32, #tpu.memory_space<vmem>>
    %dma_start3A_89 = tpu.memref_squeeze %dma_start3A_88 : memref<1x800xi32, #tpu.memory_space<vmem>> -> memref<800xi32, #tpu.memory_space<vmem>>
    %dma_start3A_90 = arith.constant 0 : i32
    %dma_start3A_91 = arith.constant 0 : i32
    %dma_start3A_92 = tpu.memref_slice %arg3[%dma_start3A_90, %dma_start3A_91] : memref<1000000x64xf32, #tpu.memory_space<hbm>> -> memref<1000000x64xf32, #tpu.memory_space<hbm>>
    tpu.enqueue_indirect_dma source(%dma_start3A_92 : memref<1000000x64xf32, #tpu.memory_space<hbm>>) target(%dma_start3A_86 : memref<800x64xf32, #tpu.memory_space<vmem>>) offsets(%dma_start3A_89 : memref<800xi32, #tpu.memory_space<vmem>>) semaphore(%arg7 : memref<!tpu.dma_semaphore, #tpu.memory_space<semaphore_mem>>)
    %dma_wait3A_93 = arith.constant 1 : i32
    %dma_wait3A_94 = arith.constant 1 : i32
    %dma_wait3A_95 = arith.constant 0 : i32
    %dma_wait3A_96 = arith.constant 0 : i32
    %dma_wait3A_97 = tpu.memref_slice %arg6[%dma_wait3A_94, %dma_wait3A_95, %dma_wait3A_96] : memref<2x800x64xf32, #tpu.memory_space<vmem>> -> memref<1x800x64xf32, #tpu.memory_space<vmem>>
    %dma_wait3A_98 = tpu.memref_squeeze %dma_wait3A_97 : memref<1x800x64xf32, #tpu.memory_space<vmem>> -> memref<800x64xf32, #tpu.memory_space<vmem>>
    %dma_wait3A_99 = arith.constant 0 : i32
    %dma_wait3A_100 = tpu.memref_slice %arg5[%dma_wait3A_93, %dma_wait3A_99] : memref<2x800xi32, #tpu.memory_space<vmem>> -> memref<1x800xi32, #tpu.memory_space<vmem>>
    %dma_wait3A_101 = tpu.memref_squeeze %dma_wait3A_100 : memref<1x800xi32, #tpu.memory_space<vmem>> -> memref<800xi32, #tpu.memory_space<vmem>>
    %dma_wait3A_102 = arith.constant 0 : i32
    %dma_wait3A_103 = arith.constant 0 : i32
    %dma_wait3A_104 = tpu.memref_slice %arg3[%dma_wait3A_102, %dma_wait3A_103] : memref<1000000x64xf32, #tpu.memory_space<hbm>> -> memref<1000000x64xf32, #tpu.memory_space<hbm>>
    tpu.wait_indirect_dma semaphore(%arg8 : memref<!tpu.dma_semaphore, #tpu.memory_space<semaphore_mem>>) src(%dma_wait3A_104 : memref<1000000x64xf32, #tpu.memory_space<hbm>>) dst(%dma_wait3A_98 : memref<800x64xf32, #tpu.memory_space<vmem>>)
    %add3A_105 = arith.constant 2400 : i32
    %add3A_106 = arith.addi %mul3A_2, %add3A_105 : i32
    %run_scoped3A_107 = arith.constant 1 : i32
    "tpu.region"() ({
      %run_scoped3A_262 = tpu.sem_alloc : memref<!tpu.dma_semaphore, #tpu.memory_space<semaphore_mem>>
      %dma_start3A_263 = arith.constant 0 : i32
      %dma_start3A_264 = tpu.memref_slice %arg5[%run_scoped3A_107, %dma_start3A_263] : memref<2x800xi32, #tpu.memory_space<vmem>> -> memref<1x800xi32, #tpu.memory_space<vmem>>
      %dma_start3A_265 = tpu.memref_squeeze %dma_start3A_264 : memref<1x800xi32, #tpu.memory_space<vmem>> -> memref<800xi32, #tpu.memory_space<vmem>>
      %dma_start3A_266 = tpu.memref_slice %arg2[%add3A_106] : memref<819200xi32, #tpu.memory_space<hbm>> -> memref<800xi32, #tpu.memory_space<hbm>>
      %dma_start3A_267 = arith.constant 0 : i32
      %dma_start3A_268 = tpu.memref_slice %arg5[%run_scoped3A_107, %dma_start3A_267] : memref<2x800xi32, #tpu.memory_space<vmem>> -> memref<1x800xi32, #tpu.memory_space<vmem>>
      %dma_start3A_269 = tpu.memref_squeeze %dma_start3A_268 : memref<1x800xi32, #tpu.memory_space<vmem>> -> memref<800xi32, #tpu.memory_space<vmem>>
      %dma_start3A_270 = tpu.memref_slice %arg2[%add3A_106] : memref<819200xi32, #tpu.memory_space<hbm>> -> memref<800xi32, #tpu.memory_space<hbm>>
      tpu.enqueue_dma source(%dma_start3A_270 : memref<800xi32, #tpu.memory_space<hbm>>) target(%dma_start3A_269 : memref<800xi32, #tpu.memory_space<vmem>>) target_semaphore(%run_scoped3A_262 : memref<!tpu.dma_semaphore, #tpu.memory_space<semaphore_mem>>)
      %dma_wait3A_271 = arith.constant 0 : i32
      %dma_wait3A_272 = tpu.memref_slice %arg5[%run_scoped3A_107, %dma_wait3A_271] : memref<2x800xi32, #tpu.memory_space<vmem>> -> memref<1x800xi32, #tpu.memory_space<vmem>>
      %dma_wait3A_273 = tpu.memref_squeeze %dma_wait3A_272 : memref<1x800xi32, #tpu.memory_space<vmem>> -> memref<800xi32, #tpu.memory_space<vmem>>
      %dma_wait3A_274 = tpu.memref_slice %arg2[%add3A_106] : memref<819200xi32, #tpu.memory_space<hbm>> -> memref<800xi32, #tpu.memory_space<hbm>>
      %dma_wait3A_275 = arith.constant 0 : i32
      %dma_wait3A_276 = tpu.memref_slice %arg5[%run_scoped3A_107, %dma_wait3A_275] : memref<2x800xi32, #tpu.memory_space<vmem>> -> memref<1x800xi32, #tpu.memory_space<vmem>>
      %dma_wait3A_277 = tpu.memref_squeeze %dma_wait3A_276 : memref<1x800xi32, #tpu.memory_space<vmem>> -> memref<800xi32, #tpu.memory_space<vmem>>
      %dma_wait3A_278 = tpu.memref_slice %arg2[%add3A_106] : memref<819200xi32, #tpu.memory_space<hbm>> -> memref<800xi32, #tpu.memory_space<hbm>>
      tpu.wait_dma2 semaphore(%run_scoped3A_262 : memref<!tpu.dma_semaphore, #tpu.memory_space<semaphore_mem>>) src(%dma_wait3A_278 : memref<800xi32, #tpu.memory_space<hbm>>) dst(%dma_wait3A_277 : memref<800xi32, #tpu.memory_space<vmem>>)
      tpu.yield
    }) : () -> ()
    %scan3A_108 = arith.constant 0 : i32
    %scan3A_109 = arith.constant 0 : i32
    %scan3A_110 = arith.constant 800 : i32
    %scan3A_111 = arith.addi %scan3A_109, %scan3A_110 : i32
    %scan3A_112 = arith.constant 4 : i32
    %scan3A_113 = scf.for %scan3A_262 = %scan3A_109 to %scan3A_111 step %scan3A_112 iter_args(%scan3A_263 = %scan3A_108) -> (i32)  : i32 {
      %get3A = arith.constant 1 : i32
      %get3A_264 = arith.index_cast %get3A : i32 to index
      %get3A_265 = arith.index_cast %scan3A_262 : i32 to index
      %get3A_266 = arith.constant 0 : index
      %get3A_267 = tpu.vector_load %arg6[%get3A_264, %get3A_265, %get3A_266] {strides = array<i32>} : memref<2x800x64xf32, #tpu.memory_space<vmem>>, vector<1x1x16xf32>,
      %get3A_268 = vector.shape_cast %get3A_267 : vector<1x1x16xf32> to vector<16xf32>
      %mul3A_269 = arith.constant 8.000000e+00 : f32
      %mul3A_270 = vector.broadcast %mul3A_269 : f32 to vector<16xf32>
      %mul3A_271 = arith.mulf %get3A_268, %mul3A_270 : vector<16xf32>
      %swap3A = arith.constant 1 : i32
      %swap3A_272 = arith.index_cast %swap3A : i32 to index
      %swap3A_273 = arith.index_cast %scan3A_262 : i32 to index
      %swap3A_274 = arith.constant 0 : index
      %swap3A_275 = tpu.vector_load %arg6[%swap3A_272, %swap3A_273, %swap3A_274] {strides = array<i32>} : memref<2x800x64xf32, #tpu.memory_space<vmem>>, vector<1x1x16xf32>,
      %swap3A_276 = vector.shape_cast %swap3A_275 : vector<1x1x16xf32> to vector<16xf32>
      %swap3A_277 = vector.shape_cast %mul3A_271 : vector<16xf32> to vector<1x1x16xf32>
      tpu.vector_store %arg6[%swap3A_272, %swap3A_273, %swap3A_274], %swap3A_277 {strides = array<i32>} : memref<2x800x64xf32, #tpu.memory_space<vmem>>, vector<1x1x16xf32>,
      %get3A_278 = arith.constant 1 : i32
      %get3A_279 = arith.index_cast %get3A_278 : i32 to index
      %get3A_280 = arith.index_cast %scan3A_262 : i32 to index
      %get3A_281 = arith.constant 16 : index
      %get3A_282 = tpu.vector_load %arg6[%get3A_279, %get3A_280, %get3A_281] {strides = array<i32>} : memref<2x800x64xf32, #tpu.memory_space<vmem>>, vector<1x1x16xf32>,
      %get3A_283 = vector.shape_cast %get3A_282 : vector<1x1x16xf32> to vector<16xf32>
      %mul3A_284 = arith.constant 8.000000e+00 : f32
      %mul3A_285 = vector.broadcast %mul3A_284 : f32 to vector<16xf32>
      %mul3A_286 = arith.mulf %get3A_283, %mul3A_285 : vector<16xf32>
      %swap3A_287 = arith.constant 1 : i32
      %swap3A_288 = arith.index_cast %swap3A_287 : i32 to index
      %swap3A_289 = arith.index_cast %scan3A_262 : i32 to index
      %swap3A_290 = arith.constant 16 : index
      %swap3A_291 = tpu.vector_load %arg6[%swap3A_288, %swap3A_289, %swap3A_290] {strides = array<i32>} : memref<2x800x64xf32, #tpu.memory_space<vmem>>, vector<1x1x16xf32>,
      %swap3A_292 = vector.shape_cast %swap3A_291 : vector<1x1x16xf32> to vector<16xf32>
      %swap3A_293 = vector.shape_cast %mul3A_286 : vector<16xf32> to vector<1x1x16xf32>
      tpu.vector_store %arg6[%swap3A_288, %swap3A_289, %swap3A_290], %swap3A_293 {strides = array<i32>} : memref<2x800x64xf32, #tpu.memory_space<vmem>>, vector<1x1x16xf32>,
      %get3A_294 = arith.constant 1 : i32
      %get3A_295 = arith.index_cast %get3A_294 : i32 to index
      %get3A_296 = arith.index_cast %scan3A_262 : i32 to index
      %get3A_297 = arith.constant 32 : index
      %get3A_298 = tpu.vector_load %arg6[%get3A_295, %get3A_296, %get3A_297] {strides = array<i32>} : memref<2x800x64xf32, #tpu.memory_space<vmem>>, vector<1x1x16xf32>,
      %get3A_299 = vector.shape_cast %get3A_298 : vector<1x1x16xf32> to vector<16xf32>
      %mul3A_300 = arith.constant 8.000000e+00 : f32
      %mul3A_301 = vector.broadcast %mul3A_300 : f32 to vector<16xf32>
      %mul3A_302 = arith.mulf %get3A_299, %mul3A_301 : vector<16xf32>
      %swap3A_303 = arith.constant 1 : i32
      %swap3A_304 = arith.index_cast %swap3A_303 : i32 to index
      %swap3A_305 = arith.index_cast %scan3A_262 : i32 to index
      %swap3A_306 = arith.constant 32 : index
      %swap3A_307 = tpu.vector_load %arg6[%swap3A_304, %swap3A_305, %swap3A_306] {strides = array<i32>} : memref<2x800x64xf32, #tpu.memory_space<vmem>>, vector<1x1x16xf32>,
      %swap3A_308 = vector.shape_cast %swap3A_307 : vector<1x1x16xf32> to vector<16xf32>
      %swap3A_309 = vector.shape_cast %mul3A_302 : vector<16xf32> to vector<1x1x16xf32>
      tpu.vector_store %arg6[%swap3A_304, %swap3A_305, %swap3A_306], %swap3A_309 {strides = array<i32>} : memref<2x800x64xf32, #tpu.memory_space<vmem>>, vector<1x1x16xf32>,
      %get3A_310 = arith.constant 1 : i32
      %get3A_311 = arith.index_cast %get3A_310 : i32 to index
      %get3A_312 = arith.index_cast %scan3A_262 : i32 to index
      %get3A_313 = arith.constant 48 : index
      %get3A_314 = tpu.vector_load %arg6[%get3A_311, %get3A_312, %get3A_313] {strides = array<i32>} : memref<2x800x64xf32, #tpu.memory_space<vmem>>, vector<1x1x16xf32>,
      %get3A_315 = vector.shape_cast %get3A_314 : vector<1x1x16xf32> to vector<16xf32>
      %mul3A_316 = arith.constant 8.000000e+00 : f32
      %mul3A_317 = vector.broadcast %mul3A_316 : f32 to vector<16xf32>
      %mul3A_318 = arith.mulf %get3A_315, %mul3A_317 : vector<16xf32>
      %swap3A_319 = arith.constant 1 : i32
      %swap3A_320 = arith.index_cast %swap3A_319 : i32 to index
      %swap3A_321 = arith.index_cast %scan3A_262 : i32 to index
      %swap3A_322 = arith.constant 48 : index
      %swap3A_323 = tpu.vector_load %arg6[%swap3A_320, %swap3A_321, %swap3A_322] {strides = array<i32>} : memref<2x800x64xf32, #tpu.memory_space<vmem>>, vector<1x1x16xf32>,
      %swap3A_324 = vector.shape_cast %swap3A_323 : vector<1x1x16xf32> to vector<16xf32>
      %swap3A_325 = vector.shape_cast %mul3A_318 : vector<16xf32> to vector<1x1x16xf32>
      tpu.vector_store %arg6[%swap3A_320, %swap3A_321, %swap3A_322], %swap3A_325 {strides = array<i32>} : memref<2x800x64xf32, #tpu.memory_space<vmem>>, vector<1x1x16xf32>,
      %scan3A_326 = arith.constant 0 : i32
      %scan3A_327 = arith.constant 1 : i32
      %scan3A_328 = arith.addi %scan3A_262, %scan3A_327 : i32
      %get3A_329 = arith.constant 1 : i32
      %get3A_330 = arith.index_cast %get3A_329 : i32 to index
      %get3A_331 = arith.index_cast %scan3A_328 : i32 to index
      %get3A_332 = arith.constant 0 : index
      %get3A_333 = tpu.vector_load %arg6[%get3A_330, %get3A_331, %get3A_332] {strides = array<i32>} : memref<2x800x64xf32, #tpu.memory_space<vmem>>, vector<1x1x16xf32>,
      %get3A_334 = vector.shape_cast %get3A_333 : vector<1x1x16xf32> to vector<16xf32>
      %mul3A_335 = arith.constant 8.000000e+00 : f32
      %mul3A_336 = vector.broadcast %mul3A_335 : f32 to vector<16xf32>
      %mul3A_337 = arith.mulf %get3A_334, %mul3A_336 : vector<16xf32>
      %swap3A_338 = arith.constant 1 : i32
      %swap3A_339 = arith.index_cast %swap3A_338 : i32 to index
      %swap3A_340 = arith.index_cast %scan3A_328 : i32 to index
      %swap3A_341 = arith.constant 0 : index
      %swap3A_342 = tpu.vector_load %arg6[%swap3A_339, %swap3A_340, %swap3A_341] {strides = array<i32>} : memref<2x800x64xf32, #tpu.memory_space<vmem>>, vector<1x1x16xf32>,
      %swap3A_343 = vector.shape_cast %swap3A_342 : vector<1x1x16xf32> to vector<16xf32>
      %swap3A_344 = vector.shape_cast %mul3A_337 : vector<16xf32> to vector<1x1x16xf32>
      tpu.vector_store %arg6[%swap3A_339, %swap3A_340, %swap3A_341], %swap3A_344 {strides = array<i32>} : memref<2x800x64xf32, #tpu.memory_space<vmem>>, vector<1x1x16xf32>,
      %get3A_345 = arith.constant 1 : i32
      %get3A_346 = arith.index_cast %get3A_345 : i32 to index
      %get3A_347 = arith.index_cast %scan3A_328 : i32 to index
      %get3A_348 = arith.constant 16 : index
      %get3A_349 = tpu.vector_load %arg6[%get3A_346, %get3A_347, %get3A_348] {strides = array<i32>} : memref<2x800x64xf32, #tpu.memory_space<vmem>>, vector<1x1x16xf32>,
      %get3A_350 = vector.shape_cast %get3A_349 : vector<1x1x16xf32> to vector<16xf32>
      %mul3A_351 = arith.constant 8.000000e+00 : f32
      %mul3A_352 = vector.broadcast %mul3A_351 : f32 to vector<16xf32>
      %mul3A_353 = arith.mulf %get3A_350, %mul3A_352 : vector<16xf32>
      %swap3A_354 = arith.constant 1 : i32
      %swap3A_355 = arith.index_cast %swap3A_354 : i32 to index
      %swap3A_356 = arith.index_cast %scan3A_328 : i32 to index
      %swap3A_357 = arith.constant 16 : index
      %swap3A_358 = tpu.vector_load %arg6[%swap3A_355, %swap3A_356, %swap3A_357] {strides = array<i32>} : memref<2x800x64xf32, #tpu.memory_space<vmem>>, vector<1x1x16xf32>,
      %swap3A_359 = vector.shape_cast %swap3A_358 : vector<1x1x16xf32> to vector<16xf32>
      %swap3A_360 = vector.shape_cast %mul3A_353 : vector<16xf32> to vector<1x1x16xf32>
      tpu.vector_store %arg6[%swap3A_355, %swap3A_356, %swap3A_357], %swap3A_360 {strides = array<i32>} : memref<2x800x64xf32, #tpu.memory_space<vmem>>, vector<1x1x16xf32>,
      %get3A_361 = arith.constant 1 : i32
      %get3A_362 = arith.index_cast %get3A_361 : i32 to index
      %get3A_363 = arith.index_cast %scan3A_328 : i32 to index
      %get3A_364 = arith.constant 32 : index
      %get3A_365 = tpu.vector_load %arg6[%get3A_362, %get3A_363, %get3A_364] {strides = array<i32>} : memref<2x800x64xf32, #tpu.memory_space<vmem>>, vector<1x1x16xf32>,
      %get3A_366 = vector.shape_cast %get3A_365 : vector<1x1x16xf32> to vector<16xf32>
      %mul3A_367 = arith.constant 8.000000e+00 : f32
      %mul3A_368 = vector.broadcast %mul3A_367 : f32 to vector<16xf32>
      %mul3A_369 = arith.mulf %get3A_366, %mul3A_368 : vector<16xf32>
      %swap3A_370 = arith.constant 1 : i32
      %swap3A_371 = arith.index_cast %swap3A_370 : i32 to index
      %swap3A_372 = arith.index_cast %scan3A_328 : i32 to index
      %swap3A_373 = arith.constant 32 : index
      %swap3A_374 = tpu.vector_load %arg6[%swap3A_371, %swap3A_372, %swap3A_373] {strides = array<i32>} : memref<2x800x64xf32, #tpu.memory_space<vmem>>, vector<1x1x16xf32>,
      %swap3A_375 = vector.shape_cast %swap3A_374 : vector<1x1x16xf32> to vector<16xf32>
      %swap3A_376 = vector.shape_cast %mul3A_369 : vector<16xf32> to vector<1x1x16xf32>
      tpu.vector_store %arg6[%swap3A_371, %swap3A_372, %swap3A_373], %swap3A_376 {strides = array<i32>} : memref<2x800x64xf32, #tpu.memory_space<vmem>>, vector<1x1x16xf32>,
      %get3A_377 = arith.constant 1 : i32
      %get3A_378 = arith.index_cast %get3A_377 : i32 to index
      %get3A_379 = arith.index_cast %scan3A_328 : i32 to index
      %get3A_380 = arith.constant 48 : index
      %get3A_381 = tpu.vector_load %arg6[%get3A_378, %get3A_379, %get3A_380] {strides = array<i32>} : memref<2x800x64xf32, #tpu.memory_space<vmem>>, vector<1x1x16xf32>,
      %get3A_382 = vector.shape_cast %get3A_381 : vector<1x1x16xf32> to vector<16xf32>
      %mul3A_383 = arith.constant 8.000000e+00 : f32
      %mul3A_384 = vector.broadcast %mul3A_383 : f32 to vector<16xf32>
      %mul3A_385 = arith.mulf %get3A_382, %mul3A_384 : vector<16xf32>
      %swap3A_386 = arith.constant 1 : i32
      %swap3A_387 = arith.index_cast %swap3A_386 : i32 to index
      %swap3A_388 = arith.index_cast %scan3A_328 : i32 to index
      %swap3A_389 = arith.constant 48 : index
      %swap3A_390 = tpu.vector_load %arg6[%swap3A_387, %swap3A_388, %swap3A_389] {strides = array<i32>} : memref<2x800x64xf32, #tpu.memory_space<vmem>>, vector<1x1x16xf32>,
      %swap3A_391 = vector.shape_cast %swap3A_390 : vector<1x1x16xf32> to vector<16xf32>
      %swap3A_392 = vector.shape_cast %mul3A_385 : vector<16xf32> to vector<1x1x16xf32>
      tpu.vector_store %arg6[%swap3A_387, %swap3A_388, %swap3A_389], %swap3A_392 {strides = array<i32>} : memref<2x800x64xf32, #tpu.memory_space<vmem>>, vector<1x1x16xf32>,
      %scan3A_393 = arith.constant 0 : i32
      %scan3A_394 = arith.constant 2 : i32
      %scan3A_395 = arith.addi %scan3A_262, %scan3A_394 : i32
      %get3A_396 = arith.constant 1 : i32
      %get3A_397 = arith.index_cast %get3A_396 : i32 to index
      %get3A_398 = arith.index_cast %scan3A_395 : i32 to index
      %get3A_399 = arith.constant 0 : index
      %get3A_400 = tpu.vector_load %arg6[%get3A_397, %get3A_398, %get3A_399] {strides = array<i32>} : memref<2x800x64xf32, #tpu.memory_space<vmem>>, vector<1x1x16xf32>,
      %get3A_401 = vector.shape_cast %get3A_400 : vector<1x1x16xf32> to vector<16xf32>
      %mul3A_402 = arith.constant 8.000000e+00 : f32
      %mul3A_403 = vector.broadcast %mul3A_402 : f32 to vector<16xf32>
      %mul3A_404 = arith.mulf %get3A_401, %mul3A_403 : vector<16xf32>
      %swap3A_405 = arith.constant 1 : i32
      %swap3A_406 = arith.index_cast %swap3A_405 : i32 to index
      %swap3A_407 = arith.index_cast %scan3A_395 : i32 to index
      %swap3A_408 = arith.constant 0 : index
      %swap3A_409 = tpu.vector_load %arg6[%swap3A_406, %swap3A_407, %swap3A_408] {strides = array<i32>} : memref<2x800x64xf32, #tpu.memory_space<vmem>>, vector<1x1x16xf32>,
      %swap3A_410 = vector.shape_cast %swap3A_409 : vector<1x1x16xf32> to vector<16xf32>
      %swap3A_411 = vector.shape_cast %mul3A_404 : vector<16xf32> to vector<1x1x16xf32>
      tpu.vector_store %arg6[%swap3A_406, %swap3A_407, %swap3A_408], %swap3A_411 {strides = array<i32>} : memref<2x800x64xf32, #tpu.memory_space<vmem>>, vector<1x1x16xf32>,
      %get3A_412 = arith.constant 1 : i32
      %get3A_413 = arith.index_cast %get3A_412 : i32 to index
      %get3A_414 = arith.index_cast %scan3A_395 : i32 to index
      %get3A_415 = arith.constant 16 : index
      %get3A_416 = tpu.vector_load %arg6[%get3A_413, %get3A_414, %get3A_415] {strides = array<i32>} : memref<2x800x64xf32, #tpu.memory_space<vmem>>, vector<1x1x16xf32>,
      %get3A_417 = vector.shape_cast %get3A_416 : vector<1x1x16xf32> to vector<16xf32>
      %mul3A_418 = arith.constant 8.000000e+00 : f32
      %mul3A_419 = vector.broadcast %mul3A_418 : f32 to vector<16xf32>
      %mul3A_420 = arith.mulf %get3A_417, %mul3A_419 : vector<16xf32>
      %swap3A_421 = arith.constant 1 : i32
      %swap3A_422 = arith.index_cast %swap3A_421 : i32 to index
      %swap3A_423 = arith.index_cast %scan3A_395 : i32 to index
      %swap3A_424 = arith.constant 16 : index
      %swap3A_425 = tpu.vector_load %arg6[%swap3A_422, %swap3A_423, %swap3A_424] {strides = array<i32>} : memref<2x800x64xf32, #tpu.memory_space<vmem>>, vector<1x1x16xf32>,
      %swap3A_426 = vector.shape_cast %swap3A_425 : vector<1x1x16xf32> to vector<16xf32>
      %swap3A_427 = vector.shape_cast %mul3A_420 : vector<16xf32> to vector<1x1x16xf32>
      tpu.vector_store %arg6[%swap3A_422, %swap3A_423, %swap3A_424], %swap3A_427 {strides = array<i32>} : memref<2x800x64xf32, #tpu.memory_space<vmem>>, vector<1x1x16xf32>,
      %get3A_428 = arith.constant 1 : i32
      %get3A_429 = arith.index_cast %get3A_428 : i32 to index
      %get3A_430 = arith.index_cast %scan3A_395 : i32 to index
      %get3A_431 = arith.constant 32 : index
      %get3A_432 = tpu.vector_load %arg6[%get3A_429, %get3A_430, %get3A_431] {strides = array<i32>} : memref<2x800x64xf32, #tpu.memory_space<vmem>>, vector<1x1x16xf32>,
      %get3A_433 = vector.shape_cast %get3A_432 : vector<1x1x16xf32> to vector<16xf32>
      %mul3A_434 = arith.constant 8.000000e+00 : f32
      %mul3A_435 = vector.broadcast %mul3A_434 : f32 to vector<16xf32>
      %mul3A_436 = arith.mulf %get3A_433, %mul3A_435 : vector<16xf32>
      %swap3A_437 = arith.constant 1 : i32
      %swap3A_438 = arith.index_cast %swap3A_437 : i32 to index
      %swap3A_439 = arith.index_cast %scan3A_395 : i32 to index
      %swap3A_440 = arith.constant 32 : index
      %swap3A_441 = tpu.vector_load %arg6[%swap3A_438, %swap3A_439, %swap3A_440] {strides = array<i32>} : memref<2x800x64xf32, #tpu.memory_space<vmem>>, vector<1x1x16xf32>,
      %swap3A_442 = vector.shape_cast %swap3A_441 : vector<1x1x16xf32> to vector<16xf32>
      %swap3A_443 = vector.shape_cast %mul3A_436 : vector<16xf32> to vector<1x1x16xf32>
      tpu.vector_store %arg6[%swap3A_438, %swap3A_439, %swap3A_440], %swap3A_443 {strides = array<i32>} : memref<2x800x64xf32, #tpu.memory_space<vmem>>, vector<1x1x16xf32>,
      %get3A_444 = arith.constant 1 : i32
      %get3A_445 = arith.index_cast %get3A_444 : i32 to index
      %get3A_446 = arith.index_cast %scan3A_395 : i32 to index
      %get3A_447 = arith.constant 48 : index
      %get3A_448 = tpu.vector_load %arg6[%get3A_445, %get3A_446, %get3A_447] {strides = array<i32>} : memref<2x800x64xf32, #tpu.memory_space<vmem>>, vector<1x1x16xf32>,
      %get3A_449 = vector.shape_cast %get3A_448 : vector<1x1x16xf32> to vector<16xf32>
      %mul3A_450 = arith.constant 8.000000e+00 : f32
      %mul3A_451 = vector.broadcast %mul3A_450 : f32 to vector<16xf32>
      %mul3A_452 = arith.mulf %get3A_449, %mul3A_451 : vector<16xf32>
      %swap3A_453 = arith.constant 1 : i32
      %swap3A_454 = arith.index_cast %swap3A_453 : i32 to index
      %swap3A_455 = arith.index_cast %scan3A_395 : i32 to index
      %swap3A_456 = arith.constant 48 : index
      %swap3A_457 = tpu.vector_load %arg6[%swap3A_454, %swap3A_455, %swap3A_456] {strides = array<i32>} : memref<2x800x64xf32, #tpu.memory_space<vmem>>, vector<1x1x16xf32>,
      %swap3A_458 = vector.shape_cast %swap3A_457 : vector<1x1x16xf32> to vector<16xf32>
      %swap3A_459 = vector.shape_cast %mul3A_452 : vector<16xf32> to vector<1x1x16xf32>
      tpu.vector_store %arg6[%swap3A_454, %swap3A_455, %swap3A_456], %swap3A_459 {strides = array<i32>} : memref<2x800x64xf32, #tpu.memory_space<vmem>>, vector<1x1x16xf32>,
      %scan3A_460 = arith.constant 0 : i32
      %scan3A_461 = arith.constant 3 : i32
      %scan3A_462 = arith.addi %scan3A_262, %scan3A_461 : i32
      %get3A_463 = arith.constant 1 : i32
      %get3A_464 = arith.index_cast %get3A_463 : i32 to index
      %get3A_465 = arith.index_cast %scan3A_462 : i32 to index
      %get3A_466 = arith.constant 0 : index
      %get3A_467 = tpu.vector_load %arg6[%get3A_464, %get3A_465, %get3A_466] {strides = array<i32>} : memref<2x800x64xf32, #tpu.memory_space<vmem>>, vector<1x1x16xf32>,
      %get3A_468 = vector.shape_cast %get3A_467 : vector<1x1x16xf32> to vector<16xf32>
      %mul3A_469 = arith.constant 8.000000e+00 : f32
      %mul3A_470 = vector.broadcast %mul3A_469 : f32 to vector<16xf32>
      %mul3A_471 = arith.mulf %get3A_468, %mul3A_470 : vector<16xf32>
      %swap3A_472 = arith.constant 1 : i32
      %swap3A_473 = arith.index_cast %swap3A_472 : i32 to index
      %swap3A_474 = arith.index_cast %scan3A_462 : i32 to index
      %swap3A_475 = arith.constant 0 : index
      %swap3A_476 = tpu.vector_load %arg6[%swap3A_473, %swap3A_474, %swap3A_475] {strides = array<i32>} : memref<2x800x64xf32, #tpu.memory_space<vmem>>, vector<1x1x16xf32>,
      %swap3A_477 = vector.shape_cast %swap3A_476 : vector<1x1x16xf32> to vector<16xf32>
      %swap3A_478 = vector.shape_cast %mul3A_471 : vector<16xf32> to vector<1x1x16xf32>
      tpu.vector_store %arg6[%swap3A_473, %swap3A_474, %swap3A_475], %swap3A_478 {strides = array<i32>} : memref<2x800x64xf32, #tpu.memory_space<vmem>>, vector<1x1x16xf32>,
      %get3A_479 = arith.constant 1 : i32
      %get3A_480 = arith.index_cast %get3A_479 : i32 to index
      %get3A_481 = arith.index_cast %scan3A_462 : i32 to index
      %get3A_482 = arith.constant 16 : index
      %get3A_483 = tpu.vector_load %arg6[%get3A_480, %get3A_481, %get3A_482] {strides = array<i32>} : memref<2x800x64xf32, #tpu.memory_space<vmem>>, vector<1x1x16xf32>,
      %get3A_484 = vector.shape_cast %get3A_483 : vector<1x1x16xf32> to vector<16xf32>
      %mul3A_485 = arith.constant 8.000000e+00 : f32
      %mul3A_486 = vector.broadcast %mul3A_485 : f32 to vector<16xf32>
      %mul3A_487 = arith.mulf %get3A_484, %mul3A_486 : vector<16xf32>
      %swap3A_488 = arith.constant 1 : i32
      %swap3A_489 = arith.index_cast %swap3A_488 : i32 to index
      %swap3A_490 = arith.index_cast %scan3A_462 : i32 to index
      %swap3A_491 = arith.constant 16 : index
      %swap3A_492 = tpu.vector_load %arg6[%swap3A_489, %swap3A_490, %swap3A_491] {strides = array<i32>} : memref<2x800x64xf32, #tpu.memory_space<vmem>>, vector<1x1x16xf32>,
      %swap3A_493 = vector.shape_cast %swap3A_492 : vector<1x1x16xf32> to vector<16xf32>
      %swap3A_494 = vector.shape_cast %mul3A_487 : vector<16xf32> to vector<1x1x16xf32>
      tpu.vector_store %arg6[%swap3A_489, %swap3A_490, %swap3A_491], %swap3A_494 {strides = array<i32>} : memref<2x800x64xf32, #tpu.memory_space<vmem>>, vector<1x1x16xf32>,
      %get3A_495 = arith.constant 1 : i32
      %get3A_496 = arith.index_cast %get3A_495 : i32 to index
      %get3A_497 = arith.index_cast %scan3A_462 : i32 to index
      %get3A_498 = arith.constant 32 : index
      %get3A_499 = tpu.vector_load %arg6[%get3A_496, %get3A_497, %get3A_498] {strides = array<i32>} : memref<2x800x64xf32, #tpu.memory_space<vmem>>, vector<1x1x16xf32>,
      %get3A_500 = vector.shape_cast %get3A_499 : vector<1x1x16xf32> to vector<16xf32>
      %mul3A_501 = arith.constant 8.000000e+00 : f32
      %mul3A_502 = vector.broadcast %mul3A_501 : f32 to vector<16xf32>
      %mul3A_503 = arith.mulf %get3A_500, %mul3A_502 : vector<16xf32>
      %swap3A_504 = arith.constant 1 : i32
      %swap3A_505 = arith.index_cast %swap3A_504 : i32 to index
      %swap3A_506 = arith.index_cast %scan3A_462 : i32 to index
      %swap3A_507 = arith.constant 32 : index
      %swap3A_508 = tpu.vector_load %arg6[%swap3A_505, %swap3A_506, %swap3A_507] {strides = array<i32>} : memref<2x800x64xf32, #tpu.memory_space<vmem>>, vector<1x1x16xf32>,
      %swap3A_509 = vector.shape_cast %swap3A_508 : vector<1x1x16xf32> to vector<16xf32>
      %swap3A_510 = vector.shape_cast %mul3A_503 : vector<16xf32> to vector<1x1x16xf32>
      tpu.vector_store %arg6[%swap3A_505, %swap3A_506, %swap3A_507], %swap3A_510 {strides = array<i32>} : memref<2x800x64xf32, #tpu.memory_space<vmem>>, vector<1x1x16xf32>,
      %get3A_511 = arith.constant 1 : i32
      %get3A_512 = arith.index_cast %get3A_511 : i32 to index
      %get3A_513 = arith.index_cast %scan3A_462 : i32 to index
      %get3A_514 = arith.constant 48 : index
      %get3A_515 = tpu.vector_load %arg6[%get3A_512, %get3A_513, %get3A_514] {strides = array<i32>} : memref<2x800x64xf32, #tpu.memory_space<vmem>>, vector<1x1x16xf32>,
      %get3A_516 = vector.shape_cast %get3A_515 : vector<1x1x16xf32> to vector<16xf32>
      %mul3A_517 = arith.constant 8.000000e+00 : f32
      %mul3A_518 = vector.broadcast %mul3A_517 : f32 to vector<16xf32>
      %mul3A_519 = arith.mulf %get3A_516, %mul3A_518 : vector<16xf32>
      %swap3A_520 = arith.constant 1 : i32
      %swap3A_521 = arith.index_cast %swap3A_520 : i32 to index
      %swap3A_522 = arith.index_cast %scan3A_462 : i32 to index
      %swap3A_523 = arith.constant 48 : index
      %swap3A_524 = tpu.vector_load %arg6[%swap3A_521, %swap3A_522, %swap3A_523] {strides = array<i32>} : memref<2x800x64xf32, #tpu.memory_space<vmem>>, vector<1x1x16xf32>,
      %swap3A_525 = vector.shape_cast %swap3A_524 : vector<1x1x16xf32> to vector<16xf32>
      %swap3A_526 = vector.shape_cast %mul3A_519 : vector<16xf32> to vector<1x1x16xf32>
      tpu.vector_store %arg6[%swap3A_521, %swap3A_522, %swap3A_523], %swap3A_526 {strides = array<i32>} : memref<2x800x64xf32, #tpu.memory_space<vmem>>, vector<1x1x16xf32>,
      %scan3A_527 = arith.constant 0 : i32
      scf.yield %scan3A_527 : i32
    }
    %scan3A_114 = arith.constant 800 : i32
    %add3A_115 = arith.constant 800 : i32
    %add3A_116 = arith.addi %mul3A_2, %add3A_115 : i32
    %dma_start3A_117 = arith.constant 1 : i32
    %dma_start3A_118 = arith.constant 0 : i32
    %dma_start3A_119 = arith.constant 0 : i32
    %dma_start3A_120 = tpu.memref_slice %arg6[%dma_start3A_117, %dma_start3A_118, %dma_start3A_119] : memref<2x800x64xf32, #tpu.memory_space<vmem>> -> memref<1x800x64xf32, #tpu.memory_space<vmem>>
    %dma_start3A_121 = tpu.memref_squeeze %dma_start3A_120 : memref<1x800x64xf32, #tpu.memory_space<vmem>> -> memref<800x64xf32, #tpu.memory_space<vmem>>
    %dma_start3A_122 = arith.constant 0 : i32
    %dma_start3A_123 = tpu.memref_slice %arg4[%add3A_116, %dma_start3A_122] : memref<819200x64xf32, #tpu.memory_space<hbm>> -> memref<800x64xf32, #tpu.memory_space<hbm>>
    %dma_start3A_124 = arith.constant 0 : i32
    %dma_start3A_125 = tpu.memref_slice %arg4[%add3A_116, %dma_start3A_124] : memref<819200x64xf32, #tpu.memory_space<hbm>> -> memref<800x64xf32, #tpu.memory_space<hbm>>
    %dma_start3A_126 = arith.constant 0 : i32
    %dma_start3A_127 = arith.constant 0 : i32
    %dma_start3A_128 = tpu.memref_slice %arg6[%dma_start3A_117, %dma_start3A_126, %dma_start3A_127] : memref<2x800x64xf32, #tpu.memory_space<vmem>> -> memref<1x800x64xf32, #tpu.memory_space<vmem>>
    %dma_start3A_129 = tpu.memref_squeeze %dma_start3A_128 : memref<1x800x64xf32, #tpu.memory_space<vmem>> -> memref<800x64xf32, #tpu.memory_space<vmem>>
    tpu.enqueue_dma source(%dma_start3A_129 : memref<800x64xf32, #tpu.memory_space<vmem>>) target(%dma_start3A_125 : memref<800x64xf32, #tpu.memory_space<hbm>>) target_semaphore(%arg10 : memref<!tpu.dma_semaphore, #tpu.memory_space<semaphore_mem>>)
    %scan3A_130 = arith.constant 0 : i32
    %scan3A_131 = arith.constant 1 : i32
    %scan3A_132 = arith.constant 14 : i32
    %scan3A_133 = arith.addi %scan3A_131, %scan3A_132 : i32
    %scan3A_134 = arith.constant 1 : i32
    %scan3A_135 = scf.for %scan3A_262 = %scan3A_131 to %scan3A_133 step %scan3A_134 iter_args(%scan3A_263 = %scan3A_130) -> (i32)  : i32 {
      %mul3A_264 = arith.constant 2 : i32
      %mul3A_265 = arith.muli %mul3A_264, %scan3A_262 : i32
      %sub3A = arith.constant 1 : i32
      %sub3A_266 = arith.subi %mul3A_265, %sub3A : i32
      %mul3A_267 = arith.constant 800 : i32
      %mul3A_268 = arith.muli %sub3A_266, %mul3A_267 : i32
      %add3A_269 = arith.addi %mul3A_2, %mul3A_268 : i32
      %dma_wait3A_270 = arith.constant 1 : i32
      %dma_wait3A_271 = arith.constant 0 : i32
      %dma_wait3A_272 = arith.constant 0 : i32
      %dma_wait3A_273 = tpu.memref_slice %arg6[%dma_wait3A_270, %dma_wait3A_271, %dma_wait3A_272] : memref<2x800x64xf32, #tpu.memory_space<vmem>> -> memref<1x800x64xf32, #tpu.memory_space<vmem>>
      %dma_wait3A_274 = tpu.memref_squeeze %dma_wait3A_273 : memref<1x800x64xf32, #tpu.memory_space<vmem>> -> memref<800x64xf32, #tpu.memory_space<vmem>>
      %dma_wait3A_275 = arith.constant 0 : i32
      %dma_wait3A_276 = tpu.memref_slice %arg4[%add3A_269, %dma_wait3A_275] : memref<819200x64xf32, #tpu.memory_space<hbm>> -> memref<800x64xf32, #tpu.memory_space<hbm>>
      %dma_wait3A_277 = arith.constant 0 : i32
      %dma_wait3A_278 = tpu.memref_slice %arg4[%add3A_269, %dma_wait3A_277] : memref<819200x64xf32, #tpu.memory_space<hbm>> -> memref<800x64xf32, #tpu.memory_space<hbm>>
      %dma_wait3A_279 = arith.constant 0 : i32
      %dma_wait3A_280 = arith.constant 0 : i32
      %dma_wait3A_281 = tpu.memref_slice %arg6[%dma_wait3A_270, %dma_wait3A_279, %dma_wait3A_280] : memref<2x800x64xf32, #tpu.memory_space<vmem>> -> memref<1x800x64xf32, #tpu.memory_space<vmem>>
      %dma_wait3A_282 = tpu.memref_squeeze %dma_wait3A_281 : memref<1x800x64xf32, #tpu.memory_space<vmem>> -> memref<800x64xf32, #tpu.memory_space<vmem>>
      tpu.wait_dma2 semaphore(%arg10 : memref<!tpu.dma_semaphore, #tpu.memory_space<semaphore_mem>>) src(%dma_wait3A_282 : memref<800x64xf32, #tpu.memory_space<vmem>>) dst(%dma_wait3A_278 : memref<800x64xf32, #tpu.memory_space<hbm>>)
      %dma_start3A_283 = arith.constant 1 : i32
      %dma_start3A_284 = arith.constant 1 : i32
      %dma_start3A_285 = arith.constant 0 : i32
      %dma_start3A_286 = arith.constant 0 : i32
      %dma_start3A_287 = tpu.memref_slice %arg6[%dma_start3A_284, %dma_start3A_285, %dma_start3A_286] : memref<2x800x64xf32, #tpu.memory_space<vmem>> -> memref<1x800x64xf32, #tpu.memory_space<vmem>>
      %dma_start3A_288 = tpu.memref_squeeze %dma_start3A_287 : memref<1x800x64xf32, #tpu.memory_space<vmem>> -> memref<800x64xf32, #tpu.memory_space<vmem>>
      %dma_start3A_289 = arith.constant 0 : i32
      %dma_start3A_290 = tpu.memref_slice %arg5[%dma_start3A_283, %dma_start3A_289] : memref<2x800xi32, #tpu.memory_space<vmem>> -> memref<1x800xi32, #tpu.memory_space<vmem>>
      %dma_start3A_291 = tpu.memref_squeeze %dma_start3A_290 : memref<1x800xi32, #tpu.memory_space<vmem>> -> memref<800xi32, #tpu.memory_space<vmem>>
      %dma_start3A_292 = arith.constant 0 : i32
      %dma_start3A_293 = arith.constant 0 : i32
      %dma_start3A_294 = tpu.memref_slice %arg3[%dma_start3A_292, %dma_start3A_293] : memref<1000000x64xf32, #tpu.memory_space<hbm>> -> memref<1000000x64xf32, #tpu.memory_space<hbm>>
      tpu.enqueue_indirect_dma source(%dma_start3A_294 : memref<1000000x64xf32, #tpu.memory_space<hbm>>) target(%dma_start3A_288 : memref<800x64xf32, #tpu.memory_space<vmem>>) offsets(%dma_start3A_291 : memref<800xi32, #tpu.memory_space<vmem>>) semaphore(%arg8 : memref<!tpu.dma_semaphore, #tpu.memory_space<semaphore_mem>>)
      %dma_wait3A_295 = arith.constant 0 : i32
      %dma_wait3A_296 = arith.constant 0 : i32
      %dma_wait3A_297 = arith.constant 0 : i32
      %dma_wait3A_298 = arith.constant 0 : i32
      %dma_wait3A_299 = tpu.memref_slice %arg6[%dma_wait3A_296, %dma_wait3A_297, %dma_wait3A_298] : memref<2x800x64xf32, #tpu.memory_space<vmem>> -> memref<1x800x64xf32, #tpu.memory_space<vmem>>
      %dma_wait3A_300 = tpu.memref_squeeze %dma_wait3A_299 : memref<1x800x64xf32, #tpu.memory_space<vmem>> -> memref<800x64xf32, #tpu.memory_space<vmem>>
      %dma_wait3A_301 = arith.constant 0 : i32
      %dma_wait3A_302 = tpu.memref_slice %arg5[%dma_wait3A_295, %dma_wait3A_301] : memref<2x800xi32, #tpu.memory_space<vmem>> -> memref<1x800xi32, #tpu.memory_space<vmem>>
      %dma_wait3A_303 = tpu.memref_squeeze %dma_wait3A_302 : memref<1x800xi32, #tpu.memory_space<vmem>> -> memref<800xi32, #tpu.memory_space<vmem>>
      %dma_wait3A_304 = arith.constant 0 : i32
      %dma_wait3A_305 = arith.constant 0 : i32
      %dma_wait3A_306 = tpu.memref_slice %arg3[%dma_wait3A_304, %dma_wait3A_305] : memref<1000000x64xf32, #tpu.memory_space<hbm>> -> memref<1000000x64xf32, #tpu.memory_space<hbm>>
      tpu.wait_indirect_dma semaphore(%arg7 : memref<!tpu.dma_semaphore, #tpu.memory_space<semaphore_mem>>) src(%dma_wait3A_306 : memref<1000000x64xf32, #tpu.memory_space<hbm>>) dst(%dma_wait3A_300 : memref<800x64xf32, #tpu.memory_space<vmem>>)
      %add3A_307 = arith.constant 2 : i32
      %add3A_308 = arith.addi %mul3A_265, %add3A_307 : i32
      %mul3A_309 = arith.constant 800 : i32
      %mul3A_310 = arith.muli %add3A_308, %mul3A_309 : i32
      %add3A_311 = arith.addi %mul3A_2, %mul3A_310 : i32
      %run_scoped3A_312 = arith.constant 0 : i32
      "tpu.region"() ({
        %run_scoped3A_410 = tpu.sem_alloc : memref<!tpu.dma_semaphore, #tpu.memory_space<semaphore_mem>>
        %dma_start3A_411 = arith.constant 0 : i32
        %dma_start3A_412 = tpu.memref_slice %arg5[%run_scoped3A_312, %dma_start3A_411] : memref<2x800xi32, #tpu.memory_space<vmem>> -> memref<1x800xi32, #tpu.memory_space<vmem>>
        %dma_start3A_413 = tpu.memref_squeeze %dma_start3A_412 : memref<1x800xi32, #tpu.memory_space<vmem>> -> memref<800xi32, #tpu.memory_space<vmem>>
        %dma_start3A_414 = tpu.memref_slice %arg2[%add3A_311] : memref<819200xi32, #tpu.memory_space<hbm>> -> memref<800xi32, #tpu.memory_space<hbm>>
        %dma_start3A_415 = arith.constant 0 : i32
        %dma_start3A_416 = tpu.memref_slice %arg5[%run_scoped3A_312, %dma_start3A_415] : memref<2x800xi32, #tpu.memory_space<vmem>> -> memref<1x800xi32, #tpu.memory_space<vmem>>
        %dma_start3A_417 = tpu.memref_squeeze %dma_start3A_416 : memref<1x800xi32, #tpu.memory_space<vmem>> -> memref<800xi32, #tpu.memory_space<vmem>>
        %dma_start3A_418 = tpu.memref_slice %arg2[%add3A_311] : memref<819200xi32, #tpu.memory_space<hbm>> -> memref<800xi32, #tpu.memory_space<hbm>>
        tpu.enqueue_dma source(%dma_start3A_418 : memref<800xi32, #tpu.memory_space<hbm>>) target(%dma_start3A_417 : memref<800xi32, #tpu.memory_space<vmem>>) target_semaphore(%run_scoped3A_410 : memref<!tpu.dma_semaphore, #tpu.memory_space<semaphore_mem>>)
        %dma_wait3A_419 = arith.constant 0 : i32
        %dma_wait3A_420 = tpu.memref_slice %arg5[%run_scoped3A_312, %dma_wait3A_419] : memref<2x800xi32, #tpu.memory_space<vmem>> -> memref<1x800xi32, #tpu.memory_space<vmem>>
        %dma_wait3A_421 = tpu.memref_squeeze %dma_wait3A_420 : memref<1x800xi32, #tpu.memory_space<vmem>> -> memref<800xi32, #tpu.memory_space<vmem>>
        %dma_wait3A_422 = tpu.memref_slice %arg2[%add3A_311] : memref<819200xi32, #tpu.memory_space<hbm>> -> memref<800xi32, #tpu.memory_space<hbm>>
        %dma_wait3A_423 = arith.constant 0 : i32
        %dma_wait3A_424 = tpu.memref_slice %arg5[%run_scoped3A_312, %dma_wait3A_423] : memref<2x800xi32, #tpu.memory_space<vmem>> -> memref<1x800xi32, #tpu.memory_space<vmem>>
        %dma_wait3A_425 = tpu.memref_squeeze %dma_wait3A_424 : memref<1x800xi32, #tpu.memory_space<vmem>> -> memref<800xi32, #tpu.memory_space<vmem>>
        %dma_wait3A_426 = tpu.memref_slice %arg2[%add3A_311] : memref<819200xi32, #tpu.memory_space<hbm>> -> memref<800xi32, #tpu.memory_space<hbm>>
        tpu.wait_dma2 semaphore(%run_scoped3A_410 : memref<!tpu.dma_semaphore, #tpu.memory_space<semaphore_mem>>) src(%dma_wait3A_426 : memref<800xi32, #tpu.memory_space<hbm>>) dst(%dma_wait3A_425 : memref<800xi32, #tpu.memory_space<vmem>>)
        tpu.yield
      }) : () -> ()
      %scan3A_313 = arith.constant 0 : i32
      %scan3A_314 = arith.constant 0 : i32
      %scan3A_315 = arith.constant 800 : i32
      %scan3A_316 = arith.addi %scan3A_314, %scan3A_315 : i32
      %scan3A_317 = arith.constant 4 : i32
      %scan3A_318 = scf.for %scan3A_410 = %scan3A_314 to %scan3A_316 step %scan3A_317 iter_args(%scan3A_411 = %scan3A_313) -> (i32)  : i32 {
        %get3A = arith.constant 0 : i32
        %get3A_412 = arith.index_cast %get3A : i32 to index
        %get3A_413 = arith.index_cast %scan3A_410 : i32 to index
        %get3A_414 = arith.constant 0 : index
        %get3A_415 = tpu.vector_load %arg6[%get3A_412, %get3A_413, %get3A_414] {strides = array<i32>} : memref<2x800x64xf32, #tpu.memory_space<vmem>>, vector<1x1x16xf32>,
        %get3A_416 = vector.shape_cast %get3A_415 : vector<1x1x16xf32> to vector<16xf32>
        %mul3A_417 = arith.constant 8.000000e+00 : f32
        %mul3A_418 = vector.broadcast %mul3A_417 : f32 to vector<16xf32>
        %mul3A_419 = arith.mulf %get3A_416, %mul3A_418 : vector<16xf32>
        %swap3A = arith.constant 0 : i32
        %swap3A_420 = arith.index_cast %swap3A : i32 to index
        %swap3A_421 = arith.index_cast %scan3A_410 : i32 to index
        %swap3A_422 = arith.constant 0 : index
        %swap3A_423 = tpu.vector_load %arg6[%swap3A_420, %swap3A_421, %swap3A_422] {strides = array<i32>} : memref<2x800x64xf32, #tpu.memory_space<vmem>>, vector<1x1x16xf32>,
        %swap3A_424 = vector.shape_cast %swap3A_423 : vector<1x1x16xf32> to vector<16xf32>
        %swap3A_425 = vector.shape_cast %mul3A_419 : vector<16xf32> to vector<1x1x16xf32>
        tpu.vector_store %arg6[%swap3A_420, %swap3A_421, %swap3A_422], %swap3A_425 {strides = array<i32>} : memref<2x800x64xf32, #tpu.memory_space<vmem>>, vector<1x1x16xf32>,
        %get3A_426 = arith.constant 0 : i32
        %get3A_427 = arith.index_cast %get3A_426 : i32 to index
        %get3A_428 = arith.index_cast %scan3A_410 : i32 to index
        %get3A_429 = arith.constant 16 : index
        %get3A_430 = tpu.vector_load %arg6[%get3A_427, %get3A_428, %get3A_429] {strides = array<i32>} : memref<2x800x64xf32, #tpu.memory_space<vmem>>, vector<1x1x16xf32>,
        %get3A_431 = vector.shape_cast %get3A_430 : vector<1x1x16xf32> to vector<16xf32>
        %mul3A_432 = arith.constant 8.000000e+00 : f32
        %mul3A_433 = vector.broadcast %mul3A_432 : f32 to vector<16xf32>
        %mul3A_434 = arith.mulf %get3A_431, %mul3A_433 : vector<16xf32>
        %swap3A_435 = arith.constant 0 : i32
        %swap3A_436 = arith.index_cast %swap3A_435 : i32 to index
        %swap3A_437 = arith.index_cast %scan3A_410 : i32 to index
        %swap3A_438 = arith.constant 16 : index
        %swap3A_439 = tpu.vector_load %arg6[%swap3A_436, %swap3A_437, %swap3A_438] {strides = array<i32>} : memref<2x800x64xf32, #tpu.memory_space<vmem>>, vector<1x1x16xf32>,
        %swap3A_440 = vector.shape_cast %swap3A_439 : vector<1x1x16xf32> to vector<16xf32>
        %swap3A_441 = vector.shape_cast %mul3A_434 : vector<16xf32> to vector<1x1x16xf32>
        tpu.vector_store %arg6[%swap3A_436, %swap3A_437, %swap3A_438], %swap3A_441 {strides = array<i32>} : memref<2x800x64xf32, #tpu.memory_space<vmem>>, vector<1x1x16xf32>,
        %get3A_442 = arith.constant 0 : i32
        %get3A_443 = arith.index_cast %get3A_442 : i32 to index
        %get3A_444 = arith.index_cast %scan3A_410 : i32 to index
        %get3A_445 = arith.constant 32 : index
        %get3A_446 = tpu.vector_load %arg6[%get3A_443, %get3A_444, %get3A_445] {strides = array<i32>} : memref<2x800x64xf32, #tpu.memory_space<vmem>>, vector<1x1x16xf32>,
        %get3A_447 = vector.shape_cast %get3A_446 : vector<1x1x16xf32> to vector<16xf32>
        %mul3A_448 = arith.constant 8.000000e+00 : f32
        %mul3A_449 = vector.broadcast %mul3A_448 : f32 to vector<16xf32>
        %mul3A_450 = arith.mulf %get3A_447, %mul3A_449 : vector<16xf32>
        %swap3A_451 = arith.constant 0 : i32
        %swap3A_452 = arith.index_cast %swap3A_451 : i32 to index
        %swap3A_453 = arith.index_cast %scan3A_410 : i32 to index
        %swap3A_454 = arith.constant 32 : index
        %swap3A_455 = tpu.vector_load %arg6[%swap3A_452, %swap3A_453, %swap3A_454] {strides = array<i32>} : memref<2x800x64xf32, #tpu.memory_space<vmem>>, vector<1x1x16xf32>,
        %swap3A_456 = vector.shape_cast %swap3A_455 : vector<1x1x16xf32> to vector<16xf32>
        %swap3A_457 = vector.shape_cast %mul3A_450 : vector<16xf32> to vector<1x1x16xf32>
        tpu.vector_store %arg6[%swap3A_452, %swap3A_453, %swap3A_454], %swap3A_457 {strides = array<i32>} : memref<2x800x64xf32, #tpu.memory_space<vmem>>, vector<1x1x16xf32>,
        %get3A_458 = arith.constant 0 : i32
        %get3A_459 = arith.index_cast %get3A_458 : i32 to index
        %get3A_460 = arith.index_cast %scan3A_410 : i32 to index
        %get3A_461 = arith.constant 48 : index
        %get3A_462 = tpu.vector_load %arg6[%get3A_459, %get3A_460, %get3A_461] {strides = array<i32>} : memref<2x800x64xf32, #tpu.memory_space<vmem>>, vector<1x1x16xf32>,
        %get3A_463 = vector.shape_cast %get3A_462 : vector<1x1x16xf32> to vector<16xf32>
        %mul3A_464 = arith.constant 8.000000e+00 : f32
        %mul3A_465 = vector.broadcast %mul3A_464 : f32 to vector<16xf32>
        %mul3A_466 = arith.mulf %get3A_463, %mul3A_465 : vector<16xf32>
        %swap3A_467 = arith.constant 0 : i32
        %swap3A_468 = arith.index_cast %swap3A_467 : i32 to index
        %swap3A_469 = arith.index_cast %scan3A_410 : i32 to index
        %swap3A_470 = arith.constant 48 : index
        %swap3A_471 = tpu.vector_load %arg6[%swap3A_468, %swap3A_469, %swap3A_470] {strides = array<i32>} : memref<2x800x64xf32, #tpu.memory_space<vmem>>, vector<1x1x16xf32>,
        %swap3A_472 = vector.shape_cast %swap3A_471 : vector<1x1x16xf32> to vector<16xf32>
        %swap3A_473 = vector.shape_cast %mul3A_466 : vector<16xf32> to vector<1x1x16xf32>
        tpu.vector_store %arg6[%swap3A_468, %swap3A_469, %swap3A_470], %swap3A_473 {strides = array<i32>} : memref<2x800x64xf32, #tpu.memory_space<vmem>>, vector<1x1x16xf32>,
        %scan3A_474 = arith.constant 0 : i32
        %scan3A_475 = arith.constant 1 : i32
        %scan3A_476 = arith.addi %scan3A_410, %scan3A_475 : i32
        %get3A_477 = arith.constant 0 : i32
        %get3A_478 = arith.index_cast %get3A_477 : i32 to index
        %get3A_479 = arith.index_cast %scan3A_476 : i32 to index
        %get3A_480 = arith.constant 0 : index
        %get3A_481 = tpu.vector_load %arg6[%get3A_478, %get3A_479, %get3A_480] {strides = array<i32>} : memref<2x800x64xf32, #tpu.memory_space<vmem>>, vector<1x1x16xf32>,
        %get3A_482 = vector.shape_cast %get3A_481 : vector<1x1x16xf32> to vector<16xf32>
        %mul3A_483 = arith.constant 8.000000e+00 : f32
        %mul3A_484 = vector.broadcast %mul3A_483 : f32 to vector<16xf32>
        %mul3A_485 = arith.mulf %get3A_482, %mul3A_484 : vector<16xf32>
        %swap3A_486 = arith.constant 0 : i32
        %swap3A_487 = arith.index_cast %swap3A_486 : i32 to index
        %swap3A_488 = arith.index_cast %scan3A_476 : i32 to index
        %swap3A_489 = arith.constant 0 : index
        %swap3A_490 = tpu.vector_load %arg6[%swap3A_487, %swap3A_488, %swap3A_489] {strides = array<i32>} : memref<2x800x64xf32, #tpu.memory_space<vmem>>, vector<1x1x16xf32>,
        %swap3A_491 = vector.shape_cast %swap3A_490 : vector<1x1x16xf32> to vector<16xf32>
        %swap3A_492 = vector.shape_cast %mul3A_485 : vector<16xf32> to vector<1x1x16xf32>
        tpu.vector_store %arg6[%swap3A_487, %swap3A_488, %swap3A_489], %swap3A_492 {strides = array<i32>} : memref<2x800x64xf32, #tpu.memory_space<vmem>>, vector<1x1x16xf32>,
        %get3A_493 = arith.constant 0 : i32
        %get3A_494 = arith.index_cast %get3A_493 : i32 to index
        %get3A_495 = arith.index_cast %scan3A_476 : i32 to index
        %get3A_496 = arith.constant 16 : index
        %get3A_497 = tpu.vector_load %arg6[%get3A_494, %get3A_495, %get3A_496] {strides = array<i32>} : memref<2x800x64xf32, #tpu.memory_space<vmem>>, vector<1x1x16xf32>,
        %get3A_498 = vector.shape_cast %get3A_497 : vector<1x1x16xf32> to vector<16xf32>
        %mul3A_499 = arith.constant 8.000000e+00 : f32
        %mul3A_500 = vector.broadcast %mul3A_499 : f32 to vector<16xf32>
        %mul3A_501 = arith.mulf %get3A_498, %mul3A_500 : vector<16xf32>
        %swap3A_502 = arith.constant 0 : i32
        %swap3A_503 = arith.index_cast %swap3A_502 : i32 to index
        %swap3A_504 = arith.index_cast %scan3A_476 : i32 to index
        %swap3A_505 = arith.constant 16 : index
        %swap3A_506 = tpu.vector_load %arg6[%swap3A_503, %swap3A_504, %swap3A_505] {strides = array<i32>} : memref<2x800x64xf32, #tpu.memory_space<vmem>>, vector<1x1x16xf32>,
        %swap3A_507 = vector.shape_cast %swap3A_506 : vector<1x1x16xf32> to vector<16xf32>
        %swap3A_508 = vector.shape_cast %mul3A_501 : vector<16xf32> to vector<1x1x16xf32>
        tpu.vector_store %arg6[%swap3A_503, %swap3A_504, %swap3A_505], %swap3A_508 {strides = array<i32>} : memref<2x800x64xf32, #tpu.memory_space<vmem>>, vector<1x1x16xf32>,
        %get3A_509 = arith.constant 0 : i32
        %get3A_510 = arith.index_cast %get3A_509 : i32 to index
        %get3A_511 = arith.index_cast %scan3A_476 : i32 to index
        %get3A_512 = arith.constant 32 : index
        %get3A_513 = tpu.vector_load %arg6[%get3A_510, %get3A_511, %get3A_512] {strides = array<i32>} : memref<2x800x64xf32, #tpu.memory_space<vmem>>, vector<1x1x16xf32>,
        %get3A_514 = vector.shape_cast %get3A_513 : vector<1x1x16xf32> to vector<16xf32>
        %mul3A_515 = arith.constant 8.000000e+00 : f32
        %mul3A_516 = vector.broadcast %mul3A_515 : f32 to vector<16xf32>
        %mul3A_517 = arith.mulf %get3A_514, %mul3A_516 : vector<16xf32>
        %swap3A_518 = arith.constant 0 : i32
        %swap3A_519 = arith.index_cast %swap3A_518 : i32 to index
        %swap3A_520 = arith.index_cast %scan3A_476 : i32 to index
        %swap3A_521 = arith.constant 32 : index
        %swap3A_522 = tpu.vector_load %arg6[%swap3A_519, %swap3A_520, %swap3A_521] {strides = array<i32>} : memref<2x800x64xf32, #tpu.memory_space<vmem>>, vector<1x1x16xf32>,
        %swap3A_523 = vector.shape_cast %swap3A_522 : vector<1x1x16xf32> to vector<16xf32>
        %swap3A_524 = vector.shape_cast %mul3A_517 : vector<16xf32> to vector<1x1x16xf32>
        tpu.vector_store %arg6[%swap3A_519, %swap3A_520, %swap3A_521], %swap3A_524 {strides = array<i32>} : memref<2x800x64xf32, #tpu.memory_space<vmem>>, vector<1x1x16xf32>,
        %get3A_525 = arith.constant 0 : i32
        %get3A_526 = arith.index_cast %get3A_525 : i32 to index
        %get3A_527 = arith.index_cast %scan3A_476 : i32 to index
        %get3A_528 = arith.constant 48 : index
        %get3A_529 = tpu.vector_load %arg6[%get3A_526, %get3A_527, %get3A_528] {strides = array<i32>} : memref<2x800x64xf32, #tpu.memory_space<vmem>>, vector<1x1x16xf32>,
        %get3A_530 = vector.shape_cast %get3A_529 : vector<1x1x16xf32> to vector<16xf32>
        %mul3A_531 = arith.constant 8.000000e+00 : f32
        %mul3A_532 = vector.broadcast %mul3A_531 : f32 to vector<16xf32>
        %mul3A_533 = arith.mulf %get3A_530, %mul3A_532 : vector<16xf32>
        %swap3A_534 = arith.constant 0 : i32
        %swap3A_535 = arith.index_cast %swap3A_534 : i32 to index
        %swap3A_536 = arith.index_cast %scan3A_476 : i32 to index
        %swap3A_537 = arith.constant 48 : index
        %swap3A_538 = tpu.vector_load %arg6[%swap3A_535, %swap3A_536, %swap3A_537] {strides = array<i32>} : memref<2x800x64xf32, #tpu.memory_space<vmem>>, vector<1x1x16xf32>,
        %swap3A_539 = vector.shape_cast %swap3A_538 : vector<1x1x16xf32> to vector<16xf32>
        %swap3A_540 = vector.shape_cast %mul3A_533 : vector<16xf32> to vector<1x1x16xf32>
        tpu.vector_store %arg6[%swap3A_535, %swap3A_536, %swap3A_537], %swap3A_540 {strides = array<i32>} : memref<2x800x64xf32, #tpu.memory_space<vmem>>, vector<1x1x16xf32>,
        %scan3A_541 = arith.constant 0 : i32
        %scan3A_542 = arith.constant 2 : i32
        %scan3A_543 = arith.addi %scan3A_410, %scan3A_542 : i32
        %get3A_544 = arith.constant 0 : i32
        %get3A_545 = arith.index_cast %get3A_544 : i32 to index
        %get3A_546 = arith.index_cast %scan3A_543 : i32 to index
        %get3A_547 = arith.constant 0 : index
        %get3A_548 = tpu.vector_load %arg6[%get3A_545, %get3A_546, %get3A_547] {strides = array<i32>} : memref<2x800x64xf32, #tpu.memory_space<vmem>>, vector<1x1x16xf32>,
        %get3A_549 = vector.shape_cast %get3A_548 : vector<1x1x16xf32> to vector<16xf32>
        %mul3A_550 = arith.constant 8.000000e+00 : f32
        %mul3A_551 = vector.broadcast %mul3A_550 : f32 to vector<16xf32>
        %mul3A_552 = arith.mulf %get3A_549, %mul3A_551 : vector<16xf32>
        %swap3A_553 = arith.constant 0 : i32
        %swap3A_554 = arith.index_cast %swap3A_553 : i32 to index
        %swap3A_555 = arith.index_cast %scan3A_543 : i32 to index
        %swap3A_556 = arith.constant 0 : index
        %swap3A_557 = tpu.vector_load %arg6[%swap3A_554, %swap3A_555, %swap3A_556] {strides = array<i32>} : memref<2x800x64xf32, #tpu.memory_space<vmem>>, vector<1x1x16xf32>,
        %swap3A_558 = vector.shape_cast %swap3A_557 : vector<1x1x16xf32> to vector<16xf32>
        %swap3A_559 = vector.shape_cast %mul3A_552 : vector<16xf32> to vector<1x1x16xf32>
        tpu.vector_store %arg6[%swap3A_554, %swap3A_555, %swap3A_556], %swap3A_559 {strides = array<i32>} : memref<2x800x64xf32, #tpu.memory_space<vmem>>, vector<1x1x16xf32>,
        %get3A_560 = arith.constant 0 : i32
        %get3A_561 = arith.index_cast %get3A_560 : i32 to index
        %get3A_562 = arith.index_cast %scan3A_543 : i32 to index
        %get3A_563 = arith.constant 16 : index
        %get3A_564 = tpu.vector_load %arg6[%get3A_561, %get3A_562, %get3A_563] {strides = array<i32>} : memref<2x800x64xf32, #tpu.memory_space<vmem>>, vector<1x1x16xf32>,
        %get3A_565 = vector.shape_cast %get3A_564 : vector<1x1x16xf32> to vector<16xf32>
        %mul3A_566 = arith.constant 8.000000e+00 : f32
        %mul3A_567 = vector.broadcast %mul3A_566 : f32 to vector<16xf32>
        %mul3A_568 = arith.mulf %get3A_565, %mul3A_567 : vector<16xf32>
        %swap3A_569 = arith.constant 0 : i32
        %swap3A_570 = arith.index_cast %swap3A_569 : i32 to index
        %swap3A_571 = arith.index_cast %scan3A_543 : i32 to index
        %swap3A_572 = arith.constant 16 : index
        %swap3A_573 = tpu.vector_load %arg6[%swap3A_570, %swap3A_571, %swap3A_572] {strides = array<i32>} : memref<2x800x64xf32, #tpu.memory_space<vmem>>, vector<1x1x16xf32>,
        %swap3A_574 = vector.shape_cast %swap3A_573 : vector<1x1x16xf32> to vector<16xf32>
        %swap3A_575 = vector.shape_cast %mul3A_568 : vector<16xf32> to vector<1x1x16xf32>
        tpu.vector_store %arg6[%swap3A_570, %swap3A_571, %swap3A_572], %swap3A_575 {strides = array<i32>} : memref<2x800x64xf32, #tpu.memory_space<vmem>>, vector<1x1x16xf32>,
        %get3A_576 = arith.constant 0 : i32
        %get3A_577 = arith.index_cast %get3A_576 : i32 to index
        %get3A_578 = arith.index_cast %scan3A_543 : i32 to index
        %get3A_579 = arith.constant 32 : index
        %get3A_580 = tpu.vector_load %arg6[%get3A_577, %get3A_578, %get3A_579] {strides = array<i32>} : memref<2x800x64xf32, #tpu.memory_space<vmem>>, vector<1x1x16xf32>,
        %get3A_581 = vector.shape_cast %get3A_580 : vector<1x1x16xf32> to vector<16xf32>
        %mul3A_582 = arith.constant 8.000000e+00 : f32
        %mul3A_583 = vector.broadcast %mul3A_582 : f32 to vector<16xf32>
        %mul3A_584 = arith.mulf %get3A_581, %mul3A_583 : vector<16xf32>
        %swap3A_585 = arith.constant 0 : i32
        %swap3A_586 = arith.index_cast %swap3A_585 : i32 to index
        %swap3A_587 = arith.index_cast %scan3A_543 : i32 to index
        %swap3A_588 = arith.constant 32 : index
        %swap3A_589 = tpu.vector_load %arg6[%swap3A_586, %swap3A_587, %swap3A_588] {strides = array<i32>} : memref<2x800x64xf32, #tpu.memory_space<vmem>>, vector<1x1x16xf32>,
        %swap3A_590 = vector.shape_cast %swap3A_589 : vector<1x1x16xf32> to vector<16xf32>
        %swap3A_591 = vector.shape_cast %mul3A_584 : vector<16xf32> to vector<1x1x16xf32>
        tpu.vector_store %arg6[%swap3A_586, %swap3A_587, %swap3A_588], %swap3A_591 {strides = array<i32>} : memref<2x800x64xf32, #tpu.memory_space<vmem>>, vector<1x1x16xf32>,
        %get3A_592 = arith.constant 0 : i32
        %get3A_593 = arith.index_cast %get3A_592 : i32 to index
        %get3A_594 = arith.index_cast %scan3A_543 : i32 to index
        %get3A_595 = arith.constant 48 : index
        %get3A_596 = tpu.vector_load %arg6[%get3A_593, %get3A_594, %get3A_595] {strides = array<i32>} : memref<2x800x64xf32, #tpu.memory_space<vmem>>, vector<1x1x16xf32>,
        %get3A_597 = vector.shape_cast %get3A_596 : vector<1x1x16xf32> to vector<16xf32>
        %mul3A_598 = arith.constant 8.000000e+00 : f32
        %mul3A_599 = vector.broadcast %mul3A_598 : f32 to vector<16xf32>
        %mul3A_600 = arith.mulf %get3A_597, %mul3A_599 : vector<16xf32>
        %swap3A_601 = arith.constant 0 : i32
        %swap3A_602 = arith.index_cast %swap3A_601 : i32 to index
        %swap3A_603 = arith.index_cast %scan3A_543 : i32 to index
        %swap3A_604 = arith.constant 48 : index
        %swap3A_605 = tpu.vector_load %arg6[%swap3A_602, %swap3A_603, %swap3A_604] {strides = array<i32>} : memref<2x800x64xf32, #tpu.memory_space<vmem>>, vector<1x1x16xf32>,
        %swap3A_606 = vector.shape_cast %swap3A_605 : vector<1x1x16xf32> to vector<16xf32>
        %swap3A_607 = vector.shape_cast %mul3A_600 : vector<16xf32> to vector<1x1x16xf32>
        tpu.vector_store %arg6[%swap3A_602, %swap3A_603, %swap3A_604], %swap3A_607 {strides = array<i32>} : memref<2x800x64xf32, #tpu.memory_space<vmem>>, vector<1x1x16xf32>,
        %scan3A_608 = arith.constant 0 : i32
        %scan3A_609 = arith.constant 3 : i32
        %scan3A_610 = arith.addi %scan3A_410, %scan3A_609 : i32
        %get3A_611 = arith.constant 0 : i32
        %get3A_612 = arith.index_cast %get3A_611 : i32 to index
        %get3A_613 = arith.index_cast %scan3A_610 : i32 to index
        %get3A_614 = arith.constant 0 : index
        %get3A_615 = tpu.vector_load %arg6[%get3A_612, %get3A_613, %get3A_614] {strides = array<i32>} : memref<2x800x64xf32, #tpu.memory_space<vmem>>, vector<1x1x16xf32>,
        %get3A_616 = vector.shape_cast %get3A_615 : vector<1x1x16xf32> to vector<16xf32>
        %mul3A_617 = arith.constant 8.000000e+00 : f32
        %mul3A_618 = vector.broadcast %mul3A_617 : f32 to vector<16xf32>
        %mul3A_619 = arith.mulf %get3A_616, %mul3A_618 : vector<16xf32>
        %swap3A_620 = arith.constant 0 : i32
        %swap3A_621 = arith.index_cast %swap3A_620 : i32 to index
        %swap3A_622 = arith.index_cast %scan3A_610 : i32 to index
        %swap3A_623 = arith.constant 0 : index
        %swap3A_624 = tpu.vector_load %arg6[%swap3A_621, %swap3A_622, %swap3A_623] {strides = array<i32>} : memref<2x800x64xf32, #tpu.memory_space<vmem>>, vector<1x1x16xf32>,
        %swap3A_625 = vector.shape_cast %swap3A_624 : vector<1x1x16xf32> to vector<16xf32>
        %swap3A_626 = vector.shape_cast %mul3A_619 : vector<16xf32> to vector<1x1x16xf32>
        tpu.vector_store %arg6[%swap3A_621, %swap3A_622, %swap3A_623], %swap3A_626 {strides = array<i32>} : memref<2x800x64xf32, #tpu.memory_space<vmem>>, vector<1x1x16xf32>,
        %get3A_627 = arith.constant 0 : i32
        %get3A_628 = arith.index_cast %get3A_627 : i32 to index
        %get3A_629 = arith.index_cast %scan3A_610 : i32 to index
        %get3A_630 = arith.constant 16 : index
        %get3A_631 = tpu.vector_load %arg6[%get3A_628, %get3A_629, %get3A_630] {strides = array<i32>} : memref<2x800x64xf32, #tpu.memory_space<vmem>>, vector<1x1x16xf32>,
        %get3A_632 = vector.shape_cast %get3A_631 : vector<1x1x16xf32> to vector<16xf32>
        %mul3A_633 = arith.constant 8.000000e+00 : f32
        %mul3A_634 = vector.broadcast %mul3A_633 : f32 to vector<16xf32>
        %mul3A_635 = arith.mulf %get3A_632, %mul3A_634 : vector<16xf32>
        %swap3A_636 = arith.constant 0 : i32
        %swap3A_637 = arith.index_cast %swap3A_636 : i32 to index
        %swap3A_638 = arith.index_cast %scan3A_610 : i32 to index
        %swap3A_639 = arith.constant 16 : index
        %swap3A_640 = tpu.vector_load %arg6[%swap3A_637, %swap3A_638, %swap3A_639] {strides = array<i32>} : memref<2x800x64xf32, #tpu.memory_space<vmem>>, vector<1x1x16xf32>,
        %swap3A_641 = vector.shape_cast %swap3A_640 : vector<1x1x16xf32> to vector<16xf32>
        %swap3A_642 = vector.shape_cast %mul3A_635 : vector<16xf32> to vector<1x1x16xf32>
        tpu.vector_store %arg6[%swap3A_637, %swap3A_638, %swap3A_639], %swap3A_642 {strides = array<i32>} : memref<2x800x64xf32, #tpu.memory_space<vmem>>, vector<1x1x16xf32>,
        %get3A_643 = arith.constant 0 : i32
        %get3A_644 = arith.index_cast %get3A_643 : i32 to index
        %get3A_645 = arith.index_cast %scan3A_610 : i32 to index
        %get3A_646 = arith.constant 32 : index
        %get3A_647 = tpu.vector_load %arg6[%get3A_644, %get3A_645, %get3A_646] {strides = array<i32>} : memref<2x800x64xf32, #tpu.memory_space<vmem>>, vector<1x1x16xf32>,
        %get3A_648 = vector.shape_cast %get3A_647 : vector<1x1x16xf32> to vector<16xf32>
        %mul3A_649 = arith.constant 8.000000e+00 : f32
        %mul3A_650 = vector.broadcast %mul3A_649 : f32 to vector<16xf32>
        %mul3A_651 = arith.mulf %get3A_648, %mul3A_650 : vector<16xf32>
        %swap3A_652 = arith.constant 0 : i32
        %swap3A_653 = arith.index_cast %swap3A_652 : i32 to index
        %swap3A_654 = arith.index_cast %scan3A_610 : i32 to index
        %swap3A_655 = arith.constant 32 : index
        %swap3A_656 = tpu.vector_load %arg6[%swap3A_653, %swap3A_654, %swap3A_655] {strides = array<i32>} : memref<2x800x64xf32, #tpu.memory_space<vmem>>, vector<1x1x16xf32>,
        %swap3A_657 = vector.shape_cast %swap3A_656 : vector<1x1x16xf32> to vector<16xf32>
        %swap3A_658 = vector.shape_cast %mul3A_651 : vector<16xf32> to vector<1x1x16xf32>
        tpu.vector_store %arg6[%swap3A_653, %swap3A_654, %swap3A_655], %swap3A_658 {strides = array<i32>} : memref<2x800x64xf32, #tpu.memory_space<vmem>>, vector<1x1x16xf32>,
        %get3A_659 = arith.constant 0 : i32
        %get3A_660 = arith.index_cast %get3A_659 : i32 to index
        %get3A_661 = arith.index_cast %scan3A_610 : i32 to index
        %get3A_662 = arith.constant 48 : index
        %get3A_663 = tpu.vector_load %arg6[%get3A_660, %get3A_661, %get3A_662] {strides = array<i32>} : memref<2x800x64xf32, #tpu.memory_space<vmem>>, vector<1x1x16xf32>,
        %get3A_664 = vector.shape_cast %get3A_663 : vector<1x1x16xf32> to vector<16xf32>
        %mul3A_665 = arith.constant 8.000000e+00 : f32
        %mul3A_666 = vector.broadcast %mul3A_665 : f32 to vector<16xf32>
        %mul3A_667 = arith.mulf %get3A_664, %mul3A_666 : vector<16xf32>
        %swap3A_668 = arith.constant 0 : i32
        %swap3A_669 = arith.index_cast %swap3A_668 : i32 to index
        %swap3A_670 = arith.index_cast %scan3A_610 : i32 to index
        %swap3A_671 = arith.constant 48 : index
        %swap3A_672 = tpu.vector_load %arg6[%swap3A_669, %swap3A_670, %swap3A_671] {strides = array<i32>} : memref<2x800x64xf32, #tpu.memory_space<vmem>>, vector<1x1x16xf32>,
        %swap3A_673 = vector.shape_cast %swap3A_672 : vector<1x1x16xf32> to vector<16xf32>
        %swap3A_674 = vector.shape_cast %mul3A_667 : vector<16xf32> to vector<1x1x16xf32>
        tpu.vector_store %arg6[%swap3A_669, %swap3A_670, %swap3A_671], %swap3A_674 {strides = array<i32>} : memref<2x800x64xf32, #tpu.memory_space<vmem>>, vector<1x1x16xf32>,
        %scan3A_675 = arith.constant 0 : i32
        scf.yield %scan3A_675 : i32
      }
      %scan3A_319 = arith.constant 800 : i32
      %mul3A_320 = arith.constant 800 : i32
      %mul3A_321 = arith.muli %mul3A_265, %mul3A_320 : i32
      %add3A_322 = arith.addi %mul3A_2, %mul3A_321 : i32
      %dma_start3A_323 = arith.constant 0 : i32
      %dma_start3A_324 = arith.constant 0 : i32
      %dma_start3A_325 = arith.constant 0 : i32
      %dma_start3A_326 = tpu.memref_slice %arg6[%dma_start3A_323, %dma_start3A_324, %dma_start3A_325] : memref<2x800x64xf32, #tpu.memory_space<vmem>> -> memref<1x800x64xf32, #tpu.memory_space<vmem>>
      %dma_start3A_327 = tpu.memref_squeeze %dma_start3A_326 : memref<1x800x64xf32, #tpu.memory_space<vmem>> -> memref<800x64xf32, #tpu.memory_space<vmem>>
      %dma_start3A_328 = arith.constant 0 : i32
      %dma_start3A_329 = tpu.memref_slice %arg4[%add3A_322, %dma_start3A_328] : memref<819200x64xf32, #tpu.memory_space<hbm>> -> memref<800x64xf32, #tpu.memory_space<hbm>>
      %dma_start3A_330 = arith.constant 0 : i32
      %dma_start3A_331 = tpu.memref_slice %arg4[%add3A_322, %dma_start3A_330] : memref<819200x64xf32, #tpu.memory_space<hbm>> -> memref<800x64xf32, #tpu.memory_space<hbm>>
      %dma_start3A_332 = arith.constant 0 : i32
      %dma_start3A_333 = arith.constant 0 : i32
      %dma_start3A_334 = tpu.memref_slice %arg6[%dma_start3A_323, %dma_start3A_332, %dma_start3A_333] : memref<2x800x64xf32, #tpu.memory_space<vmem>> -> memref<1x800x64xf32, #tpu.memory_space<vmem>>
      %dma_start3A_335 = tpu.memref_squeeze %dma_start3A_334 : memref<1x800x64xf32, #tpu.memory_space<vmem>> -> memref<800x64xf32, #tpu.memory_space<vmem>>
      tpu.enqueue_dma source(%dma_start3A_335 : memref<800x64xf32, #tpu.memory_space<vmem>>) target(%dma_start3A_331 : memref<800x64xf32, #tpu.memory_space<hbm>>) target_semaphore(%arg9 : memref<!tpu.dma_semaphore, #tpu.memory_space<semaphore_mem>>)
      %add3A_336 = arith.constant 1 : i32
      %add3A_337 = arith.addi %mul3A_265, %add3A_336 : i32
      %sub3A_338 = arith.constant 1 : i32
      %sub3A_339 = arith.subi %add3A_337, %sub3A_338 : i32
      %mul3A_340 = arith.constant 800 : i32
      %mul3A_341 = arith.muli %sub3A_339, %mul3A_340 : i32
      %add3A_342 = arith.addi %mul3A_2, %mul3A_341 : i32
      %dma_wait3A_343 = arith.constant 0 : i32
      %dma_wait3A_344 = arith.constant 0 : i32
      %dma_wait3A_345 = arith.constant 0 : i32
      %dma_wait3A_346 = tpu.memref_slice %arg6[%dma_wait3A_343, %dma_wait3A_344, %dma_wait3A_345] : memref<2x800x64xf32, #tpu.memory_space<vmem>> -> memref<1x800x64xf32, #tpu.memory_space<vmem>>
      %dma_wait3A_347 = tpu.memref_squeeze %dma_wait3A_346 : memref<1x800x64xf32, #tpu.memory_space<vmem>> -> memref<800x64xf32, #tpu.memory_space<vmem>>
      %dma_wait3A_348 = arith.constant 0 : i32
      %dma_wait3A_349 = tpu.memref_slice %arg4[%add3A_342, %dma_wait3A_348] : memref<819200x64xf32, #tpu.memory_space<hbm>> -> memref<800x64xf32, #tpu.memory_space<hbm>>
      %dma_wait3A_350 = arith.constant 0 : i32
      %dma_wait3A_351 = tpu.memref_slice %arg4[%add3A_342, %dma_wait3A_350] : memref<819200x64xf32, #tpu.memory_space<hbm>> -> memref<800x64xf32, #tpu.memory_space<hbm>>
      %dma_wait3A_352 = arith.constant 0 : i32
      %dma_wait3A_353 = arith.constant 0 : i32
      %dma_wait3A_354 = tpu.memref_slice %arg6[%dma_wait3A_343, %dma_wait3A_352, %dma_wait3A_353] : memref<2x800x64xf32, #tpu.memory_space<vmem>> -> memref<1x800x64xf32, #tpu.memory_space<vmem>>
      %dma_wait3A_355 = tpu.memref_squeeze %dma_wait3A_354 : memref<1x800x64xf32, #tpu.memory_space<vmem>> -> memref<800x64xf32, #tpu.memory_space<vmem>>
      tpu.wait_dma2 semaphore(%arg9 : memref<!tpu.dma_semaphore, #tpu.memory_space<semaphore_mem>>) src(%dma_wait3A_355 : memref<800x64xf32, #tpu.memory_space<vmem>>) dst(%dma_wait3A_351 : memref<800x64xf32, #tpu.memory_space<hbm>>)
      %dma_start3A_356 = arith.constant 0 : i32
      %dma_start3A_357 = arith.constant 0 : i32
      %dma_start3A_358 = arith.constant 0 : i32
      %dma_start3A_359 = arith.constant 0 : i32
      %dma_start3A_360 = tpu.memref_slice %arg6[%dma_start3A_357, %dma_start3A_358, %dma_start3A_359] : memref<2x800x64xf32, #tpu.memory_space<vmem>> -> memref<1x800x64xf32, #tpu.memory_space<vmem>>
      %dma_start3A_361 = tpu.memref_squeeze %dma_start3A_360 : memref<1x800x64xf32, #tpu.memory_space<vmem>> -> memref<800x64xf32, #tpu.memory_space<vmem>>
      %dma_start3A_362 = arith.constant 0 : i32
      %dma_start3A_363 = tpu.memref_slice %arg5[%dma_start3A_356, %dma_start3A_362] : memref<2x800xi32, #tpu.memory_space<vmem>> -> memref<1x800xi32, #tpu.memory_space<vmem>>
      %dma_start3A_364 = tpu.memref_squeeze %dma_start3A_363 : memref<1x800xi32, #tpu.memory_space<vmem>> -> memref<800xi32, #tpu.memory_space<vmem>>
      %dma_start3A_365 = arith.constant 0 : i32
      %dma_start3A_366 = arith.constant 0 : i32
      %dma_start3A_367 = tpu.memref_slice %arg3[%dma_start3A_365, %dma_start3A_366] : memref<1000000x64xf32, #tpu.memory_space<hbm>> -> memref<1000000x64xf32, #tpu.memory_space<hbm>>
      tpu.enqueue_indirect_dma source(%dma_start3A_367 : memref<1000000x64xf32, #tpu.memory_space<hbm>>) target(%dma_start3A_361 : memref<800x64xf32, #tpu.memory_space<vmem>>) offsets(%dma_start3A_364 : memref<800xi32, #tpu.memory_space<vmem>>) semaphore(%arg7 : memref<!tpu.dma_semaphore, #tpu.memory_space<semaphore_mem>>)
      %dma_wait3A_368 = arith.constant 1 : i32
      %dma_wait3A_369 = arith.constant 1 : i32
      %dma_wait3A_370 = arith.constant 0 : i32
      %dma_wait3A_371 = arith.constant 0 : i32
      %dma_wait3A_372 = tpu.memref_slice %arg6[%dma_wait3A_369, %dma_wait3A_370, %dma_wait3A_371] : memref<2x800x64xf32, #tpu.memory_space<vmem>> -> memref<1x800x64xf32, #tpu.memory_space<vmem>>
      %dma_wait3A_373 = tpu.memref_squeeze %dma_wait3A_372 : memref<1x800x64xf32, #tpu.memory_space<vmem>> -> memref<800x64xf32, #tpu.memory_space<vmem>>
      %dma_wait3A_374 = arith.constant 0 : i32
      %dma_wait3A_375 = tpu.memref_slice %arg5[%dma_wait3A_368, %dma_wait3A_374] : memref<2x800xi32, #tpu.memory_space<vmem>> -> memref<1x800xi32, #tpu.memory_space<vmem>>
      %dma_wait3A_376 = tpu.memref_squeeze %dma_wait3A_375 : memref<1x800xi32, #tpu.memory_space<vmem>> -> memref<800xi32, #tpu.memory_space<vmem>>
      %dma_wait3A_377 = arith.constant 0 : i32
      %dma_wait3A_378 = arith.constant 0 : i32
      %dma_wait3A_379 = tpu.memref_slice %arg3[%dma_wait3A_377, %dma_wait3A_378] : memref<1000000x64xf32, #tpu.memory_space<hbm>> -> memref<1000000x64xf32, #tpu.memory_space<hbm>>
      tpu.wait_indirect_dma semaphore(%arg8 : memref<!tpu.dma_semaphore, #tpu.memory_space<semaphore_mem>>) src(%dma_wait3A_379 : memref<1000000x64xf32, #tpu.memory_space<hbm>>) dst(%dma_wait3A_373 : memref<800x64xf32, #tpu.memory_space<vmem>>)
      %add3A_380 = arith.constant 2 : i32
      %add3A_381 = arith.addi %add3A_337, %add3A_380 : i32
      %mul3A_382 = arith.constant 800 : i32
      %mul3A_383 = arith.muli %add3A_381, %mul3A_382 : i32
      %add3A_384 = arith.addi %mul3A_2, %mul3A_383 : i32
      %run_scoped3A_385 = arith.constant 1 : i32
      "tpu.region"() ({
        %run_scoped3A_410 = tpu.sem_alloc : memref<!tpu.dma_semaphore, #tpu.memory_space<semaphore_mem>>
        %dma_start3A_411 = arith.constant 0 : i32
        %dma_start3A_412 = tpu.memref_slice %arg5[%run_scoped3A_385, %dma_start3A_411] : memref<2x800xi32, #tpu.memory_space<vmem>> -> memref<1x800xi32, #tpu.memory_space<vmem>>
        %dma_start3A_413 = tpu.memref_squeeze %dma_start3A_412 : memref<1x800xi32, #tpu.memory_space<vmem>> -> memref<800xi32, #tpu.memory_space<vmem>>
        %dma_start3A_414 = tpu.memref_slice %arg2[%add3A_384] : memref<819200xi32, #tpu.memory_space<hbm>> -> memref<800xi32, #tpu.memory_space<hbm>>
        %dma_start3A_415 = arith.constant 0 : i32
        %dma_start3A_416 = tpu.memref_slice %arg5[%run_scoped3A_385, %dma_start3A_415] : memref<2x800xi32, #tpu.memory_space<vmem>> -> memref<1x800xi32, #tpu.memory_space<vmem>>
        %dma_start3A_417 = tpu.memref_squeeze %dma_start3A_416 : memref<1x800xi32, #tpu.memory_space<vmem>> -> memref<800xi32, #tpu.memory_space<vmem>>
        %dma_start3A_418 = tpu.memref_slice %arg2[%add3A_384] : memref<819200xi32, #tpu.memory_space<hbm>> -> memref<800xi32, #tpu.memory_space<hbm>>
        tpu.enqueue_dma source(%dma_start3A_418 : memref<800xi32, #tpu.memory_space<hbm>>) target(%dma_start3A_417 : memref<800xi32, #tpu.memory_space<vmem>>) target_semaphore(%run_scoped3A_410 : memref<!tpu.dma_semaphore, #tpu.memory_space<semaphore_mem>>)
        %dma_wait3A_419 = arith.constant 0 : i32
        %dma_wait3A_420 = tpu.memref_slice %arg5[%run_scoped3A_385, %dma_wait3A_419] : memref<2x800xi32, #tpu.memory_space<vmem>> -> memref<1x800xi32, #tpu.memory_space<vmem>>
        %dma_wait3A_421 = tpu.memref_squeeze %dma_wait3A_420 : memref<1x800xi32, #tpu.memory_space<vmem>> -> memref<800xi32, #tpu.memory_space<vmem>>
        %dma_wait3A_422 = tpu.memref_slice %arg2[%add3A_384] : memref<819200xi32, #tpu.memory_space<hbm>> -> memref<800xi32, #tpu.memory_space<hbm>>
        %dma_wait3A_423 = arith.constant 0 : i32
        %dma_wait3A_424 = tpu.memref_slice %arg5[%run_scoped3A_385, %dma_wait3A_423] : memref<2x800xi32, #tpu.memory_space<vmem>> -> memref<1x800xi32, #tpu.memory_space<vmem>>
        %dma_wait3A_425 = tpu.memref_squeeze %dma_wait3A_424 : memref<1x800xi32, #tpu.memory_space<vmem>> -> memref<800xi32, #tpu.memory_space<vmem>>
        %dma_wait3A_426 = tpu.memref_slice %arg2[%add3A_384] : memref<819200xi32, #tpu.memory_space<hbm>> -> memref<800xi32, #tpu.memory_space<hbm>>
        tpu.wait_dma2 semaphore(%run_scoped3A_410 : memref<!tpu.dma_semaphore, #tpu.memory_space<semaphore_mem>>) src(%dma_wait3A_426 : memref<800xi32, #tpu.memory_space<hbm>>) dst(%dma_wait3A_425 : memref<800xi32, #tpu.memory_space<vmem>>)
        tpu.yield
      }) : () -> ()
      %scan3A_386 = arith.constant 0 : i32
      %scan3A_387 = arith.constant 0 : i32
      %scan3A_388 = arith.constant 800 : i32
      %scan3A_389 = arith.addi %scan3A_387, %scan3A_388 : i32
      %scan3A_390 = arith.constant 4 : i32
      %scan3A_391 = scf.for %scan3A_410 = %scan3A_387 to %scan3A_389 step %scan3A_390 iter_args(%scan3A_411 = %scan3A_386) -> (i32)  : i32 {
        %get3A = arith.constant 1 : i32
        %get3A_412 = arith.index_cast %get3A : i32 to index
        %get3A_413 = arith.index_cast %scan3A_410 : i32 to index
        %get3A_414 = arith.constant 0 : index
        %get3A_415 = tpu.vector_load %arg6[%get3A_412, %get3A_413, %get3A_414] {strides = array<i32>} : memref<2x800x64xf32, #tpu.memory_space<vmem>>, vector<1x1x16xf32>,
        %get3A_416 = vector.shape_cast %get3A_415 : vector<1x1x16xf32> to vector<16xf32>
        %mul3A_417 = arith.constant 8.000000e+00 : f32
        %mul3A_418 = vector.broadcast %mul3A_417 : f32 to vector<16xf32>
        %mul3A_419 = arith.mulf %get3A_416, %mul3A_418 : vector<16xf32>
        %swap3A = arith.constant 1 : i32
        %swap3A_420 = arith.index_cast %swap3A : i32 to index
        %swap3A_421 = arith.index_cast %scan3A_410 : i32 to index
        %swap3A_422 = arith.constant 0 : index
        %swap3A_423 = tpu.vector_load %arg6[%swap3A_420, %swap3A_421, %swap3A_422] {strides = array<i32>} : memref<2x800x64xf32, #tpu.memory_space<vmem>>, vector<1x1x16xf32>,
        %swap3A_424 = vector.shape_cast %swap3A_423 : vector<1x1x16xf32> to vector<16xf32>
        %swap3A_425 = vector.shape_cast %mul3A_419 : vector<16xf32> to vector<1x1x16xf32>
        tpu.vector_store %arg6[%swap3A_420, %swap3A_421, %swap3A_422], %swap3A_425 {strides = array<i32>} : memref<2x800x64xf32, #tpu.memory_space<vmem>>, vector<1x1x16xf32>,
        %get3A_426 = arith.constant 1 : i32
        %get3A_427 = arith.index_cast %get3A_426 : i32 to index
        %get3A_428 = arith.index_cast %scan3A_410 : i32 to index
        %get3A_429 = arith.constant 16 : index
        %get3A_430 = tpu.vector_load %arg6[%get3A_427, %get3A_428, %get3A_429] {strides = array<i32>} : memref<2x800x64xf32, #tpu.memory_space<vmem>>, vector<1x1x16xf32>,
        %get3A_431 = vector.shape_cast %get3A_430 : vector<1x1x16xf32> to vector<16xf32>
        %mul3A_432 = arith.constant 8.000000e+00 : f32
        %mul3A_433 = vector.broadcast %mul3A_432 : f32 to vector<16xf32>
        %mul3A_434 = arith.mulf %get3A_431, %mul3A_433 : vector<16xf32>
        %swap3A_435 = arith.constant 1 : i32
        %swap3A_436 = arith.index_cast %swap3A_435 : i32 to index
        %swap3A_437 = arith.index_cast %scan3A_410 : i32 to index
        %swap3A_438 = arith.constant 16 : index
        %swap3A_439 = tpu.vector_load %arg6[%swap3A_436, %swap3A_437, %swap3A_438] {strides = array<i32>} : memref<2x800x64xf32, #tpu.memory_space<vmem>>, vector<1x1x16xf32>,
        %swap3A_440 = vector.shape_cast %swap3A_439 : vector<1x1x16xf32> to vector<16xf32>
        %swap3A_441 = vector.shape_cast %mul3A_434 : vector<16xf32> to vector<1x1x16xf32>
        tpu.vector_store %arg6[%swap3A_436, %swap3A_437, %swap3A_438], %swap3A_441 {strides = array<i32>} : memref<2x800x64xf32, #tpu.memory_space<vmem>>, vector<1x1x16xf32>,
        %get3A_442 = arith.constant 1 : i32
        %get3A_443 = arith.index_cast %get3A_442 : i32 to index
        %get3A_444 = arith.index_cast %scan3A_410 : i32 to index
        %get3A_445 = arith.constant 32 : index
        %get3A_446 = tpu.vector_load %arg6[%get3A_443, %get3A_444, %get3A_445] {strides = array<i32>} : memref<2x800x64xf32, #tpu.memory_space<vmem>>, vector<1x1x16xf32>,
        %get3A_447 = vector.shape_cast %get3A_446 : vector<1x1x16xf32> to vector<16xf32>
        %mul3A_448 = arith.constant 8.000000e+00 : f32
        %mul3A_449 = vector.broadcast %mul3A_448 : f32 to vector<16xf32>
        %mul3A_450 = arith.mulf %get3A_447, %mul3A_449 : vector<16xf32>
        %swap3A_451 = arith.constant 1 : i32
        %swap3A_452 = arith.index_cast %swap3A_451 : i32 to index
        %swap3A_453 = arith.index_cast %scan3A_410 : i32 to index
        %swap3A_454 = arith.constant 32 : index
        %swap3A_455 = tpu.vector_load %arg6[%swap3A_452, %swap3A_453, %swap3A_454] {strides = array<i32>} : memref<2x800x64xf32, #tpu.memory_space<vmem>>, vector<1x1x16xf32>,
        %swap3A_456 = vector.shape_cast %swap3A_455 : vector<1x1x16xf32> to vector<16xf32>
        %swap3A_457 = vector.shape_cast %mul3A_450 : vector<16xf32> to vector<1x1x16xf32>
        tpu.vector_store %arg6[%swap3A_452, %swap3A_453, %swap3A_454], %swap3A_457 {strides = array<i32>} : memref<2x800x64xf32, #tpu.memory_space<vmem>>, vector<1x1x16xf32>,
        %get3A_458 = arith.constant 1 : i32
        %get3A_459 = arith.index_cast %get3A_458 : i32 to index
        %get3A_460 = arith.index_cast %scan3A_410 : i32 to index
        %get3A_461 = arith.constant 48 : index
        %get3A_462 = tpu.vector_load %arg6[%get3A_459, %get3A_460, %get3A_461] {strides = array<i32>} : memref<2x800x64xf32, #tpu.memory_space<vmem>>, vector<1x1x16xf32>,
        %get3A_463 = vector.shape_cast %get3A_462 : vector<1x1x16xf32> to vector<16xf32>
        %mul3A_464 = arith.constant 8.000000e+00 : f32
        %mul3A_465 = vector.broadcast %mul3A_464 : f32 to vector<16xf32>
        %mul3A_466 = arith.mulf %get3A_463, %mul3A_465 : vector<16xf32>
        %swap3A_467 = arith.constant 1 : i32
        %swap3A_468 = arith.index_cast %swap3A_467 : i32 to index
        %swap3A_469 = arith.index_cast %scan3A_410 : i32 to index
        %swap3A_470 = arith.constant 48 : index
        %swap3A_471 = tpu.vector_load %arg6[%swap3A_468, %swap3A_469, %swap3A_470] {strides = array<i32>} : memref<2x800x64xf32, #tpu.memory_space<vmem>>, vector<1x1x16xf32>,
        %swap3A_472 = vector.shape_cast %swap3A_471 : vector<1x1x16xf32> to vector<16xf32>
        %swap3A_473 = vector.shape_cast %mul3A_466 : vector<16xf32> to vector<1x1x16xf32>
        tpu.vector_store %arg6[%swap3A_468, %swap3A_469, %swap3A_470], %swap3A_473 {strides = array<i32>} : memref<2x800x64xf32, #tpu.memory_space<vmem>>, vector<1x1x16xf32>,
        %scan3A_474 = arith.constant 0 : i32
        %scan3A_475 = arith.constant 1 : i32
        %scan3A_476 = arith.addi %scan3A_410, %scan3A_475 : i32
        %get3A_477 = arith.constant 1 : i32
        %get3A_478 = arith.index_cast %get3A_477 : i32 to index
        %get3A_479 = arith.index_cast %scan3A_476 : i32 to index
        %get3A_480 = arith.constant 0 : index
        %get3A_481 = tpu.vector_load %arg6[%get3A_478, %get3A_479, %get3A_480] {strides = array<i32>} : memref<2x800x64xf32, #tpu.memory_space<vmem>>, vector<1x1x16xf32>,
        %get3A_482 = vector.shape_cast %get3A_481 : vector<1x1x16xf32> to vector<16xf32>
        %mul3A_483 = arith.constant 8.000000e+00 : f32
        %mul3A_484 = vector.broadcast %mul3A_483 : f32 to vector<16xf32>
        %mul3A_485 = arith.mulf %get3A_482, %mul3A_484 : vector<16xf32>
        %swap3A_486 = arith.constant 1 : i32
        %swap3A_487 = arith.index_cast %swap3A_486 : i32 to index
        %swap3A_488 = arith.index_cast %scan3A_476 : i32 to index
        %swap3A_489 = arith.constant 0 : index
        %swap3A_490 = tpu.vector_load %arg6[%swap3A_487, %swap3A_488, %swap3A_489] {strides = array<i32>} : memref<2x800x64xf32, #tpu.memory_space<vmem>>, vector<1x1x16xf32>,
        %swap3A_491 = vector.shape_cast %swap3A_490 : vector<1x1x16xf32> to vector<16xf32>
        %swap3A_492 = vector.shape_cast %mul3A_485 : vector<16xf32> to vector<1x1x16xf32>
        tpu.vector_store %arg6[%swap3A_487, %swap3A_488, %swap3A_489], %swap3A_492 {strides = array<i32>} : memref<2x800x64xf32, #tpu.memory_space<vmem>>, vector<1x1x16xf32>,
        %get3A_493 = arith.constant 1 : i32
        %get3A_494 = arith.index_cast %get3A_493 : i32 to index
        %get3A_495 = arith.index_cast %scan3A_476 : i32 to index
        %get3A_496 = arith.constant 16 : index
        %get3A_497 = tpu.vector_load %arg6[%get3A_494, %get3A_495, %get3A_496] {strides = array<i32>} : memref<2x800x64xf32, #tpu.memory_space<vmem>>, vector<1x1x16xf32>,
        %get3A_498 = vector.shape_cast %get3A_497 : vector<1x1x16xf32> to vector<16xf32>
        %mul3A_499 = arith.constant 8.000000e+00 : f32
        %mul3A_500 = vector.broadcast %mul3A_499 : f32 to vector<16xf32>
        %mul3A_501 = arith.mulf %get3A_498, %mul3A_500 : vector<16xf32>
        %swap3A_502 = arith.constant 1 : i32
        %swap3A_503 = arith.index_cast %swap3A_502 : i32 to index
        %swap3A_504 = arith.index_cast %scan3A_476 : i32 to index
        %swap3A_505 = arith.constant 16 : index
        %swap3A_506 = tpu.vector_load %arg6[%swap3A_503, %swap3A_504, %swap3A_505] {strides = array<i32>} : memref<2x800x64xf32, #tpu.memory_space<vmem>>, vector<1x1x16xf32>,
        %swap3A_507 = vector.shape_cast %swap3A_506 : vector<1x1x16xf32> to vector<16xf32>
        %swap3A_508 = vector.shape_cast %mul3A_501 : vector<16xf32> to vector<1x1x16xf32>
        tpu.vector_store %arg6[%swap3A_503, %swap3A_504, %swap3A_505], %swap3A_508 {strides = array<i32>} : memref<2x800x64xf32, #tpu.memory_space<vmem>>, vector<1x1x16xf32>,
        %get3A_509 = arith.constant 1 : i32
        %get3A_510 = arith.index_cast %get3A_509 : i32 to index
        %get3A_511 = arith.index_cast %scan3A_476 : i32 to index
        %get3A_512 = arith.constant 32 : index
        %get3A_513 = tpu.vector_load %arg6[%get3A_510, %get3A_511, %get3A_512] {strides = array<i32>} : memref<2x800x64xf32, #tpu.memory_space<vmem>>, vector<1x1x16xf32>,
        %get3A_514 = vector.shape_cast %get3A_513 : vector<1x1x16xf32> to vector<16xf32>
        %mul3A_515 = arith.constant 8.000000e+00 : f32
        %mul3A_516 = vector.broadcast %mul3A_515 : f32 to vector<16xf32>
        %mul3A_517 = arith.mulf %get3A_514, %mul3A_516 : vector<16xf32>
        %swap3A_518 = arith.constant 1 : i32
        %swap3A_519 = arith.index_cast %swap3A_518 : i32 to index
        %swap3A_520 = arith.index_cast %scan3A_476 : i32 to index
        %swap3A_521 = arith.constant 32 : index
        %swap3A_522 = tpu.vector_load %arg6[%swap3A_519, %swap3A_520, %swap3A_521] {strides = array<i32>} : memref<2x800x64xf32, #tpu.memory_space<vmem>>, vector<1x1x16xf32>,
        %swap3A_523 = vector.shape_cast %swap3A_522 : vector<1x1x16xf32> to vector<16xf32>
        %swap3A_524 = vector.shape_cast %mul3A_517 : vector<16xf32> to vector<1x1x16xf32>
        tpu.vector_store %arg6[%swap3A_519, %swap3A_520, %swap3A_521], %swap3A_524 {strides = array<i32>} : memref<2x800x64xf32, #tpu.memory_space<vmem>>, vector<1x1x16xf32>,
        %get3A_525 = arith.constant 1 : i32
        %get3A_526 = arith.index_cast %get3A_525 : i32 to index
        %get3A_527 = arith.index_cast %scan3A_476 : i32 to index
        %get3A_528 = arith.constant 48 : index
        %get3A_529 = tpu.vector_load %arg6[%get3A_526, %get3A_527, %get3A_528] {strides = array<i32>} : memref<2x800x64xf32, #tpu.memory_space<vmem>>, vector<1x1x16xf32>,
        %get3A_530 = vector.shape_cast %get3A_529 : vector<1x1x16xf32> to vector<16xf32>
        %mul3A_531 = arith.constant 8.000000e+00 : f32
        %mul3A_532 = vector.broadcast %mul3A_531 : f32 to vector<16xf32>
        %mul3A_533 = arith.mulf %get3A_530, %mul3A_532 : vector<16xf32>
        %swap3A_534 = arith.constant 1 : i32
        %swap3A_535 = arith.index_cast %swap3A_534 : i32 to index
        %swap3A_536 = arith.index_cast %scan3A_476 : i32 to index
        %swap3A_537 = arith.constant 48 : index
        %swap3A_538 = tpu.vector_load %arg6[%swap3A_535, %swap3A_536, %swap3A_537] {strides = array<i32>} : memref<2x800x64xf32, #tpu.memory_space<vmem>>, vector<1x1x16xf32>,
        %swap3A_539 = vector.shape_cast %swap3A_538 : vector<1x1x16xf32> to vector<16xf32>
        %swap3A_540 = vector.shape_cast %mul3A_533 : vector<16xf32> to vector<1x1x16xf32>
        tpu.vector_store %arg6[%swap3A_535, %swap3A_536, %swap3A_537], %swap3A_540 {strides = array<i32>} : memref<2x800x64xf32, #tpu.memory_space<vmem>>, vector<1x1x16xf32>,
        %scan3A_541 = arith.constant 0 : i32
        %scan3A_542 = arith.constant 2 : i32
        %scan3A_543 = arith.addi %scan3A_410, %scan3A_542 : i32
        %get3A_544 = arith.constant 1 : i32
        %get3A_545 = arith.index_cast %get3A_544 : i32 to index
        %get3A_546 = arith.index_cast %scan3A_543 : i32 to index
        %get3A_547 = arith.constant 0 : index
        %get3A_548 = tpu.vector_load %arg6[%get3A_545, %get3A_546, %get3A_547] {strides = array<i32>} : memref<2x800x64xf32, #tpu.memory_space<vmem>>, vector<1x1x16xf32>,
        %get3A_549 = vector.shape_cast %get3A_548 : vector<1x1x16xf32> to vector<16xf32>
        %mul3A_550 = arith.constant 8.000000e+00 : f32
        %mul3A_551 = vector.broadcast %mul3A_550 : f32 to vector<16xf32>
        %mul3A_552 = arith.mulf %get3A_549, %mul3A_551 : vector<16xf32>
        %swap3A_553 = arith.constant 1 : i32
        %swap3A_554 = arith.index_cast %swap3A_553 : i32 to index
        %swap3A_555 = arith.index_cast %scan3A_543 : i32 to index
        %swap3A_556 = arith.constant 0 : index
        %swap3A_557 = tpu.vector_load %arg6[%swap3A_554, %swap3A_555, %swap3A_556] {strides = array<i32>} : memref<2x800x64xf32, #tpu.memory_space<vmem>>, vector<1x1x16xf32>,
        %swap3A_558 = vector.shape_cast %swap3A_557 : vector<1x1x16xf32> to vector<16xf32>
        %swap3A_559 = vector.shape_cast %mul3A_552 : vector<16xf32> to vector<1x1x16xf32>
        tpu.vector_store %arg6[%swap3A_554, %swap3A_555, %swap3A_556], %swap3A_559 {strides = array<i32>} : memref<2x800x64xf32, #tpu.memory_space<vmem>>, vector<1x1x16xf32>,
        %get3A_560 = arith.constant 1 : i32
        %get3A_561 = arith.index_cast %get3A_560 : i32 to index
        %get3A_562 = arith.index_cast %scan3A_543 : i32 to index
        %get3A_563 = arith.constant 16 : index
        %get3A_564 = tpu.vector_load %arg6[%get3A_561, %get3A_562, %get3A_563] {strides = array<i32>} : memref<2x800x64xf32, #tpu.memory_space<vmem>>, vector<1x1x16xf32>,
        %get3A_565 = vector.shape_cast %get3A_564 : vector<1x1x16xf32> to vector<16xf32>
        %mul3A_566 = arith.constant 8.000000e+00 : f32
        %mul3A_567 = vector.broadcast %mul3A_566 : f32 to vector<16xf32>
        %mul3A_568 = arith.mulf %get3A_565, %mul3A_567 : vector<16xf32>
        %swap3A_569 = arith.constant 1 : i32
        %swap3A_570 = arith.index_cast %swap3A_569 : i32 to index
        %swap3A_571 = arith.index_cast %scan3A_543 : i32 to index
        %swap3A_572 = arith.constant 16 : index
        %swap3A_573 = tpu.vector_load %arg6[%swap3A_570, %swap3A_571, %swap3A_572] {strides = array<i32>} : memref<2x800x64xf32, #tpu.memory_space<vmem>>, vector<1x1x16xf32>,
        %swap3A_574 = vector.shape_cast %swap3A_573 : vector<1x1x16xf32> to vector<16xf32>
        %swap3A_575 = vector.shape_cast %mul3A_568 : vector<16xf32> to vector<1x1x16xf32>
        tpu.vector_store %arg6[%swap3A_570, %swap3A_571, %swap3A_572], %swap3A_575 {strides = array<i32>} : memref<2x800x64xf32, #tpu.memory_space<vmem>>, vector<1x1x16xf32>,
        %get3A_576 = arith.constant 1 : i32
        %get3A_577 = arith.index_cast %get3A_576 : i32 to index
        %get3A_578 = arith.index_cast %scan3A_543 : i32 to index
        %get3A_579 = arith.constant 32 : index
        %get3A_580 = tpu.vector_load %arg6[%get3A_577, %get3A_578, %get3A_579] {strides = array<i32>} : memref<2x800x64xf32, #tpu.memory_space<vmem>>, vector<1x1x16xf32>,
        %get3A_581 = vector.shape_cast %get3A_580 : vector<1x1x16xf32> to vector<16xf32>
        %mul3A_582 = arith.constant 8.000000e+00 : f32
        %mul3A_583 = vector.broadcast %mul3A_582 : f32 to vector<16xf32>
        %mul3A_584 = arith.mulf %get3A_581, %mul3A_583 : vector<16xf32>
        %swap3A_585 = arith.constant 1 : i32
        %swap3A_586 = arith.index_cast %swap3A_585 : i32 to index
        %swap3A_587 = arith.index_cast %scan3A_543 : i32 to index
        %swap3A_588 = arith.constant 32 : index
        %swap3A_589 = tpu.vector_load %arg6[%swap3A_586, %swap3A_587, %swap3A_588] {strides = array<i32>} : memref<2x800x64xf32, #tpu.memory_space<vmem>>, vector<1x1x16xf32>,
        %swap3A_590 = vector.shape_cast %swap3A_589 : vector<1x1x16xf32> to vector<16xf32>
        %swap3A_591 = vector.shape_cast %mul3A_584 : vector<16xf32> to vector<1x1x16xf32>
        tpu.vector_store %arg6[%swap3A_586, %swap3A_587, %swap3A_588], %swap3A_591 {strides = array<i32>} : memref<2x800x64xf32, #tpu.memory_space<vmem>>, vector<1x1x16xf32>,
        %get3A_592 = arith.constant 1 : i32
        %get3A_593 = arith.index_cast %get3A_592 : i32 to index
        %get3A_594 = arith.index_cast %scan3A_543 : i32 to index
        %get3A_595 = arith.constant 48 : index
        %get3A_596 = tpu.vector_load %arg6[%get3A_593, %get3A_594, %get3A_595] {strides = array<i32>} : memref<2x800x64xf32, #tpu.memory_space<vmem>>, vector<1x1x16xf32>,
        %get3A_597 = vector.shape_cast %get3A_596 : vector<1x1x16xf32> to vector<16xf32>
        %mul3A_598 = arith.constant 8.000000e+00 : f32
        %mul3A_599 = vector.broadcast %mul3A_598 : f32 to vector<16xf32>
        %mul3A_600 = arith.mulf %get3A_597, %mul3A_599 : vector<16xf32>
        %swap3A_601 = arith.constant 1 : i32
        %swap3A_602 = arith.index_cast %swap3A_601 : i32 to index
        %swap3A_603 = arith.index_cast %scan3A_543 : i32 to index
        %swap3A_604 = arith.constant 48 : index
        %swap3A_605 = tpu.vector_load %arg6[%swap3A_602, %swap3A_603, %swap3A_604] {strides = array<i32>} : memref<2x800x64xf32, #tpu.memory_space<vmem>>, vector<1x1x16xf32>,
        %swap3A_606 = vector.shape_cast %swap3A_605 : vector<1x1x16xf32> to vector<16xf32>
        %swap3A_607 = vector.shape_cast %mul3A_600 : vector<16xf32> to vector<1x1x16xf32>
        tpu.vector_store %arg6[%swap3A_602, %swap3A_603, %swap3A_604], %swap3A_607 {strides = array<i32>} : memref<2x800x64xf32, #tpu.memory_space<vmem>>, vector<1x1x16xf32>,
        %scan3A_608 = arith.constant 0 : i32
        %scan3A_609 = arith.constant 3 : i32
        %scan3A_610 = arith.addi %scan3A_410, %scan3A_609 : i32
        %get3A_611 = arith.constant 1 : i32
        %get3A_612 = arith.index_cast %get3A_611 : i32 to index
        %get3A_613 = arith.index_cast %scan3A_610 : i32 to index
        %get3A_614 = arith.constant 0 : index
        %get3A_615 = tpu.vector_load %arg6[%get3A_612, %get3A_613, %get3A_614] {strides = array<i32>} : memref<2x800x64xf32, #tpu.memory_space<vmem>>, vector<1x1x16xf32>,
        %get3A_616 = vector.shape_cast %get3A_615 : vector<1x1x16xf32> to vector<16xf32>
        %mul3A_617 = arith.constant 8.000000e+00 : f32
        %mul3A_618 = vector.broadcast %mul3A_617 : f32 to vector<16xf32>
        %mul3A_619 = arith.mulf %get3A_616, %mul3A_618 : vector<16xf32>
        %swap3A_620 = arith.constant 1 : i32
        %swap3A_621 = arith.index_cast %swap3A_620 : i32 to index
        %swap3A_622 = arith.index_cast %scan3A_610 : i32 to index
        %swap3A_623 = arith.constant 0 : index
        %swap3A_624 = tpu.vector_load %arg6[%swap3A_621, %swap3A_622, %swap3A_623] {strides = array<i32>} : memref<2x800x64xf32, #tpu.memory_space<vmem>>, vector<1x1x16xf32>,
        %swap3A_625 = vector.shape_cast %swap3A_624 : vector<1x1x16xf32> to vector<16xf32>
        %swap3A_626 = vector.shape_cast %mul3A_619 : vector<16xf32> to vector<1x1x16xf32>
        tpu.vector_store %arg6[%swap3A_621, %swap3A_622, %swap3A_623], %swap3A_626 {strides = array<i32>} : memref<2x800x64xf32, #tpu.memory_space<vmem>>, vector<1x1x16xf32>,
        %get3A_627 = arith.constant 1 : i32
        %get3A_628 = arith.index_cast %get3A_627 : i32 to index
        %get3A_629 = arith.index_cast %scan3A_610 : i32 to index
        %get3A_630 = arith.constant 16 : index
        %get3A_631 = tpu.vector_load %arg6[%get3A_628, %get3A_629, %get3A_630] {strides = array<i32>} : memref<2x800x64xf32, #tpu.memory_space<vmem>>, vector<1x1x16xf32>,
        %get3A_632 = vector.shape_cast %get3A_631 : vector<1x1x16xf32> to vector<16xf32>
        %mul3A_633 = arith.constant 8.000000e+00 : f32
        %mul3A_634 = vector.broadcast %mul3A_633 : f32 to vector<16xf32>
        %mul3A_635 = arith.mulf %get3A_632, %mul3A_634 : vector<16xf32>
        %swap3A_636 = arith.constant 1 : i32
        %swap3A_637 = arith.index_cast %swap3A_636 : i32 to index
        %swap3A_638 = arith.index_cast %scan3A_610 : i32 to index
        %swap3A_639 = arith.constant 16 : index
        %swap3A_640 = tpu.vector_load %arg6[%swap3A_637, %swap3A_638, %swap3A_639] {strides = array<i32>} : memref<2x800x64xf32, #tpu.memory_space<vmem>>, vector<1x1x16xf32>,
        %swap3A_641 = vector.shape_cast %swap3A_640 : vector<1x1x16xf32> to vector<16xf32>
        %swap3A_642 = vector.shape_cast %mul3A_635 : vector<16xf32> to vector<1x1x16xf32>
        tpu.vector_store %arg6[%swap3A_637, %swap3A_638, %swap3A_639], %swap3A_642 {strides = array<i32>} : memref<2x800x64xf32, #tpu.memory_space<vmem>>, vector<1x1x16xf32>,
        %get3A_643 = arith.constant 1 : i32
        %get3A_644 = arith.index_cast %get3A_643 : i32 to index
        %get3A_645 = arith.index_cast %scan3A_610 : i32 to index
        %get3A_646 = arith.constant 32 : index
        %get3A_647 = tpu.vector_load %arg6[%get3A_644, %get3A_645, %get3A_646] {strides = array<i32>} : memref<2x800x64xf32, #tpu.memory_space<vmem>>, vector<1x1x16xf32>,
        %get3A_648 = vector.shape_cast %get3A_647 : vector<1x1x16xf32> to vector<16xf32>
        %mul3A_649 = arith.constant 8.000000e+00 : f32
        %mul3A_650 = vector.broadcast %mul3A_649 : f32 to vector<16xf32>
        %mul3A_651 = arith.mulf %get3A_648, %mul3A_650 : vector<16xf32>
        %swap3A_652 = arith.constant 1 : i32
        %swap3A_653 = arith.index_cast %swap3A_652 : i32 to index
        %swap3A_654 = arith.index_cast %scan3A_610 : i32 to index
        %swap3A_655 = arith.constant 32 : index
        %swap3A_656 = tpu.vector_load %arg6[%swap3A_653, %swap3A_654, %swap3A_655] {strides = array<i32>} : memref<2x800x64xf32, #tpu.memory_space<vmem>>, vector<1x1x16xf32>,
        %swap3A_657 = vector.shape_cast %swap3A_656 : vector<1x1x16xf32> to vector<16xf32>
        %swap3A_658 = vector.shape_cast %mul3A_651 : vector<16xf32> to vector<1x1x16xf32>
        tpu.vector_store %arg6[%swap3A_653, %swap3A_654, %swap3A_655], %swap3A_658 {strides = array<i32>} : memref<2x800x64xf32, #tpu.memory_space<vmem>>, vector<1x1x16xf32>,
        %get3A_659 = arith.constant 1 : i32
        %get3A_660 = arith.index_cast %get3A_659 : i32 to index
        %get3A_661 = arith.index_cast %scan3A_610 : i32 to index
        %get3A_662 = arith.constant 48 : index
        %get3A_663 = tpu.vector_load %arg6[%get3A_660, %get3A_661, %get3A_662] {strides = array<i32>} : memref<2x800x64xf32, #tpu.memory_space<vmem>>, vector<1x1x16xf32>,
        %get3A_664 = vector.shape_cast %get3A_663 : vector<1x1x16xf32> to vector<16xf32>
        %mul3A_665 = arith.constant 8.000000e+00 : f32
        %mul3A_666 = vector.broadcast %mul3A_665 : f32 to vector<16xf32>
        %mul3A_667 = arith.mulf %get3A_664, %mul3A_666 : vector<16xf32>
        %swap3A_668 = arith.constant 1 : i32
        %swap3A_669 = arith.index_cast %swap3A_668 : i32 to index
        %swap3A_670 = arith.index_cast %scan3A_610 : i32 to index
        %swap3A_671 = arith.constant 48 : index
        %swap3A_672 = tpu.vector_load %arg6[%swap3A_669, %swap3A_670, %swap3A_671] {strides = array<i32>} : memref<2x800x64xf32, #tpu.memory_space<vmem>>, vector<1x1x16xf32>,
        %swap3A_673 = vector.shape_cast %swap3A_672 : vector<1x1x16xf32> to vector<16xf32>
        %swap3A_674 = vector.shape_cast %mul3A_667 : vector<16xf32> to vector<1x1x16xf32>
        tpu.vector_store %arg6[%swap3A_669, %swap3A_670, %swap3A_671], %swap3A_674 {strides = array<i32>} : memref<2x800x64xf32, #tpu.memory_space<vmem>>, vector<1x1x16xf32>,
        %scan3A_675 = arith.constant 0 : i32
        scf.yield %scan3A_675 : i32
      }
      %scan3A_392 = arith.constant 800 : i32
      %mul3A_393 = arith.constant 800 : i32
      %mul3A_394 = arith.muli %add3A_337, %mul3A_393 : i32
      %add3A_395 = arith.addi %mul3A_2, %mul3A_394 : i32
      %dma_start3A_396 = arith.constant 1 : i32
      %dma_start3A_397 = arith.constant 0 : i32
      %dma_start3A_398 = arith.constant 0 : i32
      %dma_start3A_399 = tpu.memref_slice %arg6[%dma_start3A_396, %dma_start3A_397, %dma_start3A_398] : memref<2x800x64xf32, #tpu.memory_space<vmem>> -> memref<1x800x64xf32, #tpu.memory_space<vmem>>
      %dma_start3A_400 = tpu.memref_squeeze %dma_start3A_399 : memref<1x800x64xf32, #tpu.memory_space<vmem>> -> memref<800x64xf32, #tpu.memory_space<vmem>>
      %dma_start3A_401 = arith.constant 0 : i32
      %dma_start3A_402 = tpu.memref_slice %arg4[%add3A_395, %dma_start3A_401] : memref<819200x64xf32, #tpu.memory_space<hbm>> -> memref<800x64xf32, #tpu.memory_space<hbm>>
      %dma_start3A_403 = arith.constant 0 : i32
      %dma_start3A_404 = tpu.memref_slice %arg4[%add3A_395, %dma_start3A_403] : memref<819200x64xf32, #tpu.memory_space<hbm>> -> memref<800x64xf32, #tpu.memory_space<hbm>>
      %dma_start3A_405 = arith.constant 0 : i32
      %dma_start3A_406 = arith.constant 0 : i32
      %dma_start3A_407 = tpu.memref_slice %arg6[%dma_start3A_396, %dma_start3A_405, %dma_start3A_406] : memref<2x800x64xf32, #tpu.memory_space<vmem>> -> memref<1x800x64xf32, #tpu.memory_space<vmem>>
      %dma_start3A_408 = tpu.memref_squeeze %dma_start3A_407 : memref<1x800x64xf32, #tpu.memory_space<vmem>> -> memref<800x64xf32, #tpu.memory_space<vmem>>
      tpu.enqueue_dma source(%dma_start3A_408 : memref<800x64xf32, #tpu.memory_space<vmem>>) target(%dma_start3A_404 : memref<800x64xf32, #tpu.memory_space<hbm>>) target_semaphore(%arg10 : memref<!tpu.dma_semaphore, #tpu.memory_space<semaphore_mem>>)
      %scan3A_409 = arith.constant 0 : i32
      scf.yield %scan3A_409 : i32
    }
    %scan3A_136 = arith.constant 14 : i32
    %add3A_137 = arith.constant 23200 : i32
    %add3A_138 = arith.addi %mul3A_2, %add3A_137 : i32
    %dma_wait3A_139 = arith.constant 1 : i32
    %dma_wait3A_140 = arith.constant 0 : i32
    %dma_wait3A_141 = arith.constant 0 : i32
    %dma_wait3A_142 = tpu.memref_slice %arg6[%dma_wait3A_139, %dma_wait3A_140, %dma_wait3A_141] : memref<2x800x64xf32, #tpu.memory_space<vmem>> -> memref<1x800x64xf32, #tpu.memory_space<vmem>>
    %dma_wait3A_143 = tpu.memref_squeeze %dma_wait3A_142 : memref<1x800x64xf32, #tpu.memory_space<vmem>> -> memref<800x64xf32, #tpu.memory_space<vmem>>
    %dma_wait3A_144 = arith.constant 0 : i32
    %dma_wait3A_145 = tpu.memref_slice %arg4[%add3A_138, %dma_wait3A_144] : memref<819200x64xf32, #tpu.memory_space<hbm>> -> memref<800x64xf32, #tpu.memory_space<hbm>>
    %dma_wait3A_146 = arith.constant 0 : i32
    %dma_wait3A_147 = tpu.memref_slice %arg4[%add3A_138, %dma_wait3A_146] : memref<819200x64xf32, #tpu.memory_space<hbm>> -> memref<800x64xf32, #tpu.memory_space<hbm>>
    %dma_wait3A_148 = arith.constant 0 : i32
    %dma_wait3A_149 = arith.constant 0 : i32
    %dma_wait3A_150 = tpu.memref_slice %arg6[%dma_wait3A_139, %dma_wait3A_148, %dma_wait3A_149] : memref<2x800x64xf32, #tpu.memory_space<vmem>> -> memref<1x800x64xf32, #tpu.memory_space<vmem>>
    %dma_wait3A_151 = tpu.memref_squeeze %dma_wait3A_150 : memref<1x800x64xf32, #tpu.memory_space<vmem>> -> memref<800x64xf32, #tpu.memory_space<vmem>>
    tpu.wait_dma2 semaphore(%arg10 : memref<!tpu.dma_semaphore, #tpu.memory_space<semaphore_mem>>) src(%dma_wait3A_151 : memref<800x64xf32, #tpu.memory_space<vmem>>) dst(%dma_wait3A_147 : memref<800x64xf32, #tpu.memory_space<hbm>>)
    %dma_start3A_152 = arith.constant 1 : i32
    %dma_start3A_153 = arith.constant 1 : i32
    %dma_start3A_154 = arith.constant 0 : i32
    %dma_start3A_155 = arith.constant 0 : i32
    %dma_start3A_156 = tpu.memref_slice %arg6[%dma_start3A_153, %dma_start3A_154, %dma_start3A_155] : memref<2x800x64xf32, #tpu.memory_space<vmem>> -> memref<1x800x64xf32, #tpu.memory_space<vmem>>
    %dma_start3A_157 = tpu.memref_squeeze %dma_start3A_156 : memref<1x800x64xf32, #tpu.memory_space<vmem>> -> memref<800x64xf32, #tpu.memory_space<vmem>>
    %dma_start3A_158 = arith.constant 0 : i32
    %dma_start3A_159 = tpu.memref_slice %arg5[%dma_start3A_152, %dma_start3A_158] : memref<2x800xi32, #tpu.memory_space<vmem>> -> memref<1x800xi32, #tpu.memory_space<vmem>>
    %dma_start3A_160 = tpu.memref_squeeze %dma_start3A_159 : memref<1x800xi32, #tpu.memory_space<vmem>> -> memref<800xi32, #tpu.memory_space<vmem>>
    %dma_start3A_161 = arith.constant 0 : i32
    %dma_start3A_162 = arith.constant 0 : i32
    %dma_start3A_163 = tpu.memref_slice %arg3[%dma_start3A_161, %dma_start3A_162] : memref<1000000x64xf32, #tpu.memory_space<hbm>> -> memref<1000000x64xf32, #tpu.memory_space<hbm>>
    tpu.enqueue_indirect_dma source(%dma_start3A_163 : memref<1000000x64xf32, #tpu.memory_space<hbm>>) target(%dma_start3A_157 : memref<800x64xf32, #tpu.memory_space<vmem>>) offsets(%dma_start3A_160 : memref<800xi32, #tpu.memory_space<vmem>>) semaphore(%arg8 : memref<!tpu.dma_semaphore, #tpu.memory_space<semaphore_mem>>)
    %dma_wait3A_164 = arith.constant 0 : i32
    %dma_wait3A_165 = arith.constant 0 : i32
    %dma_wait3A_166 = arith.constant 0 : i32
    %dma_wait3A_167 = arith.constant 0 : i32
    %dma_wait3A_168 = tpu.memref_slice %arg6[%dma_wait3A_165, %dma_wait3A_166, %dma_wait3A_167] : memref<2x800x64xf32, #tpu.memory_space<vmem>> -> memref<1x800x64xf32, #tpu.memory_space<vmem>>
    %dma_wait3A_169 = tpu.memref_squeeze %dma_wait3A_168 : memref<1x800x64xf32, #tpu.memory_space<vmem>> -> memref<800x64xf32, #tpu.memory_space<vmem>>
    %dma_wait3A_170 = arith.constant 0 : i32
    %dma_wait3A_171 = tpu.memref_slice %arg5[%dma_wait3A_164, %dma_wait3A_170] : memref<2x800xi32, #tpu.memory_space<vmem>> -> memref<1x800xi32, #tpu.memory_space<vmem>>
    %dma_wait3A_172 = tpu.memref_squeeze %dma_wait3A_171 : memref<1x800xi32, #tpu.memory_space<vmem>> -> memref<800xi32, #tpu.memory_space<vmem>>
    %dma_wait3A_173 = arith.constant 0 : i32
    %dma_wait3A_174 = arith.constant 0 : i32
    %dma_wait3A_175 = tpu.memref_slice %arg3[%dma_wait3A_173, %dma_wait3A_174] : memref<1000000x64xf32, #tpu.memory_space<hbm>> -> memref<1000000x64xf32, #tpu.memory_space<hbm>>
    tpu.wait_indirect_dma semaphore(%arg7 : memref<!tpu.dma_semaphore, #tpu.memory_space<semaphore_mem>>) src(%dma_wait3A_175 : memref<1000000x64xf32, #tpu.memory_space<hbm>>) dst(%dma_wait3A_169 : memref<800x64xf32, #tpu.memory_space<vmem>>)
    %scan3A_176 = arith.constant 0 : i32
    %scan3A_177 = arith.constant 0 : i32
    %scan3A_178 = arith.constant 800 : i32
    %scan3A_179 = arith.addi %scan3A_177, %scan3A_178 : i32
    %scan3A_180 = arith.constant 4 : i32
    %scan3A_181 = scf.for %scan3A_262 = %scan3A_177 to %scan3A_179 step %scan3A_180 iter_args(%scan3A_263 = %scan3A_176) -> (i32)  : i32 {
      %get3A = arith.constant 0 : i32
      %get3A_264 = arith.index_cast %get3A : i32 to index
      %get3A_265 = arith.index_cast %scan3A_262 : i32 to index
      %get3A_266 = arith.constant 0 : index
      %get3A_267 = tpu.vector_load %arg6[%get3A_264, %get3A_265, %get3A_266] {strides = array<i32>} : memref<2x800x64xf32, #tpu.memory_space<vmem>>, vector<1x1x16xf32>,
      %get3A_268 = vector.shape_cast %get3A_267 : vector<1x1x16xf32> to vector<16xf32>
      %mul3A_269 = arith.constant 8.000000e+00 : f32
      %mul3A_270 = vector.broadcast %mul3A_269 : f32 to vector<16xf32>
      %mul3A_271 = arith.mulf %get3A_268, %mul3A_270 : vector<16xf32>
      %swap3A = arith.constant 0 : i32
      %swap3A_272 = arith.index_cast %swap3A : i32 to index
      %swap3A_273 = arith.index_cast %scan3A_262 : i32 to index
      %swap3A_274 = arith.constant 0 : index
      %swap3A_275 = tpu.vector_load %arg6[%swap3A_272, %swap3A_273, %swap3A_274] {strides = array<i32>} : memref<2x800x64xf32, #tpu.memory_space<vmem>>, vector<1x1x16xf32>,
      %swap3A_276 = vector.shape_cast %swap3A_275 : vector<1x1x16xf32> to vector<16xf32>
      %swap3A_277 = vector.shape_cast %mul3A_271 : vector<16xf32> to vector<1x1x16xf32>
      tpu.vector_store %arg6[%swap3A_272, %swap3A_273, %swap3A_274], %swap3A_277 {strides = array<i32>} : memref<2x800x64xf32, #tpu.memory_space<vmem>>, vector<1x1x16xf32>,
      %get3A_278 = arith.constant 0 : i32
      %get3A_279 = arith.index_cast %get3A_278 : i32 to index
      %get3A_280 = arith.index_cast %scan3A_262 : i32 to index
      %get3A_281 = arith.constant 16 : index
      %get3A_282 = tpu.vector_load %arg6[%get3A_279, %get3A_280, %get3A_281] {strides = array<i32>} : memref<2x800x64xf32, #tpu.memory_space<vmem>>, vector<1x1x16xf32>,
      %get3A_283 = vector.shape_cast %get3A_282 : vector<1x1x16xf32> to vector<16xf32>
      %mul3A_284 = arith.constant 8.000000e+00 : f32
      %mul3A_285 = vector.broadcast %mul3A_284 : f32 to vector<16xf32>
      %mul3A_286 = arith.mulf %get3A_283, %mul3A_285 : vector<16xf32>
      %swap3A_287 = arith.constant 0 : i32
      %swap3A_288 = arith.index_cast %swap3A_287 : i32 to index
      %swap3A_289 = arith.index_cast %scan3A_262 : i32 to index
      %swap3A_290 = arith.constant 16 : index
      %swap3A_291 = tpu.vector_load %arg6[%swap3A_288, %swap3A_289, %swap3A_290] {strides = array<i32>} : memref<2x800x64xf32, #tpu.memory_space<vmem>>, vector<1x1x16xf32>,
      %swap3A_292 = vector.shape_cast %swap3A_291 : vector<1x1x16xf32> to vector<16xf32>
      %swap3A_293 = vector.shape_cast %mul3A_286 : vector<16xf32> to vector<1x1x16xf32>
      tpu.vector_store %arg6[%swap3A_288, %swap3A_289, %swap3A_290], %swap3A_293 {strides = array<i32>} : memref<2x800x64xf32, #tpu.memory_space<vmem>>, vector<1x1x16xf32>,
      %get3A_294 = arith.constant 0 : i32
      %get3A_295 = arith.index_cast %get3A_294 : i32 to index
      %get3A_296 = arith.index_cast %scan3A_262 : i32 to index
      %get3A_297 = arith.constant 32 : index
      %get3A_298 = tpu.vector_load %arg6[%get3A_295, %get3A_296, %get3A_297] {strides = array<i32>} : memref<2x800x64xf32, #tpu.memory_space<vmem>>, vector<1x1x16xf32>,
      %get3A_299 = vector.shape_cast %get3A_298 : vector<1x1x16xf32> to vector<16xf32>
      %mul3A_300 = arith.constant 8.000000e+00 : f32
      %mul3A_301 = vector.broadcast %mul3A_300 : f32 to vector<16xf32>
      %mul3A_302 = arith.mulf %get3A_299, %mul3A_301 : vector<16xf32>
      %swap3A_303 = arith.constant 0 : i32
      %swap3A_304 = arith.index_cast %swap3A_303 : i32 to index
      %swap3A_305 = arith.index_cast %scan3A_262 : i32 to index
      %swap3A_306 = arith.constant 32 : index
      %swap3A_307 = tpu.vector_load %arg6[%swap3A_304, %swap3A_305, %swap3A_306] {strides = array<i32>} : memref<2x800x64xf32, #tpu.memory_space<vmem>>, vector<1x1x16xf32>,
      %swap3A_308 = vector.shape_cast %swap3A_307 : vector<1x1x16xf32> to vector<16xf32>
      %swap3A_309 = vector.shape_cast %mul3A_302 : vector<16xf32> to vector<1x1x16xf32>
      tpu.vector_store %arg6[%swap3A_304, %swap3A_305, %swap3A_306], %swap3A_309 {strides = array<i32>} : memref<2x800x64xf32, #tpu.memory_space<vmem>>, vector<1x1x16xf32>,
      %get3A_310 = arith.constant 0 : i32
      %get3A_311 = arith.index_cast %get3A_310 : i32 to index
      %get3A_312 = arith.index_cast %scan3A_262 : i32 to index
      %get3A_313 = arith.constant 48 : index
      %get3A_314 = tpu.vector_load %arg6[%get3A_311, %get3A_312, %get3A_313] {strides = array<i32>} : memref<2x800x64xf32, #tpu.memory_space<vmem>>, vector<1x1x16xf32>,
      %get3A_315 = vector.shape_cast %get3A_314 : vector<1x1x16xf32> to vector<16xf32>
      %mul3A_316 = arith.constant 8.000000e+00 : f32
      %mul3A_317 = vector.broadcast %mul3A_316 : f32 to vector<16xf32>
      %mul3A_318 = arith.mulf %get3A_315, %mul3A_317 : vector<16xf32>
      %swap3A_319 = arith.constant 0 : i32
      %swap3A_320 = arith.index_cast %swap3A_319 : i32 to index
      %swap3A_321 = arith.index_cast %scan3A_262 : i32 to index
      %swap3A_322 = arith.constant 48 : index
      %swap3A_323 = tpu.vector_load %arg6[%swap3A_320, %swap3A_321, %swap3A_322] {strides = array<i32>} : memref<2x800x64xf32, #tpu.memory_space<vmem>>, vector<1x1x16xf32>,
      %swap3A_324 = vector.shape_cast %swap3A_323 : vector<1x1x16xf32> to vector<16xf32>
      %swap3A_325 = vector.shape_cast %mul3A_318 : vector<16xf32> to vector<1x1x16xf32>
      tpu.vector_store %arg6[%swap3A_320, %swap3A_321, %swap3A_322], %swap3A_325 {strides = array<i32>} : memref<2x800x64xf32, #tpu.memory_space<vmem>>, vector<1x1x16xf32>,
      %scan3A_326 = arith.constant 0 : i32
      %scan3A_327 = arith.constant 1 : i32
      %scan3A_328 = arith.addi %scan3A_262, %scan3A_327 : i32
      %get3A_329 = arith.constant 0 : i32
      %get3A_330 = arith.index_cast %get3A_329 : i32 to index
      %get3A_331 = arith.index_cast %scan3A_328 : i32 to index
      %get3A_332 = arith.constant 0 : index
      %get3A_333 = tpu.vector_load %arg6[%get3A_330, %get3A_331, %get3A_332] {strides = array<i32>} : memref<2x800x64xf32, #tpu.memory_space<vmem>>, vector<1x1x16xf32>,
      %get3A_334 = vector.shape_cast %get3A_333 : vector<1x1x16xf32> to vector<16xf32>
      %mul3A_335 = arith.constant 8.000000e+00 : f32
      %mul3A_336 = vector.broadcast %mul3A_335 : f32 to vector<16xf32>
      %mul3A_337 = arith.mulf %get3A_334, %mul3A_336 : vector<16xf32>
      %swap3A_338 = arith.constant 0 : i32
      %swap3A_339 = arith.index_cast %swap3A_338 : i32 to index
      %swap3A_340 = arith.index_cast %scan3A_328 : i32 to index
      %swap3A_341 = arith.constant 0 : index
      %swap3A_342 = tpu.vector_load %arg6[%swap3A_339, %swap3A_340, %swap3A_341] {strides = array<i32>} : memref<2x800x64xf32, #tpu.memory_space<vmem>>, vector<1x1x16xf32>,
      %swap3A_343 = vector.shape_cast %swap3A_342 : vector<1x1x16xf32> to vector<16xf32>
      %swap3A_344 = vector.shape_cast %mul3A_337 : vector<16xf32> to vector<1x1x16xf32>
      tpu.vector_store %arg6[%swap3A_339, %swap3A_340, %swap3A_341], %swap3A_344 {strides = array<i32>} : memref<2x800x64xf32, #tpu.memory_space<vmem>>, vector<1x1x16xf32>,
      %get3A_345 = arith.constant 0 : i32
      %get3A_346 = arith.index_cast %get3A_345 : i32 to index
      %get3A_347 = arith.index_cast %scan3A_328 : i32 to index
      %get3A_348 = arith.constant 16 : index
      %get3A_349 = tpu.vector_load %arg6[%get3A_346, %get3A_347, %get3A_348] {strides = array<i32>} : memref<2x800x64xf32, #tpu.memory_space<vmem>>, vector<1x1x16xf32>,
      %get3A_350 = vector.shape_cast %get3A_349 : vector<1x1x16xf32> to vector<16xf32>
      %mul3A_351 = arith.constant 8.000000e+00 : f32
      %mul3A_352 = vector.broadcast %mul3A_351 : f32 to vector<16xf32>
      %mul3A_353 = arith.mulf %get3A_350, %mul3A_352 : vector<16xf32>
      %swap3A_354 = arith.constant 0 : i32
      %swap3A_355 = arith.index_cast %swap3A_354 : i32 to index
      %swap3A_356 = arith.index_cast %scan3A_328 : i32 to index
      %swap3A_357 = arith.constant 16 : index
      %swap3A_358 = tpu.vector_load %arg6[%swap3A_355, %swap3A_356, %swap3A_357] {strides = array<i32>} : memref<2x800x64xf32, #tpu.memory_space<vmem>>, vector<1x1x16xf32>,
      %swap3A_359 = vector.shape_cast %swap3A_358 : vector<1x1x16xf32> to vector<16xf32>
      %swap3A_360 = vector.shape_cast %mul3A_353 : vector<16xf32> to vector<1x1x16xf32>
      tpu.vector_store %arg6[%swap3A_355, %swap3A_356, %swap3A_357], %swap3A_360 {strides = array<i32>} : memref<2x800x64xf32, #tpu.memory_space<vmem>>, vector<1x1x16xf32>,
      %get3A_361 = arith.constant 0 : i32
      %get3A_362 = arith.index_cast %get3A_361 : i32 to index
      %get3A_363 = arith.index_cast %scan3A_328 : i32 to index
      %get3A_364 = arith.constant 32 : index
      %get3A_365 = tpu.vector_load %arg6[%get3A_362, %get3A_363, %get3A_364] {strides = array<i32>} : memref<2x800x64xf32, #tpu.memory_space<vmem>>, vector<1x1x16xf32>,
      %get3A_366 = vector.shape_cast %get3A_365 : vector<1x1x16xf32> to vector<16xf32>
      %mul3A_367 = arith.constant 8.000000e+00 : f32
      %mul3A_368 = vector.broadcast %mul3A_367 : f32 to vector<16xf32>
      %mul3A_369 = arith.mulf %get3A_366, %mul3A_368 : vector<16xf32>
      %swap3A_370 = arith.constant 0 : i32
      %swap3A_371 = arith.index_cast %swap3A_370 : i32 to index
      %swap3A_372 = arith.index_cast %scan3A_328 : i32 to index
      %swap3A_373 = arith.constant 32 : index
      %swap3A_374 = tpu.vector_load %arg6[%swap3A_371, %swap3A_372, %swap3A_373] {strides = array<i32>} : memref<2x800x64xf32, #tpu.memory_space<vmem>>, vector<1x1x16xf32>,
      %swap3A_375 = vector.shape_cast %swap3A_374 : vector<1x1x16xf32> to vector<16xf32>
      %swap3A_376 = vector.shape_cast %mul3A_369 : vector<16xf32> to vector<1x1x16xf32>
      tpu.vector_store %arg6[%swap3A_371, %swap3A_372, %swap3A_373], %swap3A_376 {strides = array<i32>} : memref<2x800x64xf32, #tpu.memory_space<vmem>>, vector<1x1x16xf32>,
      %get3A_377 = arith.constant 0 : i32
      %get3A_378 = arith.index_cast %get3A_377 : i32 to index
      %get3A_379 = arith.index_cast %scan3A_328 : i32 to index
      %get3A_380 = arith.constant 48 : index
      %get3A_381 = tpu.vector_load %arg6[%get3A_378, %get3A_379, %get3A_380] {strides = array<i32>} : memref<2x800x64xf32, #tpu.memory_space<vmem>>, vector<1x1x16xf32>,
      %get3A_382 = vector.shape_cast %get3A_381 : vector<1x1x16xf32> to vector<16xf32>
      %mul3A_383 = arith.constant 8.000000e+00 : f32
      %mul3A_384 = vector.broadcast %mul3A_383 : f32 to vector<16xf32>
      %mul3A_385 = arith.mulf %get3A_382, %mul3A_384 : vector<16xf32>
      %swap3A_386 = arith.constant 0 : i32
      %swap3A_387 = arith.index_cast %swap3A_386 : i32 to index
      %swap3A_388 = arith.index_cast %scan3A_328 : i32 to index
      %swap3A_389 = arith.constant 48 : index
      %swap3A_390 = tpu.vector_load %arg6[%swap3A_387, %swap3A_388, %swap3A_389] {strides = array<i32>} : memref<2x800x64xf32, #tpu.memory_space<vmem>>, vector<1x1x16xf32>,
      %swap3A_391 = vector.shape_cast %swap3A_390 : vector<1x1x16xf32> to vector<16xf32>
      %swap3A_392 = vector.shape_cast %mul3A_385 : vector<16xf32> to vector<1x1x16xf32>
      tpu.vector_store %arg6[%swap3A_387, %swap3A_388, %swap3A_389], %swap3A_392 {strides = array<i32>} : memref<2x800x64xf32, #tpu.memory_space<vmem>>, vector<1x1x16xf32>,
      %scan3A_393 = arith.constant 0 : i32
      %scan3A_394 = arith.constant 2 : i32
      %scan3A_395 = arith.addi %scan3A_262, %scan3A_394 : i32
      %get3A_396 = arith.constant 0 : i32
      %get3A_397 = arith.index_cast %get3A_396 : i32 to index
      %get3A_398 = arith.index_cast %scan3A_395 : i32 to index
      %get3A_399 = arith.constant 0 : index
      %get3A_400 = tpu.vector_load %arg6[%get3A_397, %get3A_398, %get3A_399] {strides = array<i32>} : memref<2x800x64xf32, #tpu.memory_space<vmem>>, vector<1x1x16xf32>,
      %get3A_401 = vector.shape_cast %get3A_400 : vector<1x1x16xf32> to vector<16xf32>
      %mul3A_402 = arith.constant 8.000000e+00 : f32
      %mul3A_403 = vector.broadcast %mul3A_402 : f32 to vector<16xf32>
      %mul3A_404 = arith.mulf %get3A_401, %mul3A_403 : vector<16xf32>
      %swap3A_405 = arith.constant 0 : i32
      %swap3A_406 = arith.index_cast %swap3A_405 : i32 to index
      %swap3A_407 = arith.index_cast %scan3A_395 : i32 to index
      %swap3A_408 = arith.constant 0 : index
      %swap3A_409 = tpu.vector_load %arg6[%swap3A_406, %swap3A_407, %swap3A_408] {strides = array<i32>} : memref<2x800x64xf32, #tpu.memory_space<vmem>>, vector<1x1x16xf32>,
      %swap3A_410 = vector.shape_cast %swap3A_409 : vector<1x1x16xf32> to vector<16xf32>
      %swap3A_411 = vector.shape_cast %mul3A_404 : vector<16xf32> to vector<1x1x16xf32>
      tpu.vector_store %arg6[%swap3A_406, %swap3A_407, %swap3A_408], %swap3A_411 {strides = array<i32>} : memref<2x800x64xf32, #tpu.memory_space<vmem>>, vector<1x1x16xf32>,
      %get3A_412 = arith.constant 0 : i32
      %get3A_413 = arith.index_cast %get3A_412 : i32 to index
      %get3A_414 = arith.index_cast %scan3A_395 : i32 to index
      %get3A_415 = arith.constant 16 : index
      %get3A_416 = tpu.vector_load %arg6[%get3A_413, %get3A_414, %get3A_415] {strides = array<i32>} : memref<2x800x64xf32, #tpu.memory_space<vmem>>, vector<1x1x16xf32>,
      %get3A_417 = vector.shape_cast %get3A_416 : vector<1x1x16xf32> to vector<16xf32>
      %mul3A_418 = arith.constant 8.000000e+00 : f32
      %mul3A_419 = vector.broadcast %mul3A_418 : f32 to vector<16xf32>
      %mul3A_420 = arith.mulf %get3A_417, %mul3A_419 : vector<16xf32>
      %swap3A_421 = arith.constant 0 : i32
      %swap3A_422 = arith.index_cast %swap3A_421 : i32 to index
      %swap3A_423 = arith.index_cast %scan3A_395 : i32 to index
      %swap3A_424 = arith.constant 16 : index
      %swap3A_425 = tpu.vector_load %arg6[%swap3A_422, %swap3A_423, %swap3A_424] {strides = array<i32>} : memref<2x800x64xf32, #tpu.memory_space<vmem>>, vector<1x1x16xf32>,
      %swap3A_426 = vector.shape_cast %swap3A_425 : vector<1x1x16xf32> to vector<16xf32>
      %swap3A_427 = vector.shape_cast %mul3A_420 : vector<16xf32> to vector<1x1x16xf32>
      tpu.vector_store %arg6[%swap3A_422, %swap3A_423, %swap3A_424], %swap3A_427 {strides = array<i32>} : memref<2x800x64xf32, #tpu.memory_space<vmem>>, vector<1x1x16xf32>,
      %get3A_428 = arith.constant 0 : i32
      %get3A_429 = arith.index_cast %get3A_428 : i32 to index
      %get3A_430 = arith.index_cast %scan3A_395 : i32 to index
      %get3A_431 = arith.constant 32 : index
      %get3A_432 = tpu.vector_load %arg6[%get3A_429, %get3A_430, %get3A_431] {strides = array<i32>} : memref<2x800x64xf32, #tpu.memory_space<vmem>>, vector<1x1x16xf32>,
      %get3A_433 = vector.shape_cast %get3A_432 : vector<1x1x16xf32> to vector<16xf32>
      %mul3A_434 = arith.constant 8.000000e+00 : f32
      %mul3A_435 = vector.broadcast %mul3A_434 : f32 to vector<16xf32>
      %mul3A_436 = arith.mulf %get3A_433, %mul3A_435 : vector<16xf32>
      %swap3A_437 = arith.constant 0 : i32
      %swap3A_438 = arith.index_cast %swap3A_437 : i32 to index
      %swap3A_439 = arith.index_cast %scan3A_395 : i32 to index
      %swap3A_440 = arith.constant 32 : index
      %swap3A_441 = tpu.vector_load %arg6[%swap3A_438, %swap3A_439, %swap3A_440] {strides = array<i32>} : memref<2x800x64xf32, #tpu.memory_space<vmem>>, vector<1x1x16xf32>,
      %swap3A_442 = vector.shape_cast %swap3A_441 : vector<1x1x16xf32> to vector<16xf32>
      %swap3A_443 = vector.shape_cast %mul3A_436 : vector<16xf32> to vector<1x1x16xf32>
      tpu.vector_store %arg6[%swap3A_438, %swap3A_439, %swap3A_440], %swap3A_443 {strides = array<i32>} : memref<2x800x64xf32, #tpu.memory_space<vmem>>, vector<1x1x16xf32>,
      %get3A_444 = arith.constant 0 : i32
      %get3A_445 = arith.index_cast %get3A_444 : i32 to index
      %get3A_446 = arith.index_cast %scan3A_395 : i32 to index
      %get3A_447 = arith.constant 48 : index
      %get3A_448 = tpu.vector_load %arg6[%get3A_445, %get3A_446, %get3A_447] {strides = array<i32>} : memref<2x800x64xf32, #tpu.memory_space<vmem>>, vector<1x1x16xf32>,
      %get3A_449 = vector.shape_cast %get3A_448 : vector<1x1x16xf32> to vector<16xf32>
      %mul3A_450 = arith.constant 8.000000e+00 : f32
      %mul3A_451 = vector.broadcast %mul3A_450 : f32 to vector<16xf32>
      %mul3A_452 = arith.mulf %get3A_449, %mul3A_451 : vector<16xf32>
      %swap3A_453 = arith.constant 0 : i32
      %swap3A_454 = arith.index_cast %swap3A_453 : i32 to index
      %swap3A_455 = arith.index_cast %scan3A_395 : i32 to index
      %swap3A_456 = arith.constant 48 : index
      %swap3A_457 = tpu.vector_load %arg6[%swap3A_454, %swap3A_455, %swap3A_456] {strides = array<i32>} : memref<2x800x64xf32, #tpu.memory_space<vmem>>, vector<1x1x16xf32>,
      %swap3A_458 = vector.shape_cast %swap3A_457 : vector<1x1x16xf32> to vector<16xf32>
      %swap3A_459 = vector.shape_cast %mul3A_452 : vector<16xf32> to vector<1x1x16xf32>
      tpu.vector_store %arg6[%swap3A_454, %swap3A_455, %swap3A_456], %swap3A_459 {strides = array<i32>} : memref<2x800x64xf32, #tpu.memory_space<vmem>>, vector<1x1x16xf32>,
      %scan3A_460 = arith.constant 0 : i32
      %scan3A_461 = arith.constant 3 : i32
      %scan3A_462 = arith.addi %scan3A_262, %scan3A_461 : i32
      %get3A_463 = arith.constant 0 : i32
      %get3A_464 = arith.index_cast %get3A_463 : i32 to index
      %get3A_465 = arith.index_cast %scan3A_462 : i32 to index
      %get3A_466 = arith.constant 0 : index
      %get3A_467 = tpu.vector_load %arg6[%get3A_464, %get3A_465, %get3A_466] {strides = array<i32>} : memref<2x800x64xf32, #tpu.memory_space<vmem>>, vector<1x1x16xf32>,
      %get3A_468 = vector.shape_cast %get3A_467 : vector<1x1x16xf32> to vector<16xf32>
      %mul3A_469 = arith.constant 8.000000e+00 : f32
      %mul3A_470 = vector.broadcast %mul3A_469 : f32 to vector<16xf32>
      %mul3A_471 = arith.mulf %get3A_468, %mul3A_470 : vector<16xf32>
      %swap3A_472 = arith.constant 0 : i32
      %swap3A_473 = arith.index_cast %swap3A_472 : i32 to index
      %swap3A_474 = arith.index_cast %scan3A_462 : i32 to index
      %swap3A_475 = arith.constant 0 : index
      %swap3A_476 = tpu.vector_load %arg6[%swap3A_473, %swap3A_474, %swap3A_475] {strides = array<i32>} : memref<2x800x64xf32, #tpu.memory_space<vmem>>, vector<1x1x16xf32>,
      %swap3A_477 = vector.shape_cast %swap3A_476 : vector<1x1x16xf32> to vector<16xf32>
      %swap3A_478 = vector.shape_cast %mul3A_471 : vector<16xf32> to vector<1x1x16xf32>
      tpu.vector_store %arg6[%swap3A_473, %swap3A_474, %swap3A_475], %swap3A_478 {strides = array<i32>} : memref<2x800x64xf32, #tpu.memory_space<vmem>>, vector<1x1x16xf32>,
      %get3A_479 = arith.constant 0 : i32
      %get3A_480 = arith.index_cast %get3A_479 : i32 to index
      %get3A_481 = arith.index_cast %scan3A_462 : i32 to index
      %get3A_482 = arith.constant 16 : index
      %get3A_483 = tpu.vector_load %arg6[%get3A_480, %get3A_481, %get3A_482] {strides = array<i32>} : memref<2x800x64xf32, #tpu.memory_space<vmem>>, vector<1x1x16xf32>,
      %get3A_484 = vector.shape_cast %get3A_483 : vector<1x1x16xf32> to vector<16xf32>
      %mul3A_485 = arith.constant 8.000000e+00 : f32
      %mul3A_486 = vector.broadcast %mul3A_485 : f32 to vector<16xf32>
      %mul3A_487 = arith.mulf %get3A_484, %mul3A_486 : vector<16xf32>
      %swap3A_488 = arith.constant 0 : i32
      %swap3A_489 = arith.index_cast %swap3A_488 : i32 to index
      %swap3A_490 = arith.index_cast %scan3A_462 : i32 to index
      %swap3A_491 = arith.constant 16 : index
      %swap3A_492 = tpu.vector_load %arg6[%swap3A_489, %swap3A_490, %swap3A_491] {strides = array<i32>} : memref<2x800x64xf32, #tpu.memory_space<vmem>>, vector<1x1x16xf32>,
      %swap3A_493 = vector.shape_cast %swap3A_492 : vector<1x1x16xf32> to vector<16xf32>
      %swap3A_494 = vector.shape_cast %mul3A_487 : vector<16xf32> to vector<1x1x16xf32>
      tpu.vector_store %arg6[%swap3A_489, %swap3A_490, %swap3A_491], %swap3A_494 {strides = array<i32>} : memref<2x800x64xf32, #tpu.memory_space<vmem>>, vector<1x1x16xf32>,
      %get3A_495 = arith.constant 0 : i32
      %get3A_496 = arith.index_cast %get3A_495 : i32 to index
      %get3A_497 = arith.index_cast %scan3A_462 : i32 to index
      %get3A_498 = arith.constant 32 : index
      %get3A_499 = tpu.vector_load %arg6[%get3A_496, %get3A_497, %get3A_498] {strides = array<i32>} : memref<2x800x64xf32, #tpu.memory_space<vmem>>, vector<1x1x16xf32>,
      %get3A_500 = vector.shape_cast %get3A_499 : vector<1x1x16xf32> to vector<16xf32>
      %mul3A_501 = arith.constant 8.000000e+00 : f32
      %mul3A_502 = vector.broadcast %mul3A_501 : f32 to vector<16xf32>
      %mul3A_503 = arith.mulf %get3A_500, %mul3A_502 : vector<16xf32>
      %swap3A_504 = arith.constant 0 : i32
      %swap3A_505 = arith.index_cast %swap3A_504 : i32 to index
      %swap3A_506 = arith.index_cast %scan3A_462 : i32 to index
      %swap3A_507 = arith.constant 32 : index
      %swap3A_508 = tpu.vector_load %arg6[%swap3A_505, %swap3A_506, %swap3A_507] {strides = array<i32>} : memref<2x800x64xf32, #tpu.memory_space<vmem>>, vector<1x1x16xf32>,
      %swap3A_509 = vector.shape_cast %swap3A_508 : vector<1x1x16xf32> to vector<16xf32>
      %swap3A_510 = vector.shape_cast %mul3A_503 : vector<16xf32> to vector<1x1x16xf32>
      tpu.vector_store %arg6[%swap3A_505, %swap3A_506, %swap3A_507], %swap3A_510 {strides = array<i32>} : memref<2x800x64xf32, #tpu.memory_space<vmem>>, vector<1x1x16xf32>,
      %get3A_511 = arith.constant 0 : i32
      %get3A_512 = arith.index_cast %get3A_511 : i32 to index
      %get3A_513 = arith.index_cast %scan3A_462 : i32 to index
      %get3A_514 = arith.constant 48 : index
      %get3A_515 = tpu.vector_load %arg6[%get3A_512, %get3A_513, %get3A_514] {strides = array<i32>} : memref<2x800x64xf32, #tpu.memory_space<vmem>>, vector<1x1x16xf32>,
      %get3A_516 = vector.shape_cast %get3A_515 : vector<1x1x16xf32> to vector<16xf32>
      %mul3A_517 = arith.constant 8.000000e+00 : f32
      %mul3A_518 = vector.broadcast %mul3A_517 : f32 to vector<16xf32>
      %mul3A_519 = arith.mulf %get3A_516, %mul3A_518 : vector<16xf32>
      %swap3A_520 = arith.constant 0 : i32
      %swap3A_521 = arith.index_cast %swap3A_520 : i32 to index
      %swap3A_522 = arith.index_cast %scan3A_462 : i32 to index
      %swap3A_523 = arith.constant 48 : index
      %swap3A_524 = tpu.vector_load %arg6[%swap3A_521, %swap3A_522, %swap3A_523] {strides = array<i32>} : memref<2x800x64xf32, #tpu.memory_space<vmem>>, vector<1x1x16xf32>,
      %swap3A_525 = vector.shape_cast %swap3A_524 : vector<1x1x16xf32> to vector<16xf32>
      %swap3A_526 = vector.shape_cast %mul3A_519 : vector<16xf32> to vector<1x1x16xf32>
      tpu.vector_store %arg6[%swap3A_521, %swap3A_522, %swap3A_523], %swap3A_526 {strides = array<i32>} : memref<2x800x64xf32, #tpu.memory_space<vmem>>, vector<1x1x16xf32>,
      %scan3A_527 = arith.constant 0 : i32
      scf.yield %scan3A_527 : i32
    }
    %scan3A_182 = arith.constant 800 : i32
    %add3A_183 = arith.constant 24000 : i32
    %add3A_184 = arith.addi %mul3A_2, %add3A_183 : i32
    %dma_start3A_185 = arith.constant 0 : i32
    %dma_start3A_186 = arith.constant 0 : i32
    %dma_start3A_187 = arith.constant 0 : i32
    %dma_start3A_188 = tpu.memref_slice %arg6[%dma_start3A_185, %dma_start3A_186, %dma_start3A_187] : memref<2x800x64xf32, #tpu.memory_space<vmem>> -> memref<1x800x64xf32, #tpu.memory_space<vmem>>
    %dma_start3A_189 = tpu.memref_squeeze %dma_start3A_188 : memref<1x800x64xf32, #tpu.memory_space<vmem>> -> memref<800x64xf32, #tpu.memory_space<vmem>>
    %dma_start3A_190 = arith.constant 0 : i32
    %dma_start3A_191 = tpu.memref_slice %arg4[%add3A_184, %dma_start3A_190] : memref<819200x64xf32, #tpu.memory_space<hbm>> -> memref<800x64xf32, #tpu.memory_space<hbm>>
    %dma_start3A_192 = arith.constant 0 : i32
    %dma_start3A_193 = tpu.memref_slice %arg4[%add3A_184, %dma_start3A_192] : memref<819200x64xf32, #tpu.memory_space<hbm>> -> memref<800x64xf32, #tpu.memory_space<hbm>>
    %dma_start3A_194 = arith.constant 0 : i32
    %dma_start3A_195 = arith.constant 0 : i32
    %dma_start3A_196 = tpu.memref_slice %arg6[%dma_start3A_185, %dma_start3A_194, %dma_start3A_195] : memref<2x800x64xf32, #tpu.memory_space<vmem>> -> memref<1x800x64xf32, #tpu.memory_space<vmem>>
    %dma_start3A_197 = tpu.memref_squeeze %dma_start3A_196 : memref<1x800x64xf32, #tpu.memory_space<vmem>> -> memref<800x64xf32, #tpu.memory_space<vmem>>
    tpu.enqueue_dma source(%dma_start3A_197 : memref<800x64xf32, #tpu.memory_space<vmem>>) target(%dma_start3A_193 : memref<800x64xf32, #tpu.memory_space<hbm>>) target_semaphore(%arg9 : memref<!tpu.dma_semaphore, #tpu.memory_space<semaphore_mem>>)
    %dma_wait3A_198 = arith.constant 1 : i32
    %dma_wait3A_199 = arith.constant 1 : i32
    %dma_wait3A_200 = arith.constant 0 : i32
    %dma_wait3A_201 = arith.constant 0 : i32
    %dma_wait3A_202 = tpu.memref_slice %arg6[%dma_wait3A_199, %dma_wait3A_200, %dma_wait3A_201] : memref<2x800x64xf32, #tpu.memory_space<vmem>> -> memref<1x800x64xf32, #tpu.memory_space<vmem>>
    %dma_wait3A_203 = tpu.memref_squeeze %dma_wait3A_202 : memref<1x800x64xf32, #tpu.memory_space<vmem>> -> memref<800x64xf32, #tpu.memory_space<vmem>>
    %dma_wait3A_204 = arith.constant 0 : i32
    %dma_wait3A_205 = tpu.memref_slice %arg5[%dma_wait3A_198, %dma_wait3A_204] : memref<2x800xi32, #tpu.memory_space<vmem>> -> memref<1x800xi32, #tpu.memory_space<vmem>>
    %dma_wait3A_206 = tpu.memref_squeeze %dma_wait3A_205 : memref<1x800xi32, #tpu.memory_space<vmem>> -> memref<800xi32, #tpu.memory_space<vmem>>
    %dma_wait3A_207 = arith.constant 0 : i32
    %dma_wait3A_208 = arith.constant 0 : i32
    %dma_wait3A_209 = tpu.memref_slice %arg3[%dma_wait3A_207, %dma_wait3A_208] : memref<1000000x64xf32, #tpu.memory_space<hbm>> -> memref<1000000x64xf32, #tpu.memory_space<hbm>>
    tpu.wait_indirect_dma semaphore(%arg8 : memref<!tpu.dma_semaphore, #tpu.memory_space<semaphore_mem>>) src(%dma_wait3A_209 : memref<1000000x64xf32, #tpu.memory_space<hbm>>) dst(%dma_wait3A_203 : memref<800x64xf32, #tpu.memory_space<vmem>>)
    %scan3A_210 = arith.constant 0 : i32
    %scan3A_211 = arith.constant 0 : i32
    %scan3A_212 = arith.constant 800 : i32
    %scan3A_213 = arith.addi %scan3A_211, %scan3A_212 : i32
    %scan3A_214 = arith.constant 4 : i32
    %scan3A_215 = scf.for %scan3A_262 = %scan3A_211 to %scan3A_213 step %scan3A_214 iter_args(%scan3A_263 = %scan3A_210) -> (i32)  : i32 {
      %get3A = arith.constant 1 : i32
      %get3A_264 = arith.index_cast %get3A : i32 to index
      %get3A_265 = arith.index_cast %scan3A_262 : i32 to index
      %get3A_266 = arith.constant 0 : index
      %get3A_267 = tpu.vector_load %arg6[%get3A_264, %get3A_265, %get3A_266] {strides = array<i32>} : memref<2x800x64xf32, #tpu.memory_space<vmem>>, vector<1x1x16xf32>,
      %get3A_268 = vector.shape_cast %get3A_267 : vector<1x1x16xf32> to vector<16xf32>
      %mul3A_269 = arith.constant 8.000000e+00 : f32
      %mul3A_270 = vector.broadcast %mul3A_269 : f32 to vector<16xf32>
      %mul3A_271 = arith.mulf %get3A_268, %mul3A_270 : vector<16xf32>
      %swap3A = arith.constant 1 : i32
      %swap3A_272 = arith.index_cast %swap3A : i32 to index
      %swap3A_273 = arith.index_cast %scan3A_262 : i32 to index
      %swap3A_274 = arith.constant 0 : index
      %swap3A_275 = tpu.vector_load %arg6[%swap3A_272, %swap3A_273, %swap3A_274] {strides = array<i32>} : memref<2x800x64xf32, #tpu.memory_space<vmem>>, vector<1x1x16xf32>,
      %swap3A_276 = vector.shape_cast %swap3A_275 : vector<1x1x16xf32> to vector<16xf32>
      %swap3A_277 = vector.shape_cast %mul3A_271 : vector<16xf32> to vector<1x1x16xf32>
      tpu.vector_store %arg6[%swap3A_272, %swap3A_273, %swap3A_274], %swap3A_277 {strides = array<i32>} : memref<2x800x64xf32, #tpu.memory_space<vmem>>, vector<1x1x16xf32>,
      %get3A_278 = arith.constant 1 : i32
      %get3A_279 = arith.index_cast %get3A_278 : i32 to index
      %get3A_280 = arith.index_cast %scan3A_262 : i32 to index
      %get3A_281 = arith.constant 16 : index
      %get3A_282 = tpu.vector_load %arg6[%get3A_279, %get3A_280, %get3A_281] {strides = array<i32>} : memref<2x800x64xf32, #tpu.memory_space<vmem>>, vector<1x1x16xf32>,
      %get3A_283 = vector.shape_cast %get3A_282 : vector<1x1x16xf32> to vector<16xf32>
      %mul3A_284 = arith.constant 8.000000e+00 : f32
      %mul3A_285 = vector.broadcast %mul3A_284 : f32 to vector<16xf32>
      %mul3A_286 = arith.mulf %get3A_283, %mul3A_285 : vector<16xf32>
      %swap3A_287 = arith.constant 1 : i32
      %swap3A_288 = arith.index_cast %swap3A_287 : i32 to index
      %swap3A_289 = arith.index_cast %scan3A_262 : i32 to index
      %swap3A_290 = arith.constant 16 : index
      %swap3A_291 = tpu.vector_load %arg6[%swap3A_288, %swap3A_289, %swap3A_290] {strides = array<i32>} : memref<2x800x64xf32, #tpu.memory_space<vmem>>, vector<1x1x16xf32>,
      %swap3A_292 = vector.shape_cast %swap3A_291 : vector<1x1x16xf32> to vector<16xf32>
      %swap3A_293 = vector.shape_cast %mul3A_286 : vector<16xf32> to vector<1x1x16xf32>
      tpu.vector_store %arg6[%swap3A_288, %swap3A_289, %swap3A_290], %swap3A_293 {strides = array<i32>} : memref<2x800x64xf32, #tpu.memory_space<vmem>>, vector<1x1x16xf32>,
      %get3A_294 = arith.constant 1 : i32
      %get3A_295 = arith.index_cast %get3A_294 : i32 to index
      %get3A_296 = arith.index_cast %scan3A_262 : i32 to index
      %get3A_297 = arith.constant 32 : index
      %get3A_298 = tpu.vector_load %arg6[%get3A_295, %get3A_296, %get3A_297] {strides = array<i32>} : memref<2x800x64xf32, #tpu.memory_space<vmem>>, vector<1x1x16xf32>,
      %get3A_299 = vector.shape_cast %get3A_298 : vector<1x1x16xf32> to vector<16xf32>
      %mul3A_300 = arith.constant 8.000000e+00 : f32
      %mul3A_301 = vector.broadcast %mul3A_300 : f32 to vector<16xf32>
      %mul3A_302 = arith.mulf %get3A_299, %mul3A_301 : vector<16xf32>
      %swap3A_303 = arith.constant 1 : i32
      %swap3A_304 = arith.index_cast %swap3A_303 : i32 to index
      %swap3A_305 = arith.index_cast %scan3A_262 : i32 to index
      %swap3A_306 = arith.constant 32 : index
      %swap3A_307 = tpu.vector_load %arg6[%swap3A_304, %swap3A_305, %swap3A_306] {strides = array<i32>} : memref<2x800x64xf32, #tpu.memory_space<vmem>>, vector<1x1x16xf32>,
      %swap3A_308 = vector.shape_cast %swap3A_307 : vector<1x1x16xf32> to vector<16xf32>
      %swap3A_309 = vector.shape_cast %mul3A_302 : vector<16xf32> to vector<1x1x16xf32>
      tpu.vector_store %arg6[%swap3A_304, %swap3A_305, %swap3A_306], %swap3A_309 {strides = array<i32>} : memref<2x800x64xf32, #tpu.memory_space<vmem>>, vector<1x1x16xf32>,
      %get3A_310 = arith.constant 1 : i32
      %get3A_311 = arith.index_cast %get3A_310 : i32 to index
      %get3A_312 = arith.index_cast %scan3A_262 : i32 to index
      %get3A_313 = arith.constant 48 : index
      %get3A_314 = tpu.vector_load %arg6[%get3A_311, %get3A_312, %get3A_313] {strides = array<i32>} : memref<2x800x64xf32, #tpu.memory_space<vmem>>, vector<1x1x16xf32>,
      %get3A_315 = vector.shape_cast %get3A_314 : vector<1x1x16xf32> to vector<16xf32>
      %mul3A_316 = arith.constant 8.000000e+00 : f32
      %mul3A_317 = vector.broadcast %mul3A_316 : f32 to vector<16xf32>
      %mul3A_318 = arith.mulf %get3A_315, %mul3A_317 : vector<16xf32>
      %swap3A_319 = arith.constant 1 : i32
      %swap3A_320 = arith.index_cast %swap3A_319 : i32 to index
      %swap3A_321 = arith.index_cast %scan3A_262 : i32 to index
      %swap3A_322 = arith.constant 48 : index
      %swap3A_323 = tpu.vector_load %arg6[%swap3A_320, %swap3A_321, %swap3A_322] {strides = array<i32>} : memref<2x800x64xf32, #tpu.memory_space<vmem>>, vector<1x1x16xf32>,
      %swap3A_324 = vector.shape_cast %swap3A_323 : vector<1x1x16xf32> to vector<16xf32>
      %swap3A_325 = vector.shape_cast %mul3A_318 : vector<16xf32> to vector<1x1x16xf32>
      tpu.vector_store %arg6[%swap3A_320, %swap3A_321, %swap3A_322], %swap3A_325 {strides = array<i32>} : memref<2x800x64xf32, #tpu.memory_space<vmem>>, vector<1x1x16xf32>,
      %scan3A_326 = arith.constant 0 : i32
      %scan3A_327 = arith.constant 1 : i32
      %scan3A_328 = arith.addi %scan3A_262, %scan3A_327 : i32
      %get3A_329 = arith.constant 1 : i32
      %get3A_330 = arith.index_cast %get3A_329 : i32 to index
      %get3A_331 = arith.index_cast %scan3A_328 : i32 to index
      %get3A_332 = arith.constant 0 : index
      %get3A_333 = tpu.vector_load %arg6[%get3A_330, %get3A_331, %get3A_332] {strides = array<i32>} : memref<2x800x64xf32, #tpu.memory_space<vmem>>, vector<1x1x16xf32>,
      %get3A_334 = vector.shape_cast %get3A_333 : vector<1x1x16xf32> to vector<16xf32>
      %mul3A_335 = arith.constant 8.000000e+00 : f32
      %mul3A_336 = vector.broadcast %mul3A_335 : f32 to vector<16xf32>
      %mul3A_337 = arith.mulf %get3A_334, %mul3A_336 : vector<16xf32>
      %swap3A_338 = arith.constant 1 : i32
      %swap3A_339 = arith.index_cast %swap3A_338 : i32 to index
      %swap3A_340 = arith.index_cast %scan3A_328 : i32 to index
      %swap3A_341 = arith.constant 0 : index
      %swap3A_342 = tpu.vector_load %arg6[%swap3A_339, %swap3A_340, %swap3A_341] {strides = array<i32>} : memref<2x800x64xf32, #tpu.memory_space<vmem>>, vector<1x1x16xf32>,
      %swap3A_343 = vector.shape_cast %swap3A_342 : vector<1x1x16xf32> to vector<16xf32>
      %swap3A_344 = vector.shape_cast %mul3A_337 : vector<16xf32> to vector<1x1x16xf32>
      tpu.vector_store %arg6[%swap3A_339, %swap3A_340, %swap3A_341], %swap3A_344 {strides = array<i32>} : memref<2x800x64xf32, #tpu.memory_space<vmem>>, vector<1x1x16xf32>,
      %get3A_345 = arith.constant 1 : i32
      %get3A_346 = arith.index_cast %get3A_345 : i32 to index
      %get3A_347 = arith.index_cast %scan3A_328 : i32 to index
      %get3A_348 = arith.constant 16 : index
      %get3A_349 = tpu.vector_load %arg6[%get3A_346, %get3A_347, %get3A_348] {strides = array<i32>} : memref<2x800x64xf32, #tpu.memory_space<vmem>>, vector<1x1x16xf32>,
      %get3A_350 = vector.shape_cast %get3A_349 : vector<1x1x16xf32> to vector<16xf32>
      %mul3A_351 = arith.constant 8.000000e+00 : f32
      %mul3A_352 = vector.broadcast %mul3A_351 : f32 to vector<16xf32>
      %mul3A_353 = arith.mulf %get3A_350, %mul3A_352 : vector<16xf32>
      %swap3A_354 = arith.constant 1 : i32
      %swap3A_355 = arith.index_cast %swap3A_354 : i32 to index
      %swap3A_356 = arith.index_cast %scan3A_328 : i32 to index
      %swap3A_357 = arith.constant 16 : index
      %swap3A_358 = tpu.vector_load %arg6[%swap3A_355, %swap3A_356, %swap3A_357] {strides = array<i32>} : memref<2x800x64xf32, #tpu.memory_space<vmem>>, vector<1x1x16xf32>,
      %swap3A_359 = vector.shape_cast %swap3A_358 : vector<1x1x16xf32> to vector<16xf32>
      %swap3A_360 = vector.shape_cast %mul3A_353 : vector<16xf32> to vector<1x1x16xf32>
      tpu.vector_store %arg6[%swap3A_355, %swap3A_356, %swap3A_357], %swap3A_360 {strides = array<i32>} : memref<2x800x64xf32, #tpu.memory_space<vmem>>, vector<1x1x16xf32>,
      %get3A_361 = arith.constant 1 : i32
      %get3A_362 = arith.index_cast %get3A_361 : i32 to index
      %get3A_363 = arith.index_cast %scan3A_328 : i32 to index
      %get3A_364 = arith.constant 32 : index
      %get3A_365 = tpu.vector_load %arg6[%get3A_362, %get3A_363, %get3A_364] {strides = array<i32>} : memref<2x800x64xf32, #tpu.memory_space<vmem>>, vector<1x1x16xf32>,
      %get3A_366 = vector.shape_cast %get3A_365 : vector<1x1x16xf32> to vector<16xf32>
      %mul3A_367 = arith.constant 8.000000e+00 : f32
      %mul3A_368 = vector.broadcast %mul3A_367 : f32 to vector<16xf32>
      %mul3A_369 = arith.mulf %get3A_366, %mul3A_368 : vector<16xf32>
      %swap3A_370 = arith.constant 1 : i32
      %swap3A_371 = arith.index_cast %swap3A_370 : i32 to index
      %swap3A_372 = arith.index_cast %scan3A_328 : i32 to index
      %swap3A_373 = arith.constant 32 : index
      %swap3A_374 = tpu.vector_load %arg6[%swap3A_371, %swap3A_372, %swap3A_373] {strides = array<i32>} : memref<2x800x64xf32, #tpu.memory_space<vmem>>, vector<1x1x16xf32>,
      %swap3A_375 = vector.shape_cast %swap3A_374 : vector<1x1x16xf32> to vector<16xf32>
      %swap3A_376 = vector.shape_cast %mul3A_369 : vector<16xf32> to vector<1x1x16xf32>
      tpu.vector_store %arg6[%swap3A_371, %swap3A_372, %swap3A_373], %swap3A_376 {strides = array<i32>} : memref<2x800x64xf32, #tpu.memory_space<vmem>>, vector<1x1x16xf32>,
      %get3A_377 = arith.constant 1 : i32
      %get3A_378 = arith.index_cast %get3A_377 : i32 to index
      %get3A_379 = arith.index_cast %scan3A_328 : i32 to index
      %get3A_380 = arith.constant 48 : index
      %get3A_381 = tpu.vector_load %arg6[%get3A_378, %get3A_379, %get3A_380] {strides = array<i32>} : memref<2x800x64xf32, #tpu.memory_space<vmem>>, vector<1x1x16xf32>,
      %get3A_382 = vector.shape_cast %get3A_381 : vector<1x1x16xf32> to vector<16xf32>
      %mul3A_383 = arith.constant 8.000000e+00 : f32
      %mul3A_384 = vector.broadcast %mul3A_383 : f32 to vector<16xf32>
      %mul3A_385 = arith.mulf %get3A_382, %mul3A_384 : vector<16xf32>
      %swap3A_386 = arith.constant 1 : i32
      %swap3A_387 = arith.index_cast %swap3A_386 : i32 to index
      %swap3A_388 = arith.index_cast %scan3A_328 : i32 to index
      %swap3A_389 = arith.constant 48 : index
      %swap3A_390 = tpu.vector_load %arg6[%swap3A_387, %swap3A_388, %swap3A_389] {strides = array<i32>} : memref<2x800x64xf32, #tpu.memory_space<vmem>>, vector<1x1x16xf32>,
      %swap3A_391 = vector.shape_cast %swap3A_390 : vector<1x1x16xf32> to vector<16xf32>
      %swap3A_392 = vector.shape_cast %mul3A_385 : vector<16xf32> to vector<1x1x16xf32>
      tpu.vector_store %arg6[%swap3A_387, %swap3A_388, %swap3A_389], %swap3A_392 {strides = array<i32>} : memref<2x800x64xf32, #tpu.memory_space<vmem>>, vector<1x1x16xf32>,
      %scan3A_393 = arith.constant 0 : i32
      %scan3A_394 = arith.constant 2 : i32
      %scan3A_395 = arith.addi %scan3A_262, %scan3A_394 : i32
      %get3A_396 = arith.constant 1 : i32
      %get3A_397 = arith.index_cast %get3A_396 : i32 to index
      %get3A_398 = arith.index_cast %scan3A_395 : i32 to index
      %get3A_399 = arith.constant 0 : index
      %get3A_400 = tpu.vector_load %arg6[%get3A_397, %get3A_398, %get3A_399] {strides = array<i32>} : memref<2x800x64xf32, #tpu.memory_space<vmem>>, vector<1x1x16xf32>,
      %get3A_401 = vector.shape_cast %get3A_400 : vector<1x1x16xf32> to vector<16xf32>
      %mul3A_402 = arith.constant 8.000000e+00 : f32
      %mul3A_403 = vector.broadcast %mul3A_402 : f32 to vector<16xf32>
      %mul3A_404 = arith.mulf %get3A_401, %mul3A_403 : vector<16xf32>
      %swap3A_405 = arith.constant 1 : i32
      %swap3A_406 = arith.index_cast %swap3A_405 : i32 to index
      %swap3A_407 = arith.index_cast %scan3A_395 : i32 to index
      %swap3A_408 = arith.constant 0 : index
      %swap3A_409 = tpu.vector_load %arg6[%swap3A_406, %swap3A_407, %swap3A_408] {strides = array<i32>} : memref<2x800x64xf32, #tpu.memory_space<vmem>>, vector<1x1x16xf32>,
      %swap3A_410 = vector.shape_cast %swap3A_409 : vector<1x1x16xf32> to vector<16xf32>
      %swap3A_411 = vector.shape_cast %mul3A_404 : vector<16xf32> to vector<1x1x16xf32>
      tpu.vector_store %arg6[%swap3A_406, %swap3A_407, %swap3A_408], %swap3A_411 {strides = array<i32>} : memref<2x800x64xf32, #tpu.memory_space<vmem>>, vector<1x1x16xf32>,
      %get3A_412 = arith.constant 1 : i32
      %get3A_413 = arith.index_cast %get3A_412 : i32 to index
      %get3A_414 = arith.index_cast %scan3A_395 : i32 to index
      %get3A_415 = arith.constant 16 : index
      %get3A_416 = tpu.vector_load %arg6[%get3A_413, %get3A_414, %get3A_415] {strides = array<i32>} : memref<2x800x64xf32, #tpu.memory_space<vmem>>, vector<1x1x16xf32>,
      %get3A_417 = vector.shape_cast %get3A_416 : vector<1x1x16xf32> to vector<16xf32>
      %mul3A_418 = arith.constant 8.000000e+00 : f32
      %mul3A_419 = vector.broadcast %mul3A_418 : f32 to vector<16xf32>
      %mul3A_420 = arith.mulf %get3A_417, %mul3A_419 : vector<16xf32>
      %swap3A_421 = arith.constant 1 : i32
      %swap3A_422 = arith.index_cast %swap3A_421 : i32 to index
      %swap3A_423 = arith.index_cast %scan3A_395 : i32 to index
      %swap3A_424 = arith.constant 16 : index
      %swap3A_425 = tpu.vector_load %arg6[%swap3A_422, %swap3A_423, %swap3A_424] {strides = array<i32>} : memref<2x800x64xf32, #tpu.memory_space<vmem>>, vector<1x1x16xf32>,
      %swap3A_426 = vector.shape_cast %swap3A_425 : vector<1x1x16xf32> to vector<16xf32>
      %swap3A_427 = vector.shape_cast %mul3A_420 : vector<16xf32> to vector<1x1x16xf32>
      tpu.vector_store %arg6[%swap3A_422, %swap3A_423, %swap3A_424], %swap3A_427 {strides = array<i32>} : memref<2x800x64xf32, #tpu.memory_space<vmem>>, vector<1x1x16xf32>,
      %get3A_428 = arith.constant 1 : i32
      %get3A_429 = arith.index_cast %get3A_428 : i32 to index
      %get3A_430 = arith.index_cast %scan3A_395 : i32 to index
      %get3A_431 = arith.constant 32 : index
      %get3A_432 = tpu.vector_load %arg6[%get3A_429, %get3A_430, %get3A_431] {strides = array<i32>} : memref<2x800x64xf32, #tpu.memory_space<vmem>>, vector<1x1x16xf32>,
      %get3A_433 = vector.shape_cast %get3A_432 : vector<1x1x16xf32> to vector<16xf32>
      %mul3A_434 = arith.constant 8.000000e+00 : f32
      %mul3A_435 = vector.broadcast %mul3A_434 : f32 to vector<16xf32>
      %mul3A_436 = arith.mulf %get3A_433, %mul3A_435 : vector<16xf32>
      %swap3A_437 = arith.constant 1 : i32
      %swap3A_438 = arith.index_cast %swap3A_437 : i32 to index
      %swap3A_439 = arith.index_cast %scan3A_395 : i32 to index
      %swap3A_440 = arith.constant 32 : index
      %swap3A_441 = tpu.vector_load %arg6[%swap3A_438, %swap3A_439, %swap3A_440] {strides = array<i32>} : memref<2x800x64xf32, #tpu.memory_space<vmem>>, vector<1x1x16xf32>,
      %swap3A_442 = vector.shape_cast %swap3A_441 : vector<1x1x16xf32> to vector<16xf32>
      %swap3A_443 = vector.shape_cast %mul3A_436 : vector<16xf32> to vector<1x1x16xf32>
      tpu.vector_store %arg6[%swap3A_438, %swap3A_439, %swap3A_440], %swap3A_443 {strides = array<i32>} : memref<2x800x64xf32, #tpu.memory_space<vmem>>, vector<1x1x16xf32>,
      %get3A_444 = arith.constant 1 : i32
      %get3A_445 = arith.index_cast %get3A_444 : i32 to index
      %get3A_446 = arith.index_cast %scan3A_395 : i32 to index
      %get3A_447 = arith.constant 48 : index
      %get3A_448 = tpu.vector_load %arg6[%get3A_445, %get3A_446, %get3A_447] {strides = array<i32>} : memref<2x800x64xf32, #tpu.memory_space<vmem>>, vector<1x1x16xf32>,
      %get3A_449 = vector.shape_cast %get3A_448 : vector<1x1x16xf32> to vector<16xf32>
      %mul3A_450 = arith.constant 8.000000e+00 : f32
      %mul3A_451 = vector.broadcast %mul3A_450 : f32 to vector<16xf32>
      %mul3A_452 = arith.mulf %get3A_449, %mul3A_451 : vector<16xf32>
      %swap3A_453 = arith.constant 1 : i32
      %swap3A_454 = arith.index_cast %swap3A_453 : i32 to index
      %swap3A_455 = arith.index_cast %scan3A_395 : i32 to index
      %swap3A_456 = arith.constant 48 : index
      %swap3A_457 = tpu.vector_load %arg6[%swap3A_454, %swap3A_455, %swap3A_456] {strides = array<i32>} : memref<2x800x64xf32, #tpu.memory_space<vmem>>, vector<1x1x16xf32>,
      %swap3A_458 = vector.shape_cast %swap3A_457 : vector<1x1x16xf32> to vector<16xf32>
      %swap3A_459 = vector.shape_cast %mul3A_452 : vector<16xf32> to vector<1x1x16xf32>
      tpu.vector_store %arg6[%swap3A_454, %swap3A_455, %swap3A_456], %swap3A_459 {strides = array<i32>} : memref<2x800x64xf32, #tpu.memory_space<vmem>>, vector<1x1x16xf32>,
      %scan3A_460 = arith.constant 0 : i32
      %scan3A_461 = arith.constant 3 : i32
      %scan3A_462 = arith.addi %scan3A_262, %scan3A_461 : i32
      %get3A_463 = arith.constant 1 : i32
      %get3A_464 = arith.index_cast %get3A_463 : i32 to index
      %get3A_465 = arith.index_cast %scan3A_462 : i32 to index
      %get3A_466 = arith.constant 0 : index
      %get3A_467 = tpu.vector_load %arg6[%get3A_464, %get3A_465, %get3A_466] {strides = array<i32>} : memref<2x800x64xf32, #tpu.memory_space<vmem>>, vector<1x1x16xf32>,
      %get3A_468 = vector.shape_cast %get3A_467 : vector<1x1x16xf32> to vector<16xf32>
      %mul3A_469 = arith.constant 8.000000e+00 : f32
      %mul3A_470 = vector.broadcast %mul3A_469 : f32 to vector<16xf32>
      %mul3A_471 = arith.mulf %get3A_468, %mul3A_470 : vector<16xf32>
      %swap3A_472 = arith.constant 1 : i32
      %swap3A_473 = arith.index_cast %swap3A_472 : i32 to index
      %swap3A_474 = arith.index_cast %scan3A_462 : i32 to index
      %swap3A_475 = arith.constant 0 : index
      %swap3A_476 = tpu.vector_load %arg6[%swap3A_473, %swap3A_474, %swap3A_475] {strides = array<i32>} : memref<2x800x64xf32, #tpu.memory_space<vmem>>, vector<1x1x16xf32>,
      %swap3A_477 = vector.shape_cast %swap3A_476 : vector<1x1x16xf32> to vector<16xf32>
      %swap3A_478 = vector.shape_cast %mul3A_471 : vector<16xf32> to vector<1x1x16xf32>
      tpu.vector_store %arg6[%swap3A_473, %swap3A_474, %swap3A_475], %swap3A_478 {strides = array<i32>} : memref<2x800x64xf32, #tpu.memory_space<vmem>>, vector<1x1x16xf32>,
      %get3A_479 = arith.constant 1 : i32
      %get3A_480 = arith.index_cast %get3A_479 : i32 to index
      %get3A_481 = arith.index_cast %scan3A_462 : i32 to index
      %get3A_482 = arith.constant 16 : index
      %get3A_483 = tpu.vector_load %arg6[%get3A_480, %get3A_481, %get3A_482] {strides = array<i32>} : memref<2x800x64xf32, #tpu.memory_space<vmem>>, vector<1x1x16xf32>,
      %get3A_484 = vector.shape_cast %get3A_483 : vector<1x1x16xf32> to vector<16xf32>
      %mul3A_485 = arith.constant 8.000000e+00 : f32
      %mul3A_486 = vector.broadcast %mul3A_485 : f32 to vector<16xf32>
      %mul3A_487 = arith.mulf %get3A_484, %mul3A_486 : vector<16xf32>
      %swap3A_488 = arith.constant 1 : i32
      %swap3A_489 = arith.index_cast %swap3A_488 : i32 to index
      %swap3A_490 = arith.index_cast %scan3A_462 : i32 to index
      %swap3A_491 = arith.constant 16 : index
      %swap3A_492 = tpu.vector_load %arg6[%swap3A_489, %swap3A_490, %swap3A_491] {strides = array<i32>} : memref<2x800x64xf32, #tpu.memory_space<vmem>>, vector<1x1x16xf32>,
      %swap3A_493 = vector.shape_cast %swap3A_492 : vector<1x1x16xf32> to vector<16xf32>
      %swap3A_494 = vector.shape_cast %mul3A_487 : vector<16xf32> to vector<1x1x16xf32>
      tpu.vector_store %arg6[%swap3A_489, %swap3A_490, %swap3A_491], %swap3A_494 {strides = array<i32>} : memref<2x800x64xf32, #tpu.memory_space<vmem>>, vector<1x1x16xf32>,
      %get3A_495 = arith.constant 1 : i32
      %get3A_496 = arith.index_cast %get3A_495 : i32 to index
      %get3A_497 = arith.index_cast %scan3A_462 : i32 to index
      %get3A_498 = arith.constant 32 : index
      %get3A_499 = tpu.vector_load %arg6[%get3A_496, %get3A_497, %get3A_498] {strides = array<i32>} : memref<2x800x64xf32, #tpu.memory_space<vmem>>, vector<1x1x16xf32>,
      %get3A_500 = vector.shape_cast %get3A_499 : vector<1x1x16xf32> to vector<16xf32>
      %mul3A_501 = arith.constant 8.000000e+00 : f32
      %mul3A_502 = vector.broadcast %mul3A_501 : f32 to vector<16xf32>
      %mul3A_503 = arith.mulf %get3A_500, %mul3A_502 : vector<16xf32>
      %swap3A_504 = arith.constant 1 : i32
      %swap3A_505 = arith.index_cast %swap3A_504 : i32 to index
      %swap3A_506 = arith.index_cast %scan3A_462 : i32 to index
      %swap3A_507 = arith.constant 32 : index
      %swap3A_508 = tpu.vector_load %arg6[%swap3A_505, %swap3A_506, %swap3A_507] {strides = array<i32>} : memref<2x800x64xf32, #tpu.memory_space<vmem>>, vector<1x1x16xf32>,
      %swap3A_509 = vector.shape_cast %swap3A_508 : vector<1x1x16xf32> to vector<16xf32>
      %swap3A_510 = vector.shape_cast %mul3A_503 : vector<16xf32> to vector<1x1x16xf32>
      tpu.vector_store %arg6[%swap3A_505, %swap3A_506, %swap3A_507], %swap3A_510 {strides = array<i32>} : memref<2x800x64xf32, #tpu.memory_space<vmem>>, vector<1x1x16xf32>,
      %get3A_511 = arith.constant 1 : i32
      %get3A_512 = arith.index_cast %get3A_511 : i32 to index
      %get3A_513 = arith.index_cast %scan3A_462 : i32 to index
      %get3A_514 = arith.constant 48 : index
      %get3A_515 = tpu.vector_load %arg6[%get3A_512, %get3A_513, %get3A_514] {strides = array<i32>} : memref<2x800x64xf32, #tpu.memory_space<vmem>>, vector<1x1x16xf32>,
      %get3A_516 = vector.shape_cast %get3A_515 : vector<1x1x16xf32> to vector<16xf32>
      %mul3A_517 = arith.constant 8.000000e+00 : f32
      %mul3A_518 = vector.broadcast %mul3A_517 : f32 to vector<16xf32>
      %mul3A_519 = arith.mulf %get3A_516, %mul3A_518 : vector<16xf32>
      %swap3A_520 = arith.constant 1 : i32
      %swap3A_521 = arith.index_cast %swap3A_520 : i32 to index
      %swap3A_522 = arith.index_cast %scan3A_462 : i32 to index
      %swap3A_523 = arith.constant 48 : index
      %swap3A_524 = tpu.vector_load %arg6[%swap3A_521, %swap3A_522, %swap3A_523] {strides = array<i32>} : memref<2x800x64xf32, #tpu.memory_space<vmem>>, vector<1x1x16xf32>,
      %swap3A_525 = vector.shape_cast %swap3A_524 : vector<1x1x16xf32> to vector<16xf32>
      %swap3A_526 = vector.shape_cast %mul3A_519 : vector<16xf32> to vector<1x1x16xf32>
      tpu.vector_store %arg6[%swap3A_521, %swap3A_522, %swap3A_523], %swap3A_526 {strides = array<i32>} : memref<2x800x64xf32, #tpu.memory_space<vmem>>, vector<1x1x16xf32>,
      %scan3A_527 = arith.constant 0 : i32
      scf.yield %scan3A_527 : i32
    }
    %scan3A_216 = arith.constant 800 : i32
    %add3A_217 = arith.constant 24800 : i32
    %add3A_218 = arith.addi %mul3A_2, %add3A_217 : i32
    %dma_start3A_219 = arith.constant 1 : i32
    %dma_start3A_220 = arith.constant 0 : i32
    %dma_start3A_221 = arith.constant 0 : i32
    %dma_start3A_222 = tpu.memref_slice %arg6[%dma_start3A_219, %dma_start3A_220, %dma_start3A_221] : memref<2x800x64xf32, #tpu.memory_space<vmem>> -> memref<1x800x64xf32, #tpu.memory_space<vmem>>
    %dma_start3A_223 = tpu.memref_squeeze %dma_start3A_222 : memref<1x800x64xf32, #tpu.memory_space<vmem>> -> memref<800x64xf32, #tpu.memory_space<vmem>>
    %dma_start3A_224 = arith.constant 0 : i32
    %dma_start3A_225 = tpu.memref_slice %arg4[%add3A_218, %dma_start3A_224] : memref<819200x64xf32, #tpu.memory_space<hbm>> -> memref<800x64xf32, #tpu.memory_space<hbm>>
    %dma_start3A_226 = arith.constant 0 : i32
    %dma_start3A_227 = tpu.memref_slice %arg4[%add3A_218, %dma_start3A_226] : memref<819200x64xf32, #tpu.memory_space<hbm>> -> memref<800x64xf32, #tpu.memory_space<hbm>>
    %dma_start3A_228 = arith.constant 0 : i32
    %dma_start3A_229 = arith.constant 0 : i32
    %dma_start3A_230 = tpu.memref_slice %arg6[%dma_start3A_219, %dma_start3A_228, %dma_start3A_229] : memref<2x800x64xf32, #tpu.memory_space<vmem>> -> memref<1x800x64xf32, #tpu.memory_space<vmem>>
    %dma_start3A_231 = tpu.memref_squeeze %dma_start3A_230 : memref<1x800x64xf32, #tpu.memory_space<vmem>> -> memref<800x64xf32, #tpu.memory_space<vmem>>
    tpu.enqueue_dma source(%dma_start3A_231 : memref<800x64xf32, #tpu.memory_space<vmem>>) target(%dma_start3A_227 : memref<800x64xf32, #tpu.memory_space<hbm>>) target_semaphore(%arg10 : memref<!tpu.dma_semaphore, #tpu.memory_space<semaphore_mem>>)
    %add3A_232 = arith.constant 24000 : i32
    %add3A_233 = arith.addi %mul3A_2, %add3A_232 : i32
    %dma_wait3A_234 = arith.constant 0 : i32
    %dma_wait3A_235 = arith.constant 0 : i32
    %dma_wait3A_236 = arith.constant 0 : i32
    %dma_wait3A_237 = tpu.memref_slice %arg6[%dma_wait3A_234, %dma_wait3A_235, %dma_wait3A_236] : memref<2x800x64xf32, #tpu.memory_space<vmem>> -> memref<1x800x64xf32, #tpu.memory_space<vmem>>
    %dma_wait3A_238 = tpu.memref_squeeze %dma_wait3A_237 : memref<1x800x64xf32, #tpu.memory_space<vmem>> -> memref<800x64xf32, #tpu.memory_space<vmem>>
    %dma_wait3A_239 = arith.constant 0 : i32
    %dma_wait3A_240 = tpu.memref_slice %arg4[%add3A_233, %dma_wait3A_239] : memref<819200x64xf32, #tpu.memory_space<hbm>> -> memref<800x64xf32, #tpu.memory_space<hbm>>
    %dma_wait3A_241 = arith.constant 0 : i32
    %dma_wait3A_242 = tpu.memref_slice %arg4[%add3A_233, %dma_wait3A_241] : memref<819200x64xf32, #tpu.memory_space<hbm>> -> memref<800x64xf32, #tpu.memory_space<hbm>>
    %dma_wait3A_243 = arith.constant 0 : i32
    %dma_wait3A_244 = arith.constant 0 : i32
    %dma_wait3A_245 = tpu.memref_slice %arg6[%dma_wait3A_234, %dma_wait3A_243, %dma_wait3A_244] : memref<2x800x64xf32, #tpu.memory_space<vmem>> -> memref<1x800x64xf32, #tpu.memory_space<vmem>>
    %dma_wait3A_246 = tpu.memref_squeeze %dma_wait3A_245 : memref<1x800x64xf32, #tpu.memory_space<vmem>> -> memref<800x64xf32, #tpu.memory_space<vmem>>
    tpu.wait_dma2 semaphore(%arg9 : memref<!tpu.dma_semaphore, #tpu.memory_space<semaphore_mem>>) src(%dma_wait3A_246 : memref<800x64xf32, #tpu.memory_space<vmem>>) dst(%dma_wait3A_242 : memref<800x64xf32, #tpu.memory_space<hbm>>)
    %add3A_247 = arith.constant 24800 : i32
    %add3A_248 = arith.addi %mul3A_2, %add3A_247 : i32
    %dma_wait3A_249 = arith.constant 1 : i32
    %dma_wait3A_250 = arith.constant 0 : i32
    %dma_wait3A_251 = arith.constant 0 : i32
    %dma_wait3A_252 = tpu.memref_slice %arg6[%dma_wait3A_249, %dma_wait3A_250, %dma_wait3A_251] : memref<2x800x64xf32, #tpu.memory_space<vmem>> -> memref<1x800x64xf32, #tpu.memory_space<vmem>>
    %dma_wait3A_253 = tpu.memref_squeeze %dma_wait3A_252 : memref<1x800x64xf32, #tpu.memory_space<vmem>> -> memref<800x64xf32, #tpu.memory_space<vmem>>
    %dma_wait3A_254 = arith.constant 0 : i32
    %dma_wait3A_255 = tpu.memref_slice %arg4[%add3A_248, %dma_wait3A_254] : memref<819200x64xf32, #tpu.memory_space<hbm>> -> memref<800x64xf32, #tpu.memory_space<hbm>>
    %dma_wait3A_256 = arith.constant 0 : i32
    %dma_wait3A_257 = tpu.memref_slice %arg4[%add3A_248, %dma_wait3A_256] : memref<819200x64xf32, #tpu.memory_space<hbm>> -> memref<800x64xf32, #tpu.memory_space<hbm>>
    %dma_wait3A_258 = arith.constant 0 : i32
    %dma_wait3A_259 = arith.constant 0 : i32
    %dma_wait3A_260 = tpu.memref_slice %arg6[%dma_wait3A_249, %dma_wait3A_258, %dma_wait3A_259] : memref<2x800x64xf32, #tpu.memory_space<vmem>> -> memref<1x800x64xf32, #tpu.memory_space<vmem>>
    %dma_wait3A_261 = tpu.memref_squeeze %dma_wait3A_260 : memref<1x800x64xf32, #tpu.memory_space<vmem>> -> memref<800x64xf32, #tpu.memory_space<vmem>>
    tpu.wait_dma2 semaphore(%arg10 : memref<!tpu.dma_semaphore, #tpu.memory_space<semaphore_mem>>) src(%dma_wait3A_261 : memref<800x64xf32, #tpu.memory_space<vmem>>) dst(%dma_wait3A_257 : memref<800x64xf32, #tpu.memory_space<hbm>>)
    return
  }
}

</mosaic_0001>

<sc_bundles>
// kernel: kernel.3.cloned.1.call-start
scs
__scs_entry_jumppad:
0x0: {  	(pc) =	sbr.rel $0x88, $3  }
0x1: {  	(tag) =	ssettag $0x0;
	lr =	simm.s32 $0x1  }
0x2: {  	[smem:$0x3F9F] =	sst lr;
	_ =	strace $0xD0000000  }
0x3: {  	_ = 	snop  }
0x4: {  	_ = 	snop  }
0x5: {  	_ = 	snop  }
0x6: {  	_ = 	snop  }
0x7: {  	_ = 	snop  }
__scs_overlays_trampoline_lowered:
0x8: {  	[smem:$0x3FAE] =	sst s0  }
0x9: {  	[smem:$0x3FAF] =	sst s1  }
0xa: {  	[smem:$0x3FB0] =	sst s2  }
0xb: {  	[smem:$0x3FB1] =	sst s3  }
0xc: {  	[smem:$0x3FB2] =	sst s4  }
0xd: {  	[smem:$0x3FB3] =	sst s5  }
0xe: {  	[smem:$0x3FB4] =	sst s6  }
0xf: {  	[smem:$0x3FB5] =	sst s7  }
0x10: {  	[smem:$0x3FB6] =	sst s8  }
0x11: {  	[smem:$0x3FB7] =	sst s9;
	s0 =	simm.s32 @!p0 $0x0  }
0x12: {  	s1 =	sld [smem:$0x3F9D];
	s0 =	simm.s32 @p0 $0x1  }
0x13: {  	[smem:$0x3FB8] =	sst s0;
	s0 =	simm.s32 @!p1 $0x0  }
0x14: {  	s2 =	sld [smem:$0x3F9C];
	s0 =	simm.s32 @p1 $0x1  }
0x15: {  	[smem:$0x3FB9] =	sst s0;
	s0 =	simm.s32 @!p2 $0x0  }
0x16: {  	s3 =	sld [smem:$0x3FDB];
	s0 =	simm.s32 @p2 $0x1  }
0x17: {  	s4 =	simm.s32 $0x1BF5;
	[smem:$0x3FBB] =	sst s0  }
0x18: {  	s0 =	sld [smem:$0x3F9E];
	_ =	swait.ge [sflag:s4], $0x0  }
0x19: {  	s7 =	sld [smem:$0x3F9F]  }
0x1a: {  	s8 =	sadd.s32 $0xFFFFE003, lr  }
0x1b: {  	s9 =	sadd.s32 $0xFFFFFEF7, lr;
	s5 =	simm.s32 $0xFFFFFFFF;
	p2 =	slt.u32 s8, $0xFFFFF086  }
0x1c: {  	p1 =	slt.u32 s9, $0xF7A;
	s5 =	simm.s32 @!p2 $0x0  }
0x1d: {  	s5 =	simm.s32 @p1 $0x1;
	p0 =	seq.s32 s7, s2  }
0x1e: {  	s7 =	smul.u32 @!p0 $0xF7A, s2;
	p2 =	seq.s32 @!p0 s5, $0x0  }
0x1f: {  	s9 =	smul.u32 $0xF7A, s1;
	s8 =	simm.s32 @!p0 $0x1BF5;
	p2 =	por !p2, p0  }
0x20: {  	[sflag:s8] =	ssyncset.s32 @!p0 $0xFFFFF086;
	s6 =	sadd.s32 @!p0 s3, s7;
	s7 =	simm.s32 @!p0 $0x108  }
0x21: {  	s3 =	sadd.s32 s3, s9;
	s6 =	sadd.s32 @!p0 $0x88, s6;
	s7 =	simm.s32 @p2 $0x1082  }
0x22: {  	[simem:s7], [sflag:s8] =	dma.local @!p0 [hbm:s6], $0xF7A  }
0x23: {  	s9 =	sor.u32 $0xD0000000, s2;
	s6 =	simm.s32 $0x108;
	_ =	swait.ge @!p0 [sflag:s8], $0x0  }
0x24: {  	s3 =	sadd.s32 $0x88, s3;
	s6 =	simm.s32 @!p1 $0x1082;
	[sflag:s4] =	ssyncset.s32 $0xFFFFF086  }
0x25: {  	[simem:s6], [sflag:s4] =	dma.local [hbm:s3], $0xF7A  }
0x26: {  	[smem:$0x3F9F] =	sst s1;
	(tag) =	ssettag s2;
	_ =	strace s9  }
0x27: {  	s1 =	sld [smem:$0x3FAF]  }
0x28: {  	s2 =	sld [smem:$0x3FB0]  }
0x29: {  	s4 =	sld [smem:$0x3FB2]  }
0x2a: {  	p0 =	seq.s32 s5, $0x0;
	s5 =	sld [smem:$0x3FB3]  }
0x2b: {  	s6 =	sld [smem:$0x3FB4]  }
0x2c: {  	s7 =	sld [smem:$0x3FB5]  }
0x2d: {  	s3 =	simm.s32 $0x108;
	s8 =	sld [smem:$0x3FB6]  }
0x2e: {  	s3 =	simm.s32 @!p0 $0x1082;
	s9 =	sld [smem:$0x3FB7]  }
0x2f: {  	lr =	sadd.s32 s0, s3;
	s0 =	sld [smem:$0x3FAE]  }
0x30: {  	s3 =	sld [smem:$0x3FB1]  }
0x31: {  	[smem:$0x3FBA] =	sst s10  }
0x32: {  	s10 =	sld [smem:$0x3FB8];
	_ =	sdelay $0x3  }
0x33: {  	p0 =	seq.s32 s10, $0x1;
	s10 =	sld [smem:$0x3FBA];
	_ =	sdelay $0x3  }
0x34: {  	[smem:$0x3FBA] =	sst s10  }
0x35: {  	s10 =	sld [smem:$0x3FB9];
	_ =	sdelay $0x3  }
0x36: {  	p1 =	seq.s32 s10, $0x1;
	s10 =	sld [smem:$0x3FBA];
	_ =	sdelay $0x3  }
0x37: {  	[smem:$0x3FBA] =	sst s10  }
0x38: {  	s10 =	sld [smem:$0x3FBB]  }
0x39: {  	_ = 	snop;
	(pc) =	sbr.ind lr, $3  }
0x3a: {  	_ = 	snop  }
0x3b: {  	_ = 	snop  }
0x3c: {  	p2 =	seq.s32 s10, $0x1;
	s10 =	sld [smem:$0x3FBA]  }
0x3d: {  	_ =	shalt  }
0x3e: {  	_ =	shalt  }
0x3f: {  	_ =	shalt  }
0x40: {  	_ =	shalt  }
0x41: {  	_ =	shalt  }
0x42: {  	_ =	shalt  }
0x43: {  	_ =	shalt  }
0x44: {  	_ =	shalt  }
0x45: {  	_ =	shalt  }
0x46: {  	_ =	shalt  }
0x47: {  	_ =	shalt  }
0x48: {  	_ =	shalt  }
0x49: {  	_ =	shalt  }
0x4a: {  	_ =	shalt  }
0x4b: {  	_ =	shalt  }
0x4c: {  	_ =	shalt  }
0x4d: {  	_ =	shalt  }
0x4e: {  	_ =	shalt  }
0x4f: {  	_ =	shalt  }
0x50: {  	_ =	shalt  }
0x51: {  	_ =	shalt  }
0x52: {  	_ =	shalt  }
0x53: {  	_ =	shalt  }
0x54: {  	_ =	shalt  }
0x55: {  	_ =	shalt  }
0x56: {  	_ =	shalt  }
0x57: {  	_ =	shalt  }
0x58: {  	_ =	shalt  }
0x59: {  	_ =	shalt  }
0x5a: {  	_ =	shalt  }
0x5b: {  	_ =	shalt  }
0x5c: {  	_ =	shalt  }
0x5d: {  	_ =	shalt  }
0x5e: {  	_ =	shalt  }
0x5f: {  	_ =	shalt  }
0x60: {  	_ =	shalt  }
0x61: {  	_ =	shalt  }
0x62: {  	_ =	shalt  }
0x63: {  	_ =	shalt  }
0x64: {  	_ =	shalt  }
0x65: {  	_ =	shalt  }
0x66: {  	_ =	shalt  }
0x67: {  	_ =	shalt  }
0x68: {  	_ =	shalt  }
0x69: {  	_ =	shalt  }
0x6a: {  	_ =	shalt  }
0x6b: {  	_ =	shalt  }
0x6c: {  	_ =	shalt  }
0x6d: {  	_ =	shalt  }
0x6e: {  	_ =	shalt  }
0x6f: {  	_ =	shalt  }
0x70: {  	_ =	shalt  }
0x71: {  	_ =	shalt  }
0x72: {  	_ =	shalt  }
0x73: {  	_ =	shalt  }
0x74: {  	_ =	shalt  }
0x75: {  	_ =	shalt  }
0x76: {  	_ =	shalt  }
0x77: {  	_ =	shalt  }
0x78: {  	_ =	shalt  }
0x79: {  	_ =	shalt  }
0x7a: {  	_ =	shalt  }
0x7b: {  	_ =	shalt  }
0x7c: {  	_ =	shalt  }
0x7d: {  	_ =	shalt  }
0x7e: {  	_ =	shalt  }
0x7f: {  	_ =	shalt  }
0x80: {  	_ =	shalt  }
0x81: {  	_ =	shalt  }
0x82: {  	_ =	shalt  }
0x83: {  	_ =	shalt  }
0x84: {  	_ =	shalt  }
0x85: {  	_ =	shalt  }
0x86: {  	_ =	shalt  }
0x87: {  	_ =	shalt  }
.Lfunc_end0:
.L_simem_size_0:
called_computation.1_lowered:
.L_overlay_start_0:
0x88: {  	s2 =	sld [smem:$0x3FD9]  }
0x89: {  	s3 =	sld [smem:$0x3FFE];
	_ =	sdelay $0x1  }
0x8a: {  	s1 =	srdreg.scid  }
0x8b: {  	s0 =	sand.u32 $0x1, s1  }
0x8c: {  	s17 =	sshll.u32 s0, $0xA;
	s2 =	sadd.s32 s3, s2  }
0x8d: {  	s2 =	sadd.s32 s2, s17  }
0x8e: {  	[smem:$0x3FC6] =	sst s2  }
0x8f: {  	_ = 	snop  }
0x90: {  	s2 =	sld [smem:$0x3FD0];
	(tm) =	ssettm $0x1  }
0x91: {  	s18 =	sld [smem:$0x3FFB];
	_ =	sdelay $0x3  }
0x92: {  	_ =	strace s18  }
0x93: {  	s3 =	sld [smem:$0x3FFC];
	_ =	sdelay $0x3  }
0x94: {  	_ =	strace s3  }
0x95: {  	s3 =	sld [smem:$0x3FFD];
	_ =	sdelay $0x3  }
0x96: {  	_ =	strace s3  }
0x97: {  	_ =	strace $0x8FFFFFFF  }
0x98: {  	s19 =	sld [smem:$0x3FDB];
	_ =	sdelay $0x1  }
0x99: {  	s4 =	simm.s32 $_scs_section_size  }
0x9a: {  	s5 =	simm.s32 $_size__tile_overlayer_lowered;
	s6 =	simm.s32 $_tile_overlayer_lowered  }
0x9b: {  	s22 =	simm.s32 $0x1BFF;
	s21 =	sshll.u32 s6, $0x1;
	s3 =	sadd.s32 s4, s19  }
0x9c: {  	s7 =	simm.s32 $0x0;
	s20 =	sshll.u32 s5, $0x1;
	s5 =	sadd.s32 s21, s3  }
0x9d: {  	[timem:s7], [sflag:s22] =	dma.local [hbm:s5], s20  }
0x9e: {  	_ =	swait.ge [sflag:s22], s20  }
0x9f: {  	s4 =	ssub.s32 $0x0, s20;
	[sflag:s22] =	ssyncset.done $0x0  }
0xa0: {  	[sflag:s22] =	ssyncadd.s32 s4;
	_ =	sdelay $0x1  }
0xa1: {  	s23 =	simm.s32 $0x1B8B  }
0xa2: {  	_ =	swait.ge [sflag:s23], $0x1  }
0xa3: {  	[sflag:s23] =	ssyncset.done $0x0  }
0xa4: {  	s25 =	simm.s32 $0x1B8E;
	s24 =	sld [smem:$0x3FFE];
	[sflag:s23] =	ssyncadd.s32 $0xFFFFFFFF  }
0xa5: {  	s26 =	simm.s32 $execute0_lowered;
	[smem:$0x3FD2] =	sst s25  }
0xa6: {  	s5 =	sshll.u32 s26, $0x1;
	_ =	strace $0x80000046;
	[dreg:$0x1] =	wrdreg $0xFFFFFFFF  }
0xa7: {  	s28 =	simm.s32 $_size_execute0_lowered;
	s3 =	sadd.s32 s3, s5;
	[dreg:$0x0] =	wrdreg $0x0  }
0xa8: {  	s5 =	sshll.u32 s28, $0x1;
	[dreg:$0x2] =	wrdreg s3  }
0xa9: {  	[dreg:$0x3] =	wrdreg s5  }
0xaa: {  	[dreg:$0x4] =	wrdreg $0xC0  }
0xab: {  	_ =	task [dreg:s7], $0x5FFFF  }
0xac: {  	[dreg:$0x1] =	wrdreg $0xFFFFFFFF  }
0xad: {  	[dreg:$0x0] =	wrdreg $0x60  }
0xae: {  	[dreg:$0x2] =	wrdreg s24  }
0xaf: {  	[dreg:$0x3] =	wrdreg s2  }
0xb0: {  	[dreg:$0x4] =	wrdreg $0x9  }
0xb1: {  	_ =	task.clear_ibuf [dreg:s7], $0x5FFFF;
	_ =	strace $0x90000046  }
0xb2: {  	s29 =	simm.s32 $0x9;
	_ =	strace $0x80000048  }
0xb3: {  	_ =	swait.ge [sflag:s29], $0x1  }
0xb4: {  	[sflag:s29] =	ssyncadd.s32 $0xFFFFFFFF  }
0xb5: {  	_ =	strace $0x90000048  }
0xb6: {  	_ =	sfence  }
0xb7: {  	s30 =	sld [smem:$0x0];
	_ =	sdelay $0x2  }
0xb8: {  	s31 =	sshll.u32 s1, $0xD;
	s1 =	sshrl.u32 s1, $0x2  }
0xb9: {  	s3 =	sand.u32 $0x4000, s31;
	s1 =	sadd.s32 s1, s30  }
0xba: {  	s0 =	sor.u32 s3, s0;
	s1 =	sshll.u32 s1, $0x11  }
0xbb: {  	s0 =	sor.u32 s1, s0  }
0xbc: {  	s0 =	sadd.s32 $0x8F2B, s0  }
0xbd: {  	[sflag:s0] =	ssyncadd.remote.s32 $0x1  }
0xbe: {  	_ =	sfence.sel $0xFFFF  }
0xbf: {  	[dreg:$0x0] =	wrdreg $0xFFFFFFFF;
	(pc) =	sbr.abs _section_cstart, $3  }
0xc0: {  	[dreg:$0x1] =	wrdreg $0xFFFFFFFF  }
0xc1: {  	_ =	task.clear_ibuf [dreg:s7], $0x2FFFF;
	_ =	strace $0x9FFFFFFF  }
0xc2: {  	(tm) =	ssettm $0x7FFFFFFF  }
0xc3: {  	_ =	shalt  }
tec
execute0_lowered:
.L_overlay_start_1:
0x0: {  	(tag) =	ssettag $0x1  }
0x1: {  	s0 =	rddreg [dreg:$0x0];
	s1 =	srdreg.scid  }
0x2: {  	s3 =	stileid.u32;
	s2 =	rddreg [dreg:$0x1]  }
0x3: {  	s19 =	simm.s32 $0x5;
	s20 =	simm.s32 $0x320;
	s21 =	simm.s32 $0x640  }
0x4: {  	s22 =	simm.s32 $0xCE40;
	s23 =	simm.s32 $0x1;
	s24 =	simm.s32 $0x3  }
0x5: {  	s28 =	simm.s32 $0x0;
	s1 =	sand.u32 $0x1, s1;
	s4 =	sshll.u32 s3, $0x1  }
0x6: {  	s3 =	simm.s32 $0x0;
	s5 =	sadd.s32 $0xA00, s0;
	s11 =	sor.u32 s1, s4  }
0x7: {  	s6 =	sadd.s32 $0xF42E00, s0;
	s1 =	ssub.s32 $0x2, s1;
	s4 =	smul.u32 $0x6400, s11  }
0x8: {  	[smem:$0x7FF] =	sst s3;
	s25 =	sshrl.u32 s1, $0x1;
	s12 =	smul.u32 $0x32000, s11  }
0x9: {  	_ =	strace $0x80000047;
	s14 =	smul.u32 $0x190000, s11;
	s0 =	ssub.s32 s1, s25  }
0xa: {  	s25 =	simm.s32 $0x2;
	s7 =	sshrl.u32 s4, $0x3;
	s8 =	sor.u32 $0x320, s4  }
0xb: {  	s9 =	sadd.s32 $0x640, s4;
	s12 =	sadd.s32 s2, s12;
	s13 =	sadd.s32 $0x960, s4  }
0xc: {  	s16 =	sshrl.u32 s14, $0x3;
	s18 =	smax.u32 s0, $0x1;
	s7 =	sadd.s32 s5, s7  }
0xd: {  	s26 =	sshrl.u32 s8, $0x3;
	s29 =	sshrl.u32 s9, $0x3;
	s30 =	sshrl.u32 s13, $0x3  }
0xe: {  	s15 =	sshll.u32 s8, $0x3;
	s31 =	sadd.s32 s2, s16;
	s10 =	sadd.s32 s5, s26  }
0xf: {  	s11 =	sadd.s32 s5, s29;
	s14 =	sadd.s32 s5, s30;
	s15 =	sadd.s32 s2, s15  }
0x10: {  	s16 =	sadd.s32 $0x2EE00, s31;
	s17 =	sadd.s32 $0x30700, s31;
	s26 =	simm.s32 $0x4  }
.LBB2_1:
0x11: {  	[tilespmem:s3], [sflag:$0x5] =	stream.linear.gather [hbm4b:s7+s3], $0x320, $0x38;
	[tilespmem:$0x19640] =	vst v63  }
0x12: {  	_ =	swait.ge [sflag:s19], $0x320  }
0x13: {  	[sflag:s19] =	ssyncset.done $0x0  }
0x14: {  	[sflag:s19] =	ssyncadd.s32 $0xFFFFFCE0  }
0x15: {  	[tilespmem:s21], [sflag:$0x1] =	stream.indirect.gather [hbm4b:s6+s20], $0x40, s3, s20, $0xb8;
	[tilespmem:$0x19640] =	vst v63  }
0x16: {  	_ = 	snop  }
0x17: {  	[tilespmem:s20], [sflag:$0x5] =	stream.linear.gather [hbm4b:s10+s3], $0x320, $0x38;
	[tilespmem:$0x19640] =	vst v63  }
0x18: {  	_ =	swait.ge [sflag:s19], $0x320  }
0x19: {  	[sflag:s19] =	ssyncset.done $0x0  }
0x1a: {  	[sflag:s19] =	ssyncadd.s32 $0xFFFFFCE0  }
0x1b: {  	[tilespmem:s22], [sflag:$0x2] =	stream.indirect.gather [hbm4b:s6+s20], $0x40, s20, s20, $0xb8;
	[tilespmem:$0x19640] =	vst v63  }
0x1c: {  	_ =	swait.ge [sflag:s23], $0xC800  }
0x1d: {  	[sflag:s23] =	ssyncset.done $0x0  }
0x1e: {  	[sflag:s23] =	ssyncadd.s32 $0xFFFF3800  }
0x1f: {  	[tilespmem:s3], [sflag:$0x5] =	stream.linear.gather [hbm4b:s11+s3], $0x320, $0x38;
	[tilespmem:$0x19640] =	vst v63  }
0x20: {  	_ =	swait.ge [sflag:s19], $0x320  }
0x21: {  	[sflag:s19] =	ssyncset.done $0x0  }
0x22: {  	s29 =	simm.s32 $0x6C0;
	[sflag:s19] =	ssyncadd.s32 $0xFFFFFCE0  }
0x23: {  	v0 =	vld [tilespmem:s29+$0xFFFFFF80]  }
0x24: {  	v1 =	vld [tilespmem:s29+$0xFFFFFF90]  }
0x25: {  	v2 =	vld [tilespmem:s29+$0xFFFFFFA0]  }
0x26: {  	v3 =	vld [tilespmem:s29+$0xFFFFFFB0]  }
0x27: {  	v4 =	vld [tilespmem:s29+$0xFFFFFFC0]  }
0x28: {  	v5 =	vld [tilespmem:s29+$0xFFFFFFD0];
	v0 =	vmul.f32 $8.000000000e+00, v0  }
0x29: {  	v6 =	vld [tilespmem:s29+$0xFFFFFFE0];
	v1 =	vmul.f32 $8.000000000e+00, v1  }
0x2a: {  	[tilespmem:s29+$0xFFFFFF80] =	vst v0;
	v0 =	vmul.f32 $8.000000000e+00, v2;
	v2 =	vld [tilespmem:s29+$0x0]  }
0x2b: {  	[tilespmem:s29+$0xFFFFFF90] =	vst v1;
	v1 =	vmul.f32 $8.000000000e+00, v3;
	v3 =	vld [tilespmem:s29+$0x10]  }
0x2c: {  	[tilespmem:s29+$0xFFFFFFA0] =	vst v0;
	v0 =	vmul.f32 $8.000000000e+00, v4;
	v4 =	vld [tilespmem:s29+$0x20]  }
0x2d: {  	v7 =	vld [tilespmem:s29+$0x30];
	[tilespmem:s29+$0xFFFFFFB0] =	vst v1;
	v1 =	vmul.f32 $8.000000000e+00, v5  }
0x2e: {  	v5 =	vmul.f32 $8.000000000e+00, v6;
	[tilespmem:s29+$0xFFFFFFC0] =	vst v0;
	v0 =	vld [tilespmem:s29+$0x40]  }
0x2f: {  	[tilespmem:s29+$0xFFFFFFD0] =	vst v1;
	v1 =	vld [tilespmem:s29+$0x50];
	v2 =	vmul.f32 $8.000000000e+00, v2  }
0x30: {  	[tilespmem:s29+$0xFFFFFFE0] =	vst v5;
	v6 =	vmul.f32 $8.000000000e+00, v3;
	v3 =	vld [tilespmem:s29+$0x60]  }
0x31: {  	[tilespmem:s29+$0x0] =	vst v2;
	v5 =	vmul.f32 $8.000000000e+00, v4;
	v4 =	vld [tilespmem:s29+$0x70]  }
0x32: {  	s1 =	simm.s32 $0x0;
	s30 =	simm.s32 $0x7C0;
	v2 =	vld [tilespmem:s29+$0xFFFFFFF0];
	[tilespmem:s29+$0x10] =	vst v6;
	v6 =	vmul.f32 $8.000000000e+00, v7  }
.LBB2_2:
0x33: {  	v7 =	vld [tilespmem:s30+$0xFFFFFF80];
	[tilespmem:s29+$0x20] =	vst v5;
	v0 =	vmul.f32 $8.000000000e+00, v0  }
0x34: {  	v5 =	vld [tilespmem:s30+$0xFFFFFF90];
	[tilespmem:s29+$0x30] =	vst v6;
	v1 =	vmul.f32 $8.000000000e+00, v1  }
0x35: {  	v6 =	vld [tilespmem:s30+$0xFFFFFFA0];
	[tilespmem:s29+$0x40] =	vst v0;
	v0 =	vmul.f32 $8.000000000e+00, v3  }
0x36: {  	v3 =	vld [tilespmem:s30+$0xFFFFFFB0];
	[tilespmem:s29+$0x50] =	vst v1;
	v1 =	vmul.f32 $8.000000000e+00, v4  }
0x37: {  	v4 =	vld [tilespmem:s30+$0xFFFFFFC0];
	v2 =	vmul.f32 $8.000000000e+00, v2;
	[tilespmem:s29+$0x60] =	vst v0  }
0x38: {  	v0 =	vmul.f32 $8.000000000e+00, v7;
	v7 =	vld [tilespmem:s30+$0xFFFFFFD0];
	[tilespmem:s29+$0x70] =	vst v1  }
0x39: {  	v1 =	vmul.f32 $8.000000000e+00, v5;
	v5 =	vld [tilespmem:s30+$0xFFFFFFE0];
	[tilespmem:s29+$0xFFFFFFF0] =	vst v2;
	s29 =	smov.u32 s30  }
0x3a: {  	[tilespmem:s30+$0xFFFFFF80] =	vst v0;
	v0 =	vmul.f32 $8.000000000e+00, v6;
	v2 =	vld [tilespmem:s30+$0x0]  }
0x3b: {  	[tilespmem:s30+$0xFFFFFF90] =	vst v1;
	v1 =	vmul.f32 $8.000000000e+00, v3;
	v3 =	vld [tilespmem:s30+$0x10]  }
0x3c: {  	s1 =	sadd.s32 $0x4, s1;
	[tilespmem:s30+$0xFFFFFFA0] =	vst v0;
	v0 =	vmul.f32 $8.000000000e+00, v4;
	v4 =	vld [tilespmem:s30+$0x20]  }
0x3d: {  	p0 =	slt.u32 s1, $0x31C;
	[tilespmem:s30+$0xFFFFFFB0] =	vst v1;
	v1 =	vmul.f32 $8.000000000e+00, v7;
	v6 =	vld [tilespmem:s30+$0x30]  }
.Ltmp0:
0x3e: {  	[tilespmem:s30+$0xFFFFFFC0] =	vst v0;
	v5 =	vmul.f32 $8.000000000e+00, v5;
	v0 =	vld [tilespmem:s30+$0x40];
	(pc) =	sbr.rel @p0 .LBB2_2-.Ltmp0, $4  }
0x3f: {  	[tilespmem:s30+$0xFFFFFFD0] =	vst v1;
	v2 =	vmul.f32 $8.000000000e+00, v2;
	v1 =	vld [tilespmem:s30+$0x50]  }
0x40: {  	[tilespmem:s30+$0xFFFFFFE0] =	vst v5;
	v7 =	vmul.f32 $8.000000000e+00, v3;
	v3 =	vld [tilespmem:s30+$0x60]  }
0x41: {  	[tilespmem:s30+$0x0] =	vst v2;
	v5 =	vmul.f32 $8.000000000e+00, v4;
	v4 =	vld [tilespmem:s30+$0x70]  }
0x42: {  	s30 =	sadd.s32 $0x100, s30;
	v2 =	vld [tilespmem:s29+$0xFFFFFFF0];
	[tilespmem:s29+$0x10] =	vst v7;
	v6 =	vmul.f32 $8.000000000e+00, v6  }
0x43: {  	[tilespmem:s29+$0x20] =	vst v5;
	v0 =	vmul.f32 $8.000000000e+00, v0  }
0x44: {  	[tilespmem:s29+$0x30] =	vst v6;
	v1 =	vmul.f32 $8.000000000e+00, v1  }
0x45: {  	[tilespmem:s29+$0x40] =	vst v0;
	v0 =	vmul.f32 $8.000000000e+00, v3  }
0x46: {  	[tilespmem:s29+$0x50] =	vst v1;
	v1 =	vmul.f32 $8.000000000e+00, v4  }
0x47: {  	v2 =	vmul.f32 $8.000000000e+00, v2;
	[tilespmem:s29+$0x60] =	vst v0  }
0x48: {  	[tilespmem:s29+$0x70] =	vst v1  }
0x49: {  	[tilespmem:s29+$0xFFFFFFF0] =	vst v2  }
0x4a: {  	[hbm4b:s12+s3] =	stream.linear.scatter [tilespmem:s21], [sflag:$0x3], $0xC800, $0x38;
	[tilespmem:$0x19640] =	vst v63  }
0x4b: {  	_ =	swait.ge [sflag:s24], $0xC800  }
0x4c: {  	[sflag:s24] =	ssyncset.done $0x0  }
0x4d: {  	[sflag:s24] =	ssyncadd.s32 $0xFFFF3800  }
0x4e: {  	[tilespmem:s21], [sflag:$0x1] =	stream.indirect.gather [hbm4b:s6+s20], $0x40, s3, s20, $0xb8;
	[tilespmem:$0x19640] =	vst v63  }
0x4f: {  	_ =	swait.ge [sflag:s25], $0xC800  }
0x50: {  	[sflag:s25] =	ssyncset.done $0x0  }
0x51: {  	[sflag:s25] =	ssyncadd.s32 $0xFFFF3800  }
0x52: {  	[tilespmem:s20], [sflag:$0x5] =	stream.linear.gather [hbm4b:s14+s3], $0x320, $0x38;
	[tilespmem:$0x19640] =	vst v63  }
0x53: {  	_ =	swait.ge [sflag:s19], $0x320  }
0x54: {  	[sflag:s19] =	ssyncset.done $0x0  }
0x55: {  	s29 =	simm.s32 $0xCE40;
	[sflag:s19] =	ssyncadd.s32 $0xFFFFFCE0  }
0x56: {  	v1 =	vld [tilespmem:s29+$0xA0]  }
0x57: {  	v2 =	vld [tilespmem:s29+$0x40]  }
0x58: {  	v3 =	vld [tilespmem:s29+$0xE0]  }
0x59: {  	v4 =	vld [tilespmem:s29+$0xD0]  }
0x5a: {  	v5 =	vld [tilespmem:s29+$0x20]  }
0x5b: {  	v0 =	vld [tilespmem:s29+$0x90]  }
0x5c: {  	v8 =	vld [tilespmem:s29+$0xC0]  }
0x5d: {  	v7 =	vld [tilespmem:s29+$0x10]  }
0x5e: {  	v9 =	vld [tilespmem:s29+$0x0];
	v1 =	vmul.f32 $8.000000000e+00, v1  }
0x5f: {  	v11 =	vld [tilespmem:s29+$0x50];
	v4 =	vmul.f32 $8.000000000e+00, v4  }
0x60: {  	v10 =	vld [tilespmem:s29+$0xB0];
	v12 =	vmul.f32 $8.000000000e+00, v5;
	[tilespmem:s29+$0xA0] =	vst v1  }
0x61: {  	v6 =	vld [tilespmem:s29+$0xF0];
	v13 =	vmul.f32 $8.000000000e+00, v8;
	[tilespmem:s29+$0xD0] =	vst v4  }
0x62: {  	v1 =	vmul.f32 $8.000000000e+00, v2;
	v2 =	vmul.f32 $8.000000000e+00, v3;
	v3 =	vld [tilespmem:s29+$0x80];
	[tilespmem:s29+$0x20] =	vst v12  }
0x63: {  	v4 =	vld [tilespmem:s29+$0x70];
	[tilespmem:s29+$0xC0] =	vst v13  }
0x64: {  	v8 =	vmul.f32 $8.000000000e+00, v9;
	v5 =	vld [tilespmem:s29+$0x60];
	v9 =	vmul.f32 $8.000000000e+00, v11;
	[tilespmem:s29+$0x40] =	vst v1  }
0x65: {  	s30 =	simm.s32 $0x0;
	s1 =	simm.s32 $0xCF40;
	[tilespmem:s29+$0xE0] =	vst v2;
	v1 =	vmul.f32 $8.000000000e+00, v7;
	v7 =	vld [tilespmem:s29+$0x30];
	v2 =	vmul.f32 $8.000000000e+00, v10  }
.LBB2_4:
0x66: {  	v10 =	vld [tilespmem:s1+$0xA0];
	s30 =	sadd.s32 $0x4, s30;
	[tilespmem:s29+$0x0] =	vst v8;
	v0 =	vmul.f32 $8.000000000e+00, v0;
	v6 =	vmul.f32 $8.000000000e+00, v6  }
0x67: {  	v8 =	vld [tilespmem:s1+$0x40];
	p0 =	slt.u32 s30, $0x31C;
	[tilespmem:s29+$0x50] =	vst v9;
	v3 =	vmul.f32 $8.000000000e+00, v3  }
0x68: {  	v9 =	vld [tilespmem:s1+$0xE0];
	v4 =	vmul.f32 $8.000000000e+00, v4;
	[tilespmem:s29+$0xF0] =	vst v6  }
0x69: {  	v11 =	vld [tilespmem:s1+$0x20];
	v5 =	vmul.f32 $8.000000000e+00, v5;
	[tilespmem:s29+$0x80] =	vst v3  }
0x6a: {  	v3 =	vld [tilespmem:s1+$0xD0];
	v6 =	vmul.f32 $8.000000000e+00, v7;
	[tilespmem:s29+$0x90] =	vst v0  }
0x6b: {  	v0 =	vld [tilespmem:s1+$0x90];
	v7 =	vmul.f32 $8.000000000e+00, v10;
	[tilespmem:s29+$0x10] =	vst v1  }
0x6c: {  	v1 =	vld [tilespmem:s1+$0x10];
	[tilespmem:s29+$0x30] =	vst v6  }
0x6d: {  	v10 =	vld [tilespmem:s1+$0xC0];
	v9 =	vmul.f32 $8.000000000e+00, v9;
	[tilespmem:s29+$0xB0] =	vst v2  }
0x6e: {  	v2 =	vld [tilespmem:s1+$0x0];
	[tilespmem:s29+$0x70] =	vst v4  }
0x6f: {  	v12 =	vld [tilespmem:s1+$0xB0];
	v3 =	vmul.f32 $8.000000000e+00, v3;
	[tilespmem:s29+$0x60] =	vst v5;
	s29 =	smov.u32 s1  }
0x70: {  	v13 =	vld [tilespmem:s1+$0x50];
	[tilespmem:s1+$0xA0] =	vst v7  }
.Ltmp1:
0x71: {  	v4 =	vmul.f32 $8.000000000e+00, v8;
	[tilespmem:s1+$0xD0] =	vst v3;
	v6 =	vld [tilespmem:s1+$0xF0];
	(pc) =	sbr.rel @p0 .LBB2_4-.Ltmp1, $4  }
0x72: {  	v3 =	vld [tilespmem:s1+$0x80];
	v7 =	vmul.f32 $8.000000000e+00, v10;
	[tilespmem:s1+$0xE0] =	vst v9  }
0x73: {  	v9 =	vmul.f32 $8.000000000e+00, v11;
	[tilespmem:s1+$0x40] =	vst v4;
	v4 =	vld [tilespmem:s1+$0x70]  }
0x74: {  	v1 =	vmul.f32 $8.000000000e+00, v1;
	v8 =	vmul.f32 $8.000000000e+00, v2;
	v5 =	vld [tilespmem:s1+$0x60];
	[tilespmem:s1+$0xC0] =	vst v7  }
0x75: {  	v2 =	vmul.f32 $8.000000000e+00, v12;
	s1 =	sadd.s32 $0x100, s1;
	[tilespmem:s29+$0x20] =	vst v9;
	v7 =	vld [tilespmem:s29+$0x30];
	v9 =	vmul.f32 $8.000000000e+00, v13  }
0x76: {  	[tilespmem:s29+$0x0] =	vst v8  }
0x77: {  	[tilespmem:s29+$0x10] =	vst v1  }
0x78: {  	v6 =	vmul.f32 $8.000000000e+00, v6;
	[tilespmem:s29+$0x50] =	vst v9  }
0x79: {  	v0 =	vmul.f32 $8.000000000e+00, v0;
	[tilespmem:s29+$0xB0] =	vst v2  }
0x7a: {  	v3 =	vmul.f32 $8.000000000e+00, v3;
	[tilespmem:s29+$0xF0] =	vst v6  }
0x7b: {  	[tilespmem:s29+$0x90] =	vst v0;
	v62 =	vmul.f32 $8.000000000e+00, v4  }
0x7c: {  	[tilespmem:s29+$0x80] =	vst v3;
	v63 =	vmul.f32 $8.000000000e+00, v5  }
0x7d: {  	v61 =	vmul.f32 $8.000000000e+00, v7;
	[tilespmem:s29+$0x70] =	vst v62  }
0x7e: {  	[tilespmem:s29+$0x60] =	vst v63  }
0x7f: {  	[tilespmem:s29+$0x30] =	vst v61;
	s29 =	simm.s32 $0x1  }
0x80: {  	[hbm4b:s15+s3] =	stream.linear.scatter [tilespmem:s22], [sflag:$0x4], $0xC800, $0x38;
	[tilespmem:$0x19640] =	vst v63  }
.LBB2_6:
0x81: {  	_ =	swait.ge [sflag:s26], $0xC800  }
0x82: {  	[sflag:s26] =	ssyncset.done $0x0  }
0x83: {  	s30 =	smul.u32 $0x640, s29;
	[sflag:s26] =	ssyncadd.s32 $0xFFFF3800  }
0x84: {  	[tilespmem:s22], [sflag:$0x2] =	stream.indirect.gather [hbm4b:s6+s20], $0x40, s20, s20, $0xb8;
	[tilespmem:$0x19640] =	vst v63  }
0x85: {  	s0 =	sadd.s32 s30, s9;
	_ =	swait.ge [sflag:s23], $0xC800  }
0x86: {  	s0 =	sshrl.u32 s0, $0x3;
	[sflag:s23] =	ssyncset.done $0x0  }
0x87: {  	s0 =	sadd.s32 s5, s0;
	[sflag:s23] =	ssyncadd.s32 $0xFFFF3800  }
0x88: {  	[tilespmem:s3], [sflag:$0x5] =	stream.linear.gather [hbm4b:s0+s3], $0x320, $0x38;
	[tilespmem:$0x19640] =	vst v63  }
0x89: {  	_ =	swait.ge [sflag:s19], $0x320  }
0x8a: {  	[sflag:s19] =	ssyncset.done $0x0  }
0x8b: {  	s31 =	simm.s32 $0x6C0;
	[sflag:s19] =	ssyncadd.s32 $0xFFFFFCE0  }
0x8c: {  	v0 =	vld [tilespmem:s31+$0xFFFFFF80]  }
0x8d: {  	v1 =	vld [tilespmem:s31+$0xFFFFFF90]  }
0x8e: {  	v2 =	vld [tilespmem:s31+$0xFFFFFFA0]  }
0x8f: {  	v3 =	vld [tilespmem:s31+$0xFFFFFFB0]  }
0x90: {  	v4 =	vld [tilespmem:s31+$0xFFFFFFC0]  }
0x91: {  	v5 =	vld [tilespmem:s31+$0xFFFFFFD0];
	v0 =	vmul.f32 $8.000000000e+00, v0  }
0x92: {  	v6 =	vld [tilespmem:s31+$0xFFFFFFE0];
	v1 =	vmul.f32 $8.000000000e+00, v1  }
0x93: {  	[tilespmem:s31+$0xFFFFFF80] =	vst v0;
	v0 =	vmul.f32 $8.000000000e+00, v2;
	v2 =	vld [tilespmem:s31+$0x0]  }
0x94: {  	[tilespmem:s31+$0xFFFFFF90] =	vst v1;
	v1 =	vmul.f32 $8.000000000e+00, v3;
	v3 =	vld [tilespmem:s31+$0x10]  }
0x95: {  	[tilespmem:s31+$0xFFFFFFA0] =	vst v0;
	v0 =	vmul.f32 $8.000000000e+00, v4;
	v4 =	vld [tilespmem:s31+$0x20]  }
0x96: {  	v7 =	vld [tilespmem:s31+$0x30];
	[tilespmem:s31+$0xFFFFFFB0] =	vst v1;
	v1 =	vmul.f32 $8.000000000e+00, v5  }
0x97: {  	v5 =	vmul.f32 $8.000000000e+00, v6;
	[tilespmem:s31+$0xFFFFFFC0] =	vst v0;
	v0 =	vld [tilespmem:s31+$0x40]  }
0x98: {  	[tilespmem:s31+$0xFFFFFFD0] =	vst v1;
	v1 =	vmul.f32 $8.000000000e+00, v2;
	v2 =	vld [tilespmem:s31+$0x50]  }
0x99: {  	[tilespmem:s31+$0xFFFFFFE0] =	vst v5;
	v6 =	vmul.f32 $8.000000000e+00, v3;
	v3 =	vld [tilespmem:s31+$0x60]  }
0x9a: {  	[tilespmem:s31+$0x0] =	vst v1;
	v5 =	vmul.f32 $8.000000000e+00, v4;
	v4 =	vld [tilespmem:s31+$0x70]  }
0x9b: {  	s1 =	simm.s32 $0x0;
	s0 =	simm.s32 $0x7C0;
	v1 =	vld [tilespmem:s31+$0xFFFFFFF0];
	[tilespmem:s31+$0x10] =	vst v6;
	v6 =	vmul.f32 $8.000000000e+00, v7  }
.LBB2_7:
0x9c: {  	v7 =	vld [tilespmem:s0+$0xFFFFFF80];
	[tilespmem:s31+$0x20] =	vst v5;
	v0 =	vmul.f32 $8.000000000e+00, v0  }
0x9d: {  	v5 =	vld [tilespmem:s0+$0xFFFFFF90];
	[tilespmem:s31+$0x30] =	vst v6;
	v2 =	vmul.f32 $8.000000000e+00, v2  }
0x9e: {  	v6 =	vld [tilespmem:s0+$0xFFFFFFA0];
	[tilespmem:s31+$0x40] =	vst v0;
	v0 =	vmul.f32 $8.000000000e+00, v3  }
0x9f: {  	v3 =	vld [tilespmem:s0+$0xFFFFFFB0];
	[tilespmem:s31+$0x50] =	vst v2;
	v2 =	vmul.f32 $8.000000000e+00, v4  }
0xa0: {  	v4 =	vld [tilespmem:s0+$0xFFFFFFC0];
	v1 =	vmul.f32 $8.000000000e+00, v1;
	[tilespmem:s31+$0x60] =	vst v0  }
0xa1: {  	v0 =	vmul.f32 $8.000000000e+00, v7;
	v7 =	vld [tilespmem:s0+$0xFFFFFFD0];
	[tilespmem:s31+$0x70] =	vst v2  }
0xa2: {  	v2 =	vmul.f32 $8.000000000e+00, v5;
	v5 =	vld [tilespmem:s0+$0xFFFFFFE0];
	[tilespmem:s31+$0xFFFFFFF0] =	vst v1;
	s31 =	smov.u32 s0  }
0xa3: {  	[tilespmem:s0+$0xFFFFFF80] =	vst v0;
	v0 =	vmul.f32 $8.000000000e+00, v6;
	v1 =	vld [tilespmem:s0+$0x0]  }
0xa4: {  	[tilespmem:s0+$0xFFFFFF90] =	vst v2;
	v2 =	vmul.f32 $8.000000000e+00, v3;
	v3 =	vld [tilespmem:s0+$0x10]  }
0xa5: {  	s1 =	sadd.s32 $0x4, s1;
	[tilespmem:s0+$0xFFFFFFA0] =	vst v0;
	v0 =	vmul.f32 $8.000000000e+00, v4;
	v4 =	vld [tilespmem:s0+$0x20]  }
0xa6: {  	p0 =	slt.u32 s1, $0x31C;
	[tilespmem:s0+$0xFFFFFFB0] =	vst v2;
	v2 =	vmul.f32 $8.000000000e+00, v7;
	v6 =	vld [tilespmem:s0+$0x30]  }
.Ltmp2:
0xa7: {  	[tilespmem:s0+$0xFFFFFFC0] =	vst v0;
	v5 =	vmul.f32 $8.000000000e+00, v5;
	v0 =	vld [tilespmem:s0+$0x40];
	(pc) =	sbr.rel @p0 .LBB2_7-.Ltmp2, $4  }
0xa8: {  	[tilespmem:s0+$0xFFFFFFD0] =	vst v2;
	v1 =	vmul.f32 $8.000000000e+00, v1;
	v2 =	vld [tilespmem:s0+$0x50]  }
0xa9: {  	[tilespmem:s0+$0xFFFFFFE0] =	vst v5;
	v7 =	vmul.f32 $8.000000000e+00, v3;
	v3 =	vld [tilespmem:s0+$0x60]  }
0xaa: {  	[tilespmem:s0+$0x0] =	vst v1;
	v5 =	vmul.f32 $8.000000000e+00, v4;
	v4 =	vld [tilespmem:s0+$0x70]  }
0xab: {  	s0 =	sadd.s32 $0x100, s0;
	v1 =	vld [tilespmem:s31+$0xFFFFFFF0];
	[tilespmem:s31+$0x10] =	vst v7;
	v6 =	vmul.f32 $8.000000000e+00, v6  }
0xac: {  	[tilespmem:s31+$0x20] =	vst v5;
	v0 =	vmul.f32 $8.000000000e+00, v0  }
0xad: {  	[tilespmem:s31+$0x30] =	vst v6;
	v2 =	vmul.f32 $8.000000000e+00, v2  }
0xae: {  	[tilespmem:s31+$0x40] =	vst v0;
	v0 =	vmul.f32 $8.000000000e+00, v3  }
0xaf: {  	s0 =	sadd.s32 s4, s30;
	[tilespmem:s31+$0x50] =	vst v2;
	v2 =	vmul.f32 $8.000000000e+00, v4  }
0xb0: {  	s0 =	sshll.u32 s0, $0x3;
	v1 =	vmul.f32 $8.000000000e+00, v1;
	[tilespmem:s31+$0x60] =	vst v0  }
0xb1: {  	s0 =	sand.u32 $0x1FFFFE00, s0;
	[tilespmem:s31+$0x70] =	vst v2  }
0xb2: {  	s0 =	sadd.s32 s2, s0;
	[tilespmem:s31+$0xFFFFFFF0] =	vst v1  }
0xb3: {  	[hbm4b:s0+s3] =	stream.linear.scatter [tilespmem:s21], [sflag:$0x3], $0xC800, $0x38;
	[tilespmem:$0x19640] =	vst v63  }
0xb4: {  	_ =	swait.ge [sflag:s24], $0xC800  }
0xb5: {  	[sflag:s24] =	ssyncset.done $0x0  }
0xb6: {  	[sflag:s24] =	ssyncadd.s32 $0xFFFF3800  }
0xb7: {  	[tilespmem:s21], [sflag:$0x1] =	stream.indirect.gather [hbm4b:s6+s20], $0x40, s3, s20, $0xb8;
	[tilespmem:$0x19640] =	vst v63  }
0xb8: {  	s1 =	sadd.s32 s30, s13;
	_ =	swait.ge [sflag:s25], $0xC800  }
0xb9: {  	s0 =	sshrl.u32 s1, $0x3;
	[sflag:s25] =	ssyncset.done $0x0  }
0xba: {  	s0 =	sadd.s32 s5, s0;
	[sflag:s25] =	ssyncadd.s32 $0xFFFF3800  }
0xbb: {  	[tilespmem:s20], [sflag:$0x5] =	stream.linear.gather [hbm4b:s0+s3], $0x320, $0x38;
	[tilespmem:$0x19640] =	vst v63  }
0xbc: {  	_ =	swait.ge [sflag:s19], $0x320  }
0xbd: {  	[sflag:s19] =	ssyncset.done $0x0  }
0xbe: {  	s31 =	simm.s32 $0xCE40;
	[sflag:s19] =	ssyncadd.s32 $0xFFFFFCE0  }
0xbf: {  	v1 =	vld [tilespmem:s31+$0xA0]  }
0xc0: {  	v2 =	vld [tilespmem:s31+$0x40]  }
0xc1: {  	v3 =	vld [tilespmem:s31+$0xE0]  }
0xc2: {  	v4 =	vld [tilespmem:s31+$0xD0]  }
0xc3: {  	v5 =	vld [tilespmem:s31+$0x20]  }
0xc4: {  	v0 =	vld [tilespmem:s31+$0x90]  }
0xc5: {  	v8 =	vld [tilespmem:s31+$0xC0]  }
0xc6: {  	v7 =	vld [tilespmem:s31+$0x10]  }
0xc7: {  	v9 =	vld [tilespmem:s31+$0x0];
	v1 =	vmul.f32 $8.000000000e+00, v1  }
0xc8: {  	v11 =	vld [tilespmem:s31+$0x50];
	v4 =	vmul.f32 $8.000000000e+00, v4  }
0xc9: {  	v10 =	vld [tilespmem:s31+$0xB0];
	v12 =	vmul.f32 $8.000000000e+00, v5;
	[tilespmem:s31+$0xA0] =	vst v1  }
0xca: {  	v6 =	vld [tilespmem:s31+$0xF0];
	v13 =	vmul.f32 $8.000000000e+00, v8;
	[tilespmem:s31+$0xD0] =	vst v4  }
0xcb: {  	v1 =	vmul.f32 $8.000000000e+00, v2;
	v2 =	vmul.f32 $8.000000000e+00, v3;
	v3 =	vld [tilespmem:s31+$0x80];
	[tilespmem:s31+$0x20] =	vst v12  }
0xcc: {  	v4 =	vld [tilespmem:s31+$0x70];
	[tilespmem:s31+$0xC0] =	vst v13  }
0xcd: {  	v8 =	vmul.f32 $8.000000000e+00, v9;
	v5 =	vld [tilespmem:s31+$0x60];
	v9 =	vmul.f32 $8.000000000e+00, v11;
	[tilespmem:s31+$0x40] =	vst v1  }
0xce: {  	s1 =	simm.s32 $0x0;
	s0 =	simm.s32 $0xCF40;
	[tilespmem:s31+$0xE0] =	vst v2;
	v1 =	vmul.f32 $8.000000000e+00, v7;
	v7 =	vld [tilespmem:s31+$0x30];
	v2 =	vmul.f32 $8.000000000e+00, v10  }
.LBB2_9:
0xcf: {  	v10 =	vld [tilespmem:s0+$0xA0];
	s1 =	sadd.s32 $0x4, s1;
	[tilespmem:s31+$0x0] =	vst v8;
	v0 =	vmul.f32 $8.000000000e+00, v0;
	v6 =	vmul.f32 $8.000000000e+00, v6  }
0xd0: {  	v8 =	vld [tilespmem:s0+$0x40];
	p0 =	slt.u32 s1, $0x31C;
	[tilespmem:s31+$0x50] =	vst v9;
	v3 =	vmul.f32 $8.000000000e+00, v3  }
0xd1: {  	v9 =	vld [tilespmem:s0+$0xE0];
	v4 =	vmul.f32 $8.000000000e+00, v4;
	[tilespmem:s31+$0xF0] =	vst v6  }
0xd2: {  	v11 =	vld [tilespmem:s0+$0x20];
	v5 =	vmul.f32 $8.000000000e+00, v5;
	[tilespmem:s31+$0x80] =	vst v3  }
0xd3: {  	v3 =	vld [tilespmem:s0+$0xD0];
	v6 =	vmul.f32 $8.000000000e+00, v7;
	[tilespmem:s31+$0x90] =	vst v0  }
0xd4: {  	v0 =	vld [tilespmem:s0+$0x90];
	v7 =	vmul.f32 $8.000000000e+00, v10;
	[tilespmem:s31+$0x10] =	vst v1  }
0xd5: {  	v1 =	vld [tilespmem:s0+$0x10];
	[tilespmem:s31+$0x30] =	vst v6  }
0xd6: {  	v10 =	vld [tilespmem:s0+$0xC0];
	v9 =	vmul.f32 $8.000000000e+00, v9;
	[tilespmem:s31+$0xB0] =	vst v2  }
0xd7: {  	v2 =	vld [tilespmem:s0+$0x0];
	[tilespmem:s31+$0x70] =	vst v4  }
0xd8: {  	v12 =	vld [tilespmem:s0+$0xB0];
	v3 =	vmul.f32 $8.000000000e+00, v3;
	[tilespmem:s31+$0x60] =	vst v5;
	s31 =	smov.u32 s0  }
0xd9: {  	v13 =	vld [tilespmem:s0+$0x50];
	[tilespmem:s0+$0xA0] =	vst v7  }
.Ltmp3:
0xda: {  	v4 =	vmul.f32 $8.000000000e+00, v8;
	[tilespmem:s0+$0xD0] =	vst v3;
	v6 =	vld [tilespmem:s0+$0xF0];
	(pc) =	sbr.rel @p0 .LBB2_9-.Ltmp3, $4  }
0xdb: {  	v3 =	vld [tilespmem:s0+$0x80];
	v7 =	vmul.f32 $8.000000000e+00, v10;
	[tilespmem:s0+$0xE0] =	vst v9  }
0xdc: {  	v9 =	vmul.f32 $8.000000000e+00, v11;
	[tilespmem:s0+$0x40] =	vst v4;
	v4 =	vld [tilespmem:s0+$0x70]  }
0xdd: {  	v1 =	vmul.f32 $8.000000000e+00, v1;
	v8 =	vmul.f32 $8.000000000e+00, v2;
	v5 =	vld [tilespmem:s0+$0x60];
	[tilespmem:s0+$0xC0] =	vst v7  }
0xde: {  	v2 =	vmul.f32 $8.000000000e+00, v12;
	s0 =	sadd.s32 $0x100, s0;
	[tilespmem:s31+$0x20] =	vst v9;
	v7 =	vld [tilespmem:s31+$0x30];
	v9 =	vmul.f32 $8.000000000e+00, v13  }
0xdf: {  	[tilespmem:s31+$0x0] =	vst v8  }
0xe0: {  	[tilespmem:s31+$0x10] =	vst v1  }
0xe1: {  	v6 =	vmul.f32 $8.000000000e+00, v6;
	[tilespmem:s31+$0x50] =	vst v9  }
0xe2: {  	v0 =	vmul.f32 $8.000000000e+00, v0;
	[tilespmem:s31+$0xB0] =	vst v2  }
0xe3: {  	s29 =	sadd.s32 $0x1, s29;
	v3 =	vmul.f32 $8.000000000e+00, v3;
	[tilespmem:s31+$0xF0] =	vst v6  }
0xe4: {  	p0 =	sne.s32 s29, $0xF;
	[tilespmem:s31+$0x90] =	vst v0;
	v62 =	vmul.f32 $8.000000000e+00, v4  }
.Ltmp4:
0xe5: {  	s0 =	sadd.s32 s30, s8;
	[tilespmem:s31+$0x80] =	vst v3;
	v63 =	vmul.f32 $8.000000000e+00, v5;
	(pc) =	sbr.rel @p0 .LBB2_6-.Ltmp4, $4  }
0xe6: {  	s0 =	sshll.u32 s0, $0x3;
	v61 =	vmul.f32 $8.000000000e+00, v7;
	[tilespmem:s31+$0x70] =	vst v62  }
0xe7: {  	s0 =	sand.u32 $0x1FFFFF00, s0;
	[tilespmem:s31+$0x60] =	vst v63  }
0xe8: {  	s0 =	sadd.s32 s2, s0;
	[tilespmem:s31+$0x30] =	vst v61  }
0xe9: {  	[hbm4b:s0+s3] =	stream.linear.scatter [tilespmem:s22], [sflag:$0x4], $0xC800, $0x38;
	[tilespmem:$0x19640] =	vst v63  }
0xea: {  	_ =	swait.ge [sflag:s26], $0xC800  }
0xeb: {  	[sflag:s26] =	ssyncset.done $0x0  }
0xec: {  	[sflag:s26] =	ssyncadd.s32 $0xFFFF3800  }
0xed: {  	[tilespmem:s22], [sflag:$0x2] =	stream.indirect.gather [hbm4b:s6+s20], $0x40, s20, s20, $0xb8;
	[tilespmem:$0x19640] =	vst v63  }
0xee: {  	_ =	swait.ge [sflag:s23], $0xC800  }
0xef: {  	[sflag:s23] =	ssyncset.done $0x0  }
0xf0: {  	s29 =	simm.s32 $0x6C0;
	[sflag:s23] =	ssyncadd.s32 $0xFFFF3800  }
0xf1: {  	v0 =	vld [tilespmem:s29+$0xFFFFFF80]  }
0xf2: {  	v1 =	vld [tilespmem:s29+$0xFFFFFF90]  }
0xf3: {  	v2 =	vld [tilespmem:s29+$0xFFFFFFA0]  }
0xf4: {  	v3 =	vld [tilespmem:s29+$0xFFFFFFB0]  }
0xf5: {  	v4 =	vld [tilespmem:s29+$0xFFFFFFC0]  }
0xf6: {  	v5 =	vld [tilespmem:s29+$0xFFFFFFD0];
	v0 =	vmul.f32 $8.000000000e+00, v0  }
0xf7: {  	v6 =	vld [tilespmem:s29+$0xFFFFFFE0];
	v1 =	vmul.f32 $8.000000000e+00, v1  }
0xf8: {  	[tilespmem:s29+$0xFFFFFF80] =	vst v0;
	v0 =	vmul.f32 $8.000000000e+00, v2;
	v2 =	vld [tilespmem:s29+$0x0]  }
0xf9: {  	[tilespmem:s29+$0xFFFFFF90] =	vst v1;
	v1 =	vmul.f32 $8.000000000e+00, v3;
	v3 =	vld [tilespmem:s29+$0x10]  }
0xfa: {  	[tilespmem:s29+$0xFFFFFFA0] =	vst v0;
	v0 =	vmul.f32 $8.000000000e+00, v4;
	v4 =	vld [tilespmem:s29+$0x20]  }
0xfb: {  	v7 =	vld [tilespmem:s29+$0x30];
	[tilespmem:s29+$0xFFFFFFB0] =	vst v1;
	v1 =	vmul.f32 $8.000000000e+00, v5  }
0xfc: {  	v5 =	vmul.f32 $8.000000000e+00, v6;
	[tilespmem:s29+$0xFFFFFFC0] =	vst v0;
	v0 =	vld [tilespmem:s29+$0x40]  }
0xfd: {  	[tilespmem:s29+$0xFFFFFFD0] =	vst v1;
	v1 =	vld [tilespmem:s29+$0x50];
	v2 =	vmul.f32 $8.000000000e+00, v2  }
0xfe: {  	[tilespmem:s29+$0xFFFFFFE0] =	vst v5;
	v6 =	vmul.f32 $8.000000000e+00, v3;
	v3 =	vld [tilespmem:s29+$0x60]  }
0xff: {  	[tilespmem:s29+$0x0] =	vst v2;
	v5 =	vmul.f32 $8.000000000e+00, v4;
	v4 =	vld [tilespmem:s29+$0x70]  }
0x100: {  	s1 =	simm.s32 $0x0;
	s0 =	simm.s32 $0x7C0;
	v2 =	vld [tilespmem:s29+$0xFFFFFFF0];
	[tilespmem:s29+$0x10] =	vst v6;
	v6 =	vmul.f32 $8.000000000e+00, v7  }
.LBB2_12:
0x101: {  	v7 =	vld [tilespmem:s0+$0xFFFFFF80];
	[tilespmem:s29+$0x20] =	vst v5;
	v0 =	vmul.f32 $8.000000000e+00, v0  }
0x102: {  	v5 =	vld [tilespmem:s0+$0xFFFFFF90];
	[tilespmem:s29+$0x30] =	vst v6;
	v1 =	vmul.f32 $8.000000000e+00, v1  }
0x103: {  	v6 =	vld [tilespmem:s0+$0xFFFFFFA0];
	[tilespmem:s29+$0x40] =	vst v0;
	v0 =	vmul.f32 $8.000000000e+00, v3  }
0x104: {  	v3 =	vld [tilespmem:s0+$0xFFFFFFB0];
	[tilespmem:s29+$0x50] =	vst v1;
	v1 =	vmul.f32 $8.000000000e+00, v4  }
0x105: {  	v4 =	vld [tilespmem:s0+$0xFFFFFFC0];
	v2 =	vmul.f32 $8.000000000e+00, v2;
	[tilespmem:s29+$0x60] =	vst v0  }
0x106: {  	v0 =	vmul.f32 $8.000000000e+00, v7;
	v7 =	vld [tilespmem:s0+$0xFFFFFFD0];
	[tilespmem:s29+$0x70] =	vst v1  }
0x107: {  	v1 =	vmul.f32 $8.000000000e+00, v5;
	v5 =	vld [tilespmem:s0+$0xFFFFFFE0];
	[tilespmem:s29+$0xFFFFFFF0] =	vst v2;
	s29 =	smov.u32 s0  }
0x108: {  	[tilespmem:s0+$0xFFFFFF80] =	vst v0;
	v0 =	vmul.f32 $8.000000000e+00, v6;
	v2 =	vld [tilespmem:s0+$0x0]  }
0x109: {  	[tilespmem:s0+$0xFFFFFF90] =	vst v1;
	v1 =	vmul.f32 $8.000000000e+00, v3;
	v3 =	vld [tilespmem:s0+$0x10]  }
0x10a: {  	s1 =	sadd.s32 $0x4, s1;
	[tilespmem:s0+$0xFFFFFFA0] =	vst v0;
	v0 =	vmul.f32 $8.000000000e+00, v4;
	v4 =	vld [tilespmem:s0+$0x20]  }
0x10b: {  	p0 =	slt.u32 s1, $0x31C;
	[tilespmem:s0+$0xFFFFFFB0] =	vst v1;
	v1 =	vmul.f32 $8.000000000e+00, v7;
	v6 =	vld [tilespmem:s0+$0x30]  }
.Ltmp5:
0x10c: {  	[tilespmem:s0+$0xFFFFFFC0] =	vst v0;
	v5 =	vmul.f32 $8.000000000e+00, v5;
	v0 =	vld [tilespmem:s0+$0x40];
	(pc) =	sbr.rel @p0 .LBB2_12-.Ltmp5, $4  }
0x10d: {  	[tilespmem:s0+$0xFFFFFFD0] =	vst v1;
	v2 =	vmul.f32 $8.000000000e+00, v2;
	v1 =	vld [tilespmem:s0+$0x50]  }
0x10e: {  	[tilespmem:s0+$0xFFFFFFE0] =	vst v5;
	v7 =	vmul.f32 $8.000000000e+00, v3;
	v3 =	vld [tilespmem:s0+$0x60]  }
0x10f: {  	[tilespmem:s0+$0x0] =	vst v2;
	v5 =	vmul.f32 $8.000000000e+00, v4;
	v4 =	vld [tilespmem:s0+$0x70]  }
0x110: {  	s0 =	sadd.s32 $0x100, s0;
	v2 =	vld [tilespmem:s29+$0xFFFFFFF0];
	[tilespmem:s29+$0x10] =	vst v7;
	v6 =	vmul.f32 $8.000000000e+00, v6  }
0x111: {  	[tilespmem:s29+$0x20] =	vst v5;
	v0 =	vmul.f32 $8.000000000e+00, v0  }
0x112: {  	[tilespmem:s29+$0x30] =	vst v6;
	v1 =	vmul.f32 $8.000000000e+00, v1  }
0x113: {  	[tilespmem:s29+$0x40] =	vst v0;
	v0 =	vmul.f32 $8.000000000e+00, v3  }
0x114: {  	[tilespmem:s29+$0x50] =	vst v1;
	v1 =	vmul.f32 $8.000000000e+00, v4  }
0x115: {  	v2 =	vmul.f32 $8.000000000e+00, v2;
	[tilespmem:s29+$0x60] =	vst v0  }
0x116: {  	[tilespmem:s29+$0x70] =	vst v1  }
0x117: {  	[tilespmem:s29+$0xFFFFFFF0] =	vst v2  }
0x118: {  	[hbm4b:s16+s3] =	stream.linear.scatter [tilespmem:s21], [sflag:$0x3], $0xC800, $0x38;
	[tilespmem:$0x19640] =	vst v63  }
0x119: {  	_ =	swait.ge [sflag:s25], $0xC800  }
0x11a: {  	[sflag:s25] =	ssyncset.done $0x0  }
0x11b: {  	s29 =	simm.s32 $0xCE40;
	[sflag:s25] =	ssyncadd.s32 $0xFFFF3800  }
0x11c: {  	v1 =	vld [tilespmem:s29+$0xA0]  }
0x11d: {  	v2 =	vld [tilespmem:s29+$0x40]  }
0x11e: {  	v3 =	vld [tilespmem:s29+$0xE0]  }
0x11f: {  	v4 =	vld [tilespmem:s29+$0xD0]  }
0x120: {  	v5 =	vld [tilespmem:s29+$0x20]  }
0x121: {  	v0 =	vld [tilespmem:s29+$0x90]  }
0x122: {  	v8 =	vld [tilespmem:s29+$0xC0]  }
0x123: {  	v7 =	vld [tilespmem:s29+$0x10]  }
0x124: {  	v9 =	vld [tilespmem:s29+$0x0];
	v1 =	vmul.f32 $8.000000000e+00, v1  }
0x125: {  	v11 =	vld [tilespmem:s29+$0x50];
	v4 =	vmul.f32 $8.000000000e+00, v4  }
0x126: {  	v10 =	vld [tilespmem:s29+$0xB0];
	v12 =	vmul.f32 $8.000000000e+00, v5;
	[tilespmem:s29+$0xA0] =	vst v1  }
0x127: {  	v6 =	vld [tilespmem:s29+$0xF0];
	v13 =	vmul.f32 $8.000000000e+00, v8;
	[tilespmem:s29+$0xD0] =	vst v4  }
0x128: {  	v1 =	vmul.f32 $8.000000000e+00, v2;
	v2 =	vmul.f32 $8.000000000e+00, v3;
	v3 =	vld [tilespmem:s29+$0x80];
	[tilespmem:s29+$0x20] =	vst v12  }
0x129: {  	v4 =	vld [tilespmem:s29+$0x70];
	[tilespmem:s29+$0xC0] =	vst v13  }
0x12a: {  	v8 =	vmul.f32 $8.000000000e+00, v9;
	v5 =	vld [tilespmem:s29+$0x60];
	v9 =	vmul.f32 $8.000000000e+00, v11;
	[tilespmem:s29+$0x40] =	vst v1  }
0x12b: {  	s1 =	simm.s32 $0x0;
	s0 =	simm.s32 $0xCF40;
	[tilespmem:s29+$0xE0] =	vst v2;
	v1 =	vmul.f32 $8.000000000e+00, v7;
	v7 =	vld [tilespmem:s29+$0x30];
	v2 =	vmul.f32 $8.000000000e+00, v10  }
.LBB2_14:
0x12c: {  	v10 =	vld [tilespmem:s0+$0xA0];
	s1 =	sadd.s32 $0x4, s1;
	[tilespmem:s29+$0x0] =	vst v8;
	v0 =	vmul.f32 $8.000000000e+00, v0;
	v6 =	vmul.f32 $8.000000000e+00, v6  }
0x12d: {  	v8 =	vld [tilespmem:s0+$0x40];
	p0 =	slt.u32 s1, $0x31C;
	[tilespmem:s29+$0x50] =	vst v9;
	v3 =	vmul.f32 $8.000000000e+00, v3  }
0x12e: {  	v9 =	vld [tilespmem:s0+$0xE0];
	v4 =	vmul.f32 $8.000000000e+00, v4;
	[tilespmem:s29+$0xF0] =	vst v6  }
0x12f: {  	v11 =	vld [tilespmem:s0+$0x20];
	v5 =	vmul.f32 $8.000000000e+00, v5;
	[tilespmem:s29+$0x80] =	vst v3  }
0x130: {  	v3 =	vld [tilespmem:s0+$0xD0];
	v6 =	vmul.f32 $8.000000000e+00, v7;
	[tilespmem:s29+$0x90] =	vst v0  }
0x131: {  	v0 =	vld [tilespmem:s0+$0x90];
	v7 =	vmul.f32 $8.000000000e+00, v10;
	[tilespmem:s29+$0x10] =	vst v1  }
0x132: {  	v1 =	vld [tilespmem:s0+$0x10];
	[tilespmem:s29+$0x30] =	vst v6  }
0x133: {  	v10 =	vld [tilespmem:s0+$0xC0];
	v9 =	vmul.f32 $8.000000000e+00, v9;
	[tilespmem:s29+$0xB0] =	vst v2  }
0x134: {  	v2 =	vld [tilespmem:s0+$0x0];
	[tilespmem:s29+$0x70] =	vst v4  }
0x135: {  	v12 =	vld [tilespmem:s0+$0xB0];
	v3 =	vmul.f32 $8.000000000e+00, v3;
	[tilespmem:s29+$0x60] =	vst v5;
	s29 =	smov.u32 s0  }
0x136: {  	v13 =	vld [tilespmem:s0+$0x50];
	[tilespmem:s0+$0xA0] =	vst v7  }
.Ltmp6:
0x137: {  	v4 =	vmul.f32 $8.000000000e+00, v8;
	[tilespmem:s0+$0xD0] =	vst v3;
	v6 =	vld [tilespmem:s0+$0xF0];
	(pc) =	sbr.rel @p0 .LBB2_14-.Ltmp6, $4  }
0x138: {  	v3 =	vld [tilespmem:s0+$0x80];
	v7 =	vmul.f32 $8.000000000e+00, v10;
	[tilespmem:s0+$0xE0] =	vst v9  }
0x139: {  	v9 =	vmul.f32 $8.000000000e+00, v11;
	[tilespmem:s0+$0x40] =	vst v4;
	v4 =	vld [tilespmem:s0+$0x70]  }
0x13a: {  	v1 =	vmul.f32 $8.000000000e+00, v1;
	v8 =	vmul.f32 $8.000000000e+00, v2;
	v5 =	vld [tilespmem:s0+$0x60];
	[tilespmem:s0+$0xC0] =	vst v7  }
0x13b: {  	v2 =	vmul.f32 $8.000000000e+00, v12;
	s0 =	sadd.s32 $0x100, s0;
	[tilespmem:s29+$0x20] =	vst v9;
	v7 =	vld [tilespmem:s29+$0x30];
	v9 =	vmul.f32 $8.000000000e+00, v13  }
0x13c: {  	[tilespmem:s29+$0x0] =	vst v8  }
0x13d: {  	[tilespmem:s29+$0x10] =	vst v1  }
0x13e: {  	v6 =	vmul.f32 $8.000000000e+00, v6;
	[tilespmem:s29+$0x50] =	vst v9  }
0x13f: {  	v0 =	vmul.f32 $8.000000000e+00, v0;
	[tilespmem:s29+$0xB0] =	vst v2  }
0x140: {  	v3 =	vmul.f32 $8.000000000e+00, v3;
	[tilespmem:s29+$0xF0] =	vst v6  }
0x141: {  	[tilespmem:s29+$0x90] =	vst v0;
	v62 =	vmul.f32 $8.000000000e+00, v4  }
0x142: {  	[tilespmem:s29+$0x80] =	vst v3;
	v63 =	vmul.f32 $8.000000000e+00, v5  }
0x143: {  	v61 =	vmul.f32 $8.000000000e+00, v7;
	[tilespmem:s29+$0x70] =	vst v62  }
0x144: {  	[tilespmem:s29+$0x60] =	vst v63  }
0x145: {  	s28 =	sadd.s32 $0x1, s28;
	[tilespmem:s29+$0x30] =	vst v61  }
0x146: {  	[hbm4b:s17+s3] =	stream.linear.scatter [tilespmem:s22], [sflag:$0x4], $0xC800, $0x38;
	[tilespmem:$0x19640] =	vst v63  }
0x147: {  	p0 =	sne.s32 s28, s18;
	_ =	swait.ge [sflag:s24], $0xC800  }
.Ltmp7:
0x148: {  	[sflag:s24] =	ssyncset.done $0x0;
	(pc) =	sbr.rel @p0 .LBB2_1-.Ltmp7, $4  }
0x149: {  	[sflag:s24] =	ssyncadd.s32 $0xFFFF3800  }
0x14a: {  	_ =	swait.ge [sflag:s26], $0xC800  }
0x14b: {  	[sflag:s26] =	ssyncset.done $0x0  }
0x14c: {  	[sflag:s26] =	ssyncadd.s32 $0xFFFF3800  }
0x14d: {  	_ =	sfence.sel $0x180000  }
0x14e: {  	[bflag:$0x0] =	sbarrier.arrive $0xFFFF  }
0x14f: {  	_ =	strace $0x90000047  }
0x150: {  	s0 =	stileid.u32;
	[bflag:$0x2] =	sbarrier.arrive $0xFFFF  }
0x151: {  	p0 =	sne.s32 s0, $0x0;
	s0 =	rddreg [dreg:$0x2]  }
0x152: {  	s0 =	sadd.s32 @!p0 $0x100000, s0  }
0x153: {  	[sflag:s0] =	ssyncadd.tile.s32 @!p0 $0x1;
	_ =	shalt  }
.Lfunc_end2:
_tile_overlayer_lowered:
.L_overlay_start_2:
0x154: {  	(tag) =	ssettag $0x2  }
0x155: {  	s0 =	rddreg [dreg:$0x0];
	s2 =	stileid.u32  }
0x156: {  	s1 =	rddreg [dreg:$0x1];
	p0 =	sne.s32 s2, $0x0  }
0x157: {  	s3 =	rddreg [dreg:$0x2];
	[bflag:$0x3] =	sbarrier.arrive $0xFFFF;
	s2 =	simm.s32 @!p0 $0x1C05  }
0x158: {  	[timem:s3], [sflag:s2] =	dma.local @!p0 [hbm:s0], s1  }
0x159: {  	s0 =	simm.s32 @!p0 $0x5  }
0x15a: {  	_ =	swait.ge @!p0 [sflag:s0], s1  }
0x15b: {  	s1 =	ssub.s32 @!p0 $0x0, s1;
	[sflag:s0] =	ssyncset.done @!p0 $0x0  }
0x15c: {  	[sflag:s0] =	ssyncadd.s32 @!p0 s1  }
0x15d: {  	[bflag:$0x3] =	sbarrier.arrive $0xFFFF  }
0x15e: {  	_ =	shalt  }

// kernel: sparse-core-data-format-call.cloned.1.call-start
scs
called_computation_lowered:
.L_overlay_start_0:
0x0: {  	s2 =	sld [smem:$0x3FD9]  }
0x1: {  	s3 =	sld [smem:$0x3FFE];
	_ =	sdelay $0x1  }
0x2: {  	s1 =	srdreg.scid  }
0x3: {  	s0 =	sand.u32 $0x1, s1  }
0x4: {  	s18 =	sshll.u32 s0, $0xA;
	s2 =	sadd.s32 s3, s2  }
0x5: {  	s2 =	sadd.s32 s2, s18  }
0x6: {  	[smem:$0x3FC6] =	sst s2  }
0x7: {  	_ = 	snop  }
0x8: {  	s2 =	sld [smem:$0x3FD0];
	(tm) =	ssettm $0x1  }
0x9: {  	s19 =	sld [smem:$0x3FFB];
	_ =	sdelay $0x3  }
0xa: {  	_ =	strace s19  }
0xb: {  	s3 =	sld [smem:$0x3FFC];
	_ =	sdelay $0x3  }
0xc: {  	_ =	strace s3  }
0xd: {  	s3 =	sld [smem:$0x3FFD];
	_ =	sdelay $0x3  }
0xe: {  	_ =	strace s3  }
0xf: {  	_ =	strace $0x8FFFFFFF  }
0x10: {  	s20 =	sld [smem:$0x3FDB];
	_ =	sdelay $0x1  }
0x11: {  	s4 =	simm.s32 $_scs_section_size  }
0x12: {  	s5 =	simm.s32 $_size__tile_overlayer_lowered;
	s6 =	simm.s32 $_tile_overlayer_lowered  }
0x13: {  	s23 =	simm.s32 $0x1BFF;
	s22 =	sshll.u32 s6, $0x1;
	s3 =	sadd.s32 s4, s20  }
0x14: {  	s7 =	simm.s32 $0x0;
	s21 =	sshll.u32 s5, $0x1;
	s5 =	sadd.s32 s22, s3  }
0x15: {  	[timem:s7], [sflag:s23] =	dma.local [hbm:s5], s21  }
0x16: {  	_ =	swait.ge [sflag:s23], s21  }
0x17: {  	s4 =	ssub.s32 $0x0, s21;
	[sflag:s23] =	ssyncset.done $0x0  }
0x18: {  	[sflag:s23] =	ssyncadd.s32 s4;
	_ =	sdelay $0x1  }
0x19: {  	s24 =	simm.s32 $0x1B8B  }
0x1a: {  	_ =	swait.ge [sflag:s24], $0x1  }
0x1b: {  	[sflag:s24] =	ssyncset.done $0x0  }
0x1c: {  	s26 =	simm.s32 $0x1B8E;
	s25 =	sld [smem:$0x3FFE];
	[sflag:s24] =	ssyncadd.s32 $0xFFFFFFFF  }
0x1d: {  	s27 =	simm.s32 $execute0_lowered;
	[smem:$0x3FD2] =	sst s26  }
0x1e: {  	s5 =	sshll.u32 s27, $0x1;
	_ =	strace $0x80000049;
	[dreg:$0x1] =	wrdreg $0xFFFFFFFF  }
0x1f: {  	s28 =	simm.s32 $_size_execute0_lowered;
	s3 =	sadd.s32 s3, s5;
	[dreg:$0x0] =	wrdreg $0x0  }
0x20: {  	s5 =	sshll.u32 s28, $0x1;
	[dreg:$0x2] =	wrdreg s3  }
0x21: {  	[dreg:$0x3] =	wrdreg s5  }
0x22: {  	[dreg:$0x4] =	wrdreg $0xC0  }
0x23: {  	_ =	task [dreg:s7], $0x5FFFF  }
0x24: {  	[dreg:$0x1] =	wrdreg $0xFFFFFFFF  }
0x25: {  	[dreg:$0x0] =	wrdreg $0x60  }
0x26: {  	[dreg:$0x2] =	wrdreg s25  }
0x27: {  	[dreg:$0x3] =	wrdreg s2  }
0x28: {  	[dreg:$0x4] =	wrdreg $0x9  }
0x29: {  	_ =	task.clear_ibuf [dreg:s7], $0x5FFFF;
	_ =	strace $0x90000049  }
0x2a: {  	s29 =	simm.s32 $0x9;
	_ =	strace $0x8000004B  }
0x2b: {  	_ =	swait.ge [sflag:s29], $0x1  }
0x2c: {  	[sflag:s29] =	ssyncadd.s32 $0xFFFFFFFF  }
0x2d: {  	_ =	strace $0x9000004B  }
0x2e: {  	_ =	sfence  }
0x2f: {  	s30 =	sld [smem:$0x0];
	_ =	sdelay $0x2  }
0x30: {  	s31 =	sshll.u32 s1, $0xD;
	s1 =	sshrl.u32 s1, $0x2  }
0x31: {  	s3 =	sand.u32 $0x4000, s31;
	s1 =	sadd.s32 s1, s30  }
0x32: {  	s0 =	sor.u32 s3, s0;
	s1 =	sshll.u32 s1, $0x11  }
0x33: {  	s0 =	sor.u32 s1, s0  }
0x34: {  	s0 =	sadd.s32 $0x8F2B, s0  }
0x35: {  	[sflag:s0] =	ssyncadd.remote.s32 $0x1  }
0x36: {  	_ =	sfence.sel $0xFFFF  }
0x37: {  	[dreg:$0x0] =	wrdreg $0xFFFFFFFF;
	(pc) =	sbr.abs _section_cstart, $3  }
0x38: {  	[dreg:$0x1] =	wrdreg $0xFFFFFFFF  }
0x39: {  	_ =	task.clear_ibuf [dreg:s7], $0x2FFFF;
	_ =	strace $0x9FFFFFFF  }
0x3a: {  	(tm) =	ssettm $0x7FFFFFFF  }
0x3b: {  	_ =	shalt  }
tec
execute0_lowered:
.L_overlay_start_1:
0x0: {  	(tag) =	ssettag $0x1  }
0x1: {  	s0 =	srdreg.scid  }
0x2: {  	s1 =	sshll.u32 s0, $0x4  }
0x3: {  	s0 =	stileid.u32;
	s1 =	sand.u32 $0x10, s1  }
0x4: {  	s1 =	sor.u32 s0, s1  }
0x5: {  	s6 =	rddreg [dreg:$0x0];
	s4 =	simm.s32 $0x1;
	s2 =	sshll.u32 s1, $0x7  }
0x6: {  	s7 =	simm.s32 $0x2;
	s12 =	simm.s32 $0x0;
	s1 =	ssub.s32 $0x1000, s2  }
0x7: {  	s8 =	simm.s32 $0x8000;
	s13 =	simm.s32 $0x0;
	s3 =	sand.u32 $0xF80, s1  }
0x8: {  	s9 =	simm.s32 $0x0;
	s5 =	sshrl.u32 s1, $0xC;
	p0 =	sne.s32 s3, $0x0  }
.Ltmp0:
0x9: {  	s1 =	rddreg [dreg:$0x2];
	s4 =	simm.s32 @!p0 $0x0;
	(pc) =	sbr.rel .LBB1_1-.Ltmp0, $4  }
0xa: {  	s11 =	simm.s32 $0x0;
	s3 =	rddreg [dreg:$0x1];
	s5 =	sadd.s32 s4, s5  }
0xb: {  	_ =	strace $0x8000004A;
	s4 =	simm.s32 $0x1;
	s5 =	smul.u32 $0xC8, s5  }
0xc: {  	s6 =	sadd.s32 $0xA00, s6;
	s10 =	smov.u32 s2;
	[sflag:s4] =	ssyncpa.u1 $0x0  }
0xd: {  	p0 =	por $0x0, $0x0;
	[sflag:s7] =	ssyncpa.u1 $0x0;
	s7 =	sor.u32 $0x1, s5  }
.LBB1_4:
0xe: {  	s16 =	sshll.u32 s13, $0x3;
	s17 =	sand.u32 $0x78, s13  }
0xf: {  	s30 =	sand.u32 $0x7E00, s13;
	s12 =	sshll.u32 s12, $0xF;
	s16 =	sand.u32 $0xC00, s16  }
0x10: {  	[tilespmem:s15+$0x810 ss:$0x81] =	vst.msk $0xffff, v2;
	s31 =	sand.u32 $0x7, s13;
	s16 =	sor.u32 s17, s16;
	s17 =	sadd.s32 s3, s30  }
0x11: {  	[tilespmem:s15+$0x1020 ss:$0x81] =	vst.msk $0xffff, v0;
	s13 =	sshll.u32 s31, $0x12;
	s12 =	sadd.s32 s12, s17;
	s16 =	sshrl.u32 s16, $0x3  }
0x12: {  	[tilespmem:s15+$0x0 ss:$0x81] =	vst.msk $0xffff, v1;
	s13 =	sor.u32 $0x400, s13;
	s12 =	sadd.s32 s16, s12  }
0x13: {  	[hbm4b:s12+s13] =	stream.strided.scatter [tilespmem:s14], [sflag:$0x2], $0x2000, s8, s13, $0x20;
	[tilespmem:$0x8080] =	vst v63  }
.LBB1_5:
0x14: {  	s14 =	sadd.s32 $0x1, s9  }
0x15: {  	s12 =	sadd.s32 $0x1000, s10;
	s16 =	smov.u32 s10;
	p2 =	sgt.s32 s14, $0xC7  }
0x16: {  	s16 =	smov.u32 @p2 s12  }
0x17: {  	s14 =	simm.s32 @p2 $0x0;
	p2 =	sgt.s32 s16, $0xFFF  }
0x18: {  	s16 =	smov.u32 @p2 s2;
	p2 =	sne.s32 s11, s7  }
.Ltmp1:
0x19: {  	p1 =	slt.u32 s11, $0x2;
	(pc) =	sbr.rel @!p2 .LBB1_6-.Ltmp1, $4  }
0x1a: {  	s15 =	simm.s32 @!p1 $0x2  }
0x1b: {  	s13 =	smov.u32 s10;
	p0 =	por !p0, !p0;
	_ =	swait.ge @!p1 [sflag:s15], $0x2000  }
0x1c: {  	s12 =	smov.u32 s9;
	[sflag:s15] =	ssyncset.done @!p1 $0x0;
	s9 =	smov.u32 s14  }
0x1d: {  	s11 =	sadd.s32 $0x1, s11;
	[sflag:s15] =	ssyncadd.s32 @!p1 $0xFFFFE000;
	s10 =	smov.u32 s16  }
.LBB1_1:
0x1e: {  	p1 =	sge.u32 s11, s5  }
0x1f: {  	s14 =	sand.u32 @!p1 $0x1FFFFFF, s9  }
0x20: {  	s15 =	smulhi.u32 @!p1 $0x147AE15, s14;
	_ =	sdelay $0x1  }
0x21: {  	s15 =	smul.u32 @!p1 $0xC8, s15  }
0x22: {  	s16 =	sxor.u32 @!p1 $0xFFFFFFFF, s11;
	s17 =	smul.u32 @!p1 $0xC80, s10  }
0x23: {  	s31 =	sadd.s32 $0xFFFFFFFF, s11;
	s16 =	sshll.u32 @!p1 s16, $0xD;
	s14 =	ssub.s32 @!p1 s14, s15  }
0x24: {  	s15 =	sand.u32 @!p1 $0x2000, s16;
	s16 =	sadd.s32 @!p1 s6, s17;
	s14 =	sshll.u32 @!p1 s14, $0x4  }
0x25: {  	s17 =	simm.s32 @!p1 $0x6400;
	s14 =	sadd.s32 @!p1 s14, s16;
	s16 =	simm.s32 @!p1 $0x40  }
0x26: {  	[tilespmem:s15], [sflag:$0x1] =	stream.strided.gather @!p1 [hbm4b:s14+s16], $0x2000, s17, s16, $0x38;
	[tilespmem:$0x8080] =	vst v63  }
0x27: {  	p1 =	sge.u32 s31, s5  }
.Ltmp2:
0x28: {  	_ = 	snop;
	(pc) =	sbr.rel @p1 .LBB1_5-.Ltmp2, $1  }
0x29: {  	_ =	sdelay $0x3  }
0x2a: {  	s14 =	simm.s32 $0x1  }
0x2b: {  	_ =	swait.ge [sflag:s4], $0x2000;
	s14 =	simm.s32 @!p0 $0x0  }
0x2c: {  	[sflag:s4] =	ssyncset.done $0x0;
	s15 =	sshll.u32 s14, $0xD  }
0x2d: {  	[sflag:s4] =	ssyncadd.s32 $0xFFFFE000;
	s18 =	sor.u32 $0x20, s15  }
0x2e: {  	s14 =	smul.u32 $0x8100, s14;
	v3 =	vld [tilespmem:s18+$0x10]  }
0x2f: {  	s30 =	sand.u32 $0x1, s11;
	v2 =	vld [tilespmem:s18+$0xFFFFFFF0]  }
0x30: {  	s15 =	smul.u32 $0x8100, s30;
	s14 =	sshrl.u32 s14, $0x2;
	v0 =	vld [tilespmem:s18+$0x0]  }
0x31: {  	v1 =	vld [tilespmem:s18+$0xFFFFFFE0];
	s16 =	sor.u32 $0x4000, s14  }
0x32: {  	s31 =	sshrl.u32 s15, $0x2;
	s15 =	sadd.s32 $0x0, s16  }
0x33: {  	s17 =	simm.s32 $0x4;
	s18 =	sadd.s32 $0x40, s18;
	s14 =	sor.u32 $0x4000, s31;
	[tilespmem:s15+$0x1830 ss:$0x81] =	vst.msk $0xffff, v3  }
.LBB1_3:
0x34: {  	v3 =	vld [tilespmem:s18+$0x10];
	p1 =	sne.s32 s17, $0x1FC;
	[tilespmem:s15+$0x810 ss:$0x81] =	vst.msk $0xffff, v2;
	s19 =	smov.u32 s17;
	s17 =	sadd.s32 $0x4, s17  }
.Ltmp3:
0x35: {  	v2 =	vld [tilespmem:s18+$0xFFFFFFF0];
	[tilespmem:s15+$0x1020 ss:$0x81] =	vst.msk $0xffff, v0;
	(pc) =	sbr.rel @p1 .LBB1_3-.Ltmp3, $4  }
0x36: {  	v0 =	vld [tilespmem:s18+$0x0];
	[tilespmem:s15+$0x0 ss:$0x81] =	vst.msk $0xffff, v1  }
0x37: {  	s15 =	sshra.s32 s19, $0x2;
	v1 =	vld [tilespmem:s18+$0xFFFFFFE0]  }
0x38: {  	s15 =	sadd.s32 s15, s16  }
0x39: {  	s18 =	sadd.s32 $0x40, s18;
	[tilespmem:s15+$0x1830 ss:$0x81] =	vst.msk $0xffff, v3  }
.Ltmp4:
0x3a: {  	_ = 	snop;
	(pc) =	sbr.rel .LBB1_4-.Ltmp4, $1  }
0x3b: {  	_ =	sdelay $0x3  }
.LBB1_6:
0x3c: {  	_ =	sfence.sel $0x180000  }
0x3d: {  	s2 =	simm.s32 $0x1;
	[bflag:$0x0] =	sbarrier.arrive $0xFFFF  }
0x3e: {  	s31 =	simm.s32 $0x2;
	[sflag:s2] =	ssyncpa.u1 $0x1  }
0x3f: {  	[sflag:s31] =	ssyncpa.u1 $0x1  }
0x40: {  	p0 =	sne.s32 s0, $0x0;
	_ =	strace $0x9000004A  }
0x41: {  	s0 =	sadd.s32 @!p0 $0x100000, s1;
	[bflag:$0x2] =	sbarrier.arrive $0xFFFF  }
0x42: {  	[sflag:s0] =	ssyncadd.tile.s32 @!p0 $0x1;
	_ =	shalt  }
.Lfunc_end1:
_tile_overlayer_lowered:
.L_overlay_start_2:
0x43: {  	(tag) =	ssettag $0x2  }
0x44: {  	s0 =	rddreg [dreg:$0x0];
	s2 =	stileid.u32  }
0x45: {  	s1 =	rddreg [dreg:$0x1];
	p0 =	sne.s32 s2, $0x0  }
0x46: {  	s3 =	rddreg [dreg:$0x2];
	[bflag:$0x3] =	sbarrier.arrive $0xFFFF;
	s2 =	simm.s32 @!p0 $0x1C01  }
0x47: {  	[timem:s3], [sflag:s2] =	dma.local @!p0 [hbm:s0], s1  }
0x48: {  	s0 =	simm.s32 @!p0 $0x1  }
0x49: {  	_ =	swait.ge @!p0 [sflag:s0], s1  }
0x4a: {  	s1 =	ssub.s32 @!p0 $0x0, s1;
	[sflag:s0] =	ssyncset.done @!p0 $0x0  }
0x4b: {  	[sflag:s0] =	ssyncadd.s32 @!p0 s1  }
0x4c: {  	[bflag:$0x3] =	sbarrier.arrive $0xFFFF  }
0x4d: {  	_ =	shalt  }

</sc_bundles>
